<compile_context>
chip_gen: v7x
topology: tpu7x:2x2x1
jax: 0.10.2.dev20260603
libtpu: 0.0.44.dev20260713+nightly
codegen_flags: <defaults>
</compile_context>

<pallas_src>
import functools
import math

import jax
import jax.numpy as jnp
from jax import lax
from jax.experimental import pallas as pl
from jax.experimental.pallas import tpu as pltpu
from jax.experimental.pallas import tpu_sc as plsc

D = 64
W = 128
SCALE = math.sqrt(D)
L = 16
NC = 2
NS = 16
NW = NC * NS
C = 128
NBUF = 3


def _make_emb_kernel(B: int):
    assert B % (NW * C) == 0
    b_per_w = B // NW
    n_chunks = b_per_w // C
    n_main = (n_chunks // NBUF) - 1
    n_peel = n_chunks - NBUF * n_main
    mesh = plsc.VectorSubcoreMesh(core_axis_name="c", subcore_axis_name="s")

    @functools.partial(
        pl.kernel,
        out_type=jax.ShapeDtypeStruct((B, W), jnp.float32),
        mesh=mesh,
        compiler_params=pltpu.CompilerParams(use_tc_tiling_on_sc=False),
        scratch_types=(
            [pltpu.VMEM((b_per_w,), jnp.int32)]
            + [pltpu.VMEM((C, W), jnp.float32) for _ in range(2 * NBUF)]
            + [pltpu.SemaphoreType.DMA for _ in range(2 * NBUF)]
        ),
    )
    def emb_kernel(x_hbm, lut_hbm, out_hbm, idx_v, *scratch):
        rows_in = scratch[0:NBUF]
        rows_out = scratch[NBUF:2 * NBUF]
        gsem = scratch[2 * NBUF:3 * NBUF]
        ssem = scratch[3 * NBUF:4 * NBUF]

        wid = lax.axis_index("s") * NC + lax.axis_index("c")
        base = wid * b_per_w

        pltpu.sync_copy(x_hbm.at[pl.ds(base, b_per_w)], idx_v)

        def gather_copy(t, b):
            return pltpu.make_async_copy(
                lut_hbm.at[idx_v.at[pl.ds(t * C, C)]], rows_in[b], gsem[b])

        def store_copy(t, b):
            return pltpu.make_async_copy(
                rows_out[b], out_hbm.at[pl.ds(base + t * C, C)], ssem[b])

        def scale_chunk(b):
            def scale_rows(i, _):
                for u in range(4):
                    r = i * 4 + u
                    for c in range(D // L):
                        sl = pl.ds(c * L, L)
                        rows_out[b][r, sl] = rows_in[b][r, sl] * SCALE
                return 0

            lax.fori_loop(0, C // 4, scale_rows, 0)

        for b in range(NBUF):
            gather_copy(b, b).start()

        def step(s, _):
            for b in range(NBUF):
                t = s * NBUF + b
                gather_copy(t, b).wait()

                @pl.when(s > 0)
                def _():
                    store_copy(t - NBUF, b).wait()

                scale_chunk(b)
                store_copy(t, b).start()
                gather_copy(t + NBUF, b).start()
            return 0

        lax.fori_loop(0, n_main, step, 0)

        for p in range(n_peel):
            t = NBUF * n_main + p
            b = t % NBUF
            gather_copy(t, b).wait()
            if t - NBUF >= 0:
                store_copy(t - NBUF, b).wait()
            scale_chunk(b)
            store_copy(t, b).start()
            if t + NBUF < n_chunks:
                gather_copy(t + NBUF, b).start()

        for t in range(n_chunks - NBUF, n_chunks):
            store_copy(t, t % NBUF).wait()

    return emb_kernel


def kernel(x, lut):
    NB, T = x.shape
    B = NB * T
    lutp = jnp.pad(lut, ((0, 0), (0, W - D)))
    out = _make_emb_kernel(B)(x.reshape(B).astype(jnp.int32), lutp)
    return out[:, :D].reshape(NB, T, D)

# --- scband reference (transcript-rebuilt; emitter-appended) ---
"""Pipeline reference for scband-embedding-6107443495291 (READ-ONLY COPY).

The authoritative reference and input builder live on the scoring server;
editing this copy changes nothing except your own understanding.
"""

import math
import jax, jax.numpy as jnp
import numpy as np

VOCAB = 1000000
D_MODEL = 64

def setup_inputs(seed: int = 0) -> dict:
    key = jax.random.key(seed)
    k1, k2 = jax.random.split(key)
    x = jax.random.randint(k1, (4096, 200), 0, VOCAB, dtype=jnp.int64) if jax.config.jax_enable_x64 else jax.random.randint(k1, (4096, 200), 0, VOCAB, dtype=jnp.int32)
    lut = jax.random.normal(k2, (VOCAB, D_MODEL), dtype=jnp.float32)
    return {"x": x, "lut": lut}

def reference(x, lut):
    # Faithful translation of: self.lut(x) * math.sqrt(self.d_model)
    embedds = jnp.take(lut, x, axis=0)
    return embedds * math.sqrt(D_MODEL)

if __name__ == "__main__":
    import jax
    _d = setup_inputs()
    print(jax.jit(kernel)(*tuple(_d.values())))

</pallas_src>

<mosaic_0001>
#map = affine_map<(d0, d1) -> (0)>
#map1 = affine_map<(d0, d1) -> (0, 0)>
module attributes {stable_mosaic.version = 14 : i64} {
  func.func @emb_kernel(%arg0: i32, %arg1: i32, %arg2: memref<819200xi32, #tpu.memory_space<hbm>>, %arg3: memref<1000000x128xf32, #tpu.memory_space<hbm>>, %arg4: memref<819200x128xf32, #tpu.memory_space<hbm>>, %arg5: memref<25600xi32, #tpu.memory_space<vmem>>, %arg6: memref<128x128xf32, #tpu.memory_space<vmem>>, %arg7: memref<128x128xf32, #tpu.memory_space<vmem>>, %arg8: memref<128x128xf32, #tpu.memory_space<vmem>>, %arg9: memref<128x128xf32, #tpu.memory_space<vmem>>, %arg10: memref<128x128xf32, #tpu.memory_space<vmem>>, %arg11: memref<128x128xf32, #tpu.memory_space<vmem>>, %arg12: memref<!tpu.dma_semaphore, #tpu.memory_space<semaphore_mem>>, %arg13: memref<!tpu.dma_semaphore, #tpu.memory_space<semaphore_mem>>, %arg14: memref<!tpu.dma_semaphore, #tpu.memory_space<semaphore_mem>>, %arg15: memref<!tpu.dma_semaphore, #tpu.memory_space<semaphore_mem>>, %arg16: memref<!tpu.dma_semaphore, #tpu.memory_space<semaphore_mem>>, %arg17: memref<!tpu.dma_semaphore, #tpu.memory_space<semaphore_mem>>) attributes {dimension_semantics = [#tpu.dimension_semantics<core_parallel>, #tpu.dimension_semantics<subcore_parallel>], iteration_bounds = array<i64: 2, 16>, scalar_prefetch = 0 : i64, scratch_operands = 13 : i64, tpu.core_type = #tpu.core_type<sc_vector_subcore>, window_params = [{transform_indices = #map}, {transform_indices = #map1}, {transform_indices = #map1}]} {
    %mul3A = arith.constant 2 : i32
    %mul3A_0 = arith.muli %arg1, %mul3A : i32
    %add3A = arith.addi %mul3A_0, %arg0 : i32
    %mul3A_1 = arith.constant 25600 : i32
    %mul3A_2 = arith.muli %add3A, %mul3A_1 : i32
    "tpu.region"() ({
      %run_scoped3A = tpu.sem_alloc : memref<!tpu.dma_semaphore, #tpu.memory_space<semaphore_mem>>
      %dma_start3A_170 = tpu.memref_slice %arg2[%mul3A_2] : memref<819200xi32, #tpu.memory_space<hbm>> -> memref<25600xi32, #tpu.memory_space<hbm>>
      %dma_start3A_171 = tpu.memref_slice %arg2[%mul3A_2] : memref<819200xi32, #tpu.memory_space<hbm>> -> memref<25600xi32, #tpu.memory_space<hbm>>
      tpu.enqueue_dma source(%dma_start3A_171 : memref<25600xi32, #tpu.memory_space<hbm>>) target(%arg5 : memref<25600xi32, #tpu.memory_space<vmem>>) target_semaphore(%run_scoped3A : memref<!tpu.dma_semaphore, #tpu.memory_space<semaphore_mem>>)
      %dma_wait3A_172 = tpu.memref_slice %arg2[%mul3A_2] : memref<819200xi32, #tpu.memory_space<hbm>> -> memref<25600xi32, #tpu.memory_space<hbm>>
      %dma_wait3A_173 = tpu.memref_slice %arg2[%mul3A_2] : memref<819200xi32, #tpu.memory_space<hbm>> -> memref<25600xi32, #tpu.memory_space<hbm>>
      tpu.wait_dma2 semaphore(%run_scoped3A : memref<!tpu.dma_semaphore, #tpu.memory_space<semaphore_mem>>) src(%dma_wait3A_173 : memref<25600xi32, #tpu.memory_space<hbm>>) dst(%arg5 : memref<25600xi32, #tpu.memory_space<vmem>>)
      tpu.yield
    }) : () -> ()
    %dma_start3A = arith.constant 0 : i32
    %dma_start3A_3 = tpu.memref_slice %arg5[%dma_start3A] : memref<25600xi32, #tpu.memory_space<vmem>> -> memref<128xi32, #tpu.memory_space<vmem>>
    %dma_start3A_4 = arith.constant 0 : i32
    %dma_start3A_5 = arith.constant 0 : i32
    %dma_start3A_6 = tpu.memref_slice %arg3[%dma_start3A_4, %dma_start3A_5] : memref<1000000x128xf32, #tpu.memory_space<hbm>> -> memref<1000000x128xf32, #tpu.memory_space<hbm>>
    tpu.enqueue_indirect_dma source(%dma_start3A_6 : memref<1000000x128xf32, #tpu.memory_space<hbm>>) target(%arg6 : memref<128x128xf32, #tpu.memory_space<vmem>>) offsets(%dma_start3A_3 : memref<128xi32, #tpu.memory_space<vmem>>) semaphore(%arg12 : memref<!tpu.dma_semaphore, #tpu.memory_space<semaphore_mem>>)
    %dma_start3A_7 = arith.constant 128 : i32
    %dma_start3A_8 = tpu.memref_slice %arg5[%dma_start3A_7] : memref<25600xi32, #tpu.memory_space<vmem>> -> memref<128xi32, #tpu.memory_space<vmem>>
    %dma_start3A_9 = arith.constant 0 : i32
    %dma_start3A_10 = arith.constant 0 : i32
    %dma_start3A_11 = tpu.memref_slice %arg3[%dma_start3A_9, %dma_start3A_10] : memref<1000000x128xf32, #tpu.memory_space<hbm>> -> memref<1000000x128xf32, #tpu.memory_space<hbm>>
    tpu.enqueue_indirect_dma source(%dma_start3A_11 : memref<1000000x128xf32, #tpu.memory_space<hbm>>) target(%arg7 : memref<128x128xf32, #tpu.memory_space<vmem>>) offsets(%dma_start3A_8 : memref<128xi32, #tpu.memory_space<vmem>>) semaphore(%arg13 : memref<!tpu.dma_semaphore, #tpu.memory_space<semaphore_mem>>)
    %dma_start3A_12 = arith.constant 256 : i32
    %dma_start3A_13 = tpu.memref_slice %arg5[%dma_start3A_12] : memref<25600xi32, #tpu.memory_space<vmem>> -> memref<128xi32, #tpu.memory_space<vmem>>
    %dma_start3A_14 = arith.constant 0 : i32
    %dma_start3A_15 = arith.constant 0 : i32
    %dma_start3A_16 = tpu.memref_slice %arg3[%dma_start3A_14, %dma_start3A_15] : memref<1000000x128xf32, #tpu.memory_space<hbm>> -> memref<1000000x128xf32, #tpu.memory_space<hbm>>
    tpu.enqueue_indirect_dma source(%dma_start3A_16 : memref<1000000x128xf32, #tpu.memory_space<hbm>>) target(%arg8 : memref<128x128xf32, #tpu.memory_space<vmem>>) offsets(%dma_start3A_13 : memref<128xi32, #tpu.memory_space<vmem>>) semaphore(%arg14 : memref<!tpu.dma_semaphore, #tpu.memory_space<semaphore_mem>>)
    %scan3A = arith.constant 0 : i32
    %scan3A_17 = arith.constant 0 : i32
    %scan3A_18 = arith.constant 65 : i32
    %scan3A_19 = arith.addi %scan3A_17, %scan3A_18 : i32
    %scan3A_20 = arith.constant 1 : i32
    %scan3A_21 = scf.for %scan3A_170 = %scan3A_17 to %scan3A_19 step %scan3A_20 iter_args(%scan3A_171 = %scan3A) -> (i32)  : i32 {
      %mul3A_172 = arith.constant 3 : i32
      %mul3A_173 = arith.muli %scan3A_170, %mul3A_172 : i32
      %add3A_174 = arith.constant 0 : i32
      %add3A_175 = arith.addi %mul3A_173, %add3A_174 : i32
      %mul3A_176 = arith.constant 128 : i32
      %mul3A_177 = arith.muli %add3A_175, %mul3A_176 : i32
      %dma_wait3A_178 = tpu.memref_slice %arg5[%mul3A_177] : memref<25600xi32, #tpu.memory_space<vmem>> -> memref<128xi32, #tpu.memory_space<vmem>>
      %dma_wait3A_179 = arith.constant 0 : i32
      %dma_wait3A_180 = arith.constant 0 : i32
      %dma_wait3A_181 = tpu.memref_slice %arg3[%dma_wait3A_179, %dma_wait3A_180] : memref<1000000x128xf32, #tpu.memory_space<hbm>> -> memref<1000000x128xf32, #tpu.memory_space<hbm>>
      tpu.wait_indirect_dma semaphore(%arg12 : memref<!tpu.dma_semaphore, #tpu.memory_space<semaphore_mem>>) src(%dma_wait3A_181 : memref<1000000x128xf32, #tpu.memory_space<hbm>>) dst(%arg6 : memref<128x128xf32, #tpu.memory_space<vmem>>)
      %gt3A = arith.constant 0 : i32
      %gt3A_182 = arith.cmpi sgt, %scan3A_170, %gt3A : i32
      %convert_element_type3A = arith.extui %gt3A_182 : i1 to i32
      %cond3A = arith.constant 0 : i32
      %cond3A_183 = arith.cmpi ne, %convert_element_type3A, %cond3A : i32
      scf.if %cond3A_183 {
        %sub3A = arith.constant 3 : i32
        %sub3A_281 = arith.subi %add3A_175, %sub3A : i32
        %mul3A_282 = arith.constant 128 : i32
        %mul3A_283 = arith.muli %sub3A_281, %mul3A_282 : i32
        %add3A_284 = arith.addi %mul3A_2, %mul3A_283 : i32
        %dma_wait3A_285 = arith.constant 0 : i32
        %dma_wait3A_286 = tpu.memref_slice %arg4[%add3A_284, %dma_wait3A_285] : memref<819200x128xf32, #tpu.memory_space<hbm>> -> memref<128x128xf32, #tpu.memory_space<hbm>>
        %dma_wait3A_287 = arith.constant 0 : i32
        %dma_wait3A_288 = tpu.memref_slice %arg4[%add3A_284, %dma_wait3A_287] : memref<819200x128xf32, #tpu.memory_space<hbm>> -> memref<128x128xf32, #tpu.memory_space<hbm>>
        tpu.wait_dma2 semaphore(%arg15 : memref<!tpu.dma_semaphore, #tpu.memory_space<semaphore_mem>>) src(%arg9 : memref<128x128xf32, #tpu.memory_space<vmem>>) dst(%dma_wait3A_288 : memref<128x128xf32, #tpu.memory_space<hbm>>)
      } else {
      }
      %scan3A_184 = arith.constant 0 : i32
      %scan3A_185 = arith.constant 0 : i32
      %scan3A_186 = arith.constant 32 : i32
      %scan3A_187 = arith.addi %scan3A_185, %scan3A_186 : i32
      %scan3A_188 = arith.constant 1 : i32
      %scan3A_189 = scf.for %scan3A_281 = %scan3A_185 to %scan3A_187 step %scan3A_188 iter_args(%scan3A_282 = %scan3A_184) -> (i32)  : i32 {
        %mul3A_283 = arith.constant 4 : i32
        %mul3A_284 = arith.muli %scan3A_281, %mul3A_283 : i32
        %add3A_285 = arith.constant 0 : i32
        %add3A_286 = arith.addi %mul3A_284, %add3A_285 : i32
        %get3A = arith.index_cast %add3A_286 : i32 to index
        %get3A_287 = arith.constant 0 : index
        %get3A_288 = tpu.vector_load %arg6[%get3A, %get3A_287] {strides = array<i32>} : memref<128x128xf32, #tpu.memory_space<vmem>>, vector<1x16xf32>,
        %get3A_289 = vector.shape_cast %get3A_288 : vector<1x16xf32> to vector<16xf32>
        %mul3A_290 = arith.constant 8.000000e+00 : f32
        %mul3A_291 = vector.broadcast %mul3A_290 : f32 to vector<16xf32>
        %mul3A_292 = arith.mulf %get3A_289, %mul3A_291 : vector<16xf32>
        %swap3A = arith.index_cast %add3A_286 : i32 to index
        %swap3A_293 = arith.constant 0 : index
        %swap3A_294 = tpu.vector_load %arg9[%swap3A, %swap3A_293] {strides = array<i32>} : memref<128x128xf32, #tpu.memory_space<vmem>>, vector<1x16xf32>,
        %swap3A_295 = vector.shape_cast %swap3A_294 : vector<1x16xf32> to vector<16xf32>
        %swap3A_296 = vector.shape_cast %mul3A_292 : vector<16xf32> to vector<1x16xf32>
        tpu.vector_store %arg9[%swap3A, %swap3A_293], %swap3A_296 {strides = array<i32>} : memref<128x128xf32, #tpu.memory_space<vmem>>, vector<1x16xf32>,
        %get3A_297 = arith.index_cast %add3A_286 : i32 to index
        %get3A_298 = arith.constant 16 : index
        %get3A_299 = tpu.vector_load %arg6[%get3A_297, %get3A_298] {strides = array<i32>} : memref<128x128xf32, #tpu.memory_space<vmem>>, vector<1x16xf32>,
        %get3A_300 = vector.shape_cast %get3A_299 : vector<1x16xf32> to vector<16xf32>
        %mul3A_301 = arith.constant 8.000000e+00 : f32
        %mul3A_302 = vector.broadcast %mul3A_301 : f32 to vector<16xf32>
        %mul3A_303 = arith.mulf %get3A_300, %mul3A_302 : vector<16xf32>
        %swap3A_304 = arith.index_cast %add3A_286 : i32 to index
        %swap3A_305 = arith.constant 16 : index
        %swap3A_306 = tpu.vector_load %arg9[%swap3A_304, %swap3A_305] {strides = array<i32>} : memref<128x128xf32, #tpu.memory_space<vmem>>, vector<1x16xf32>,
        %swap3A_307 = vector.shape_cast %swap3A_306 : vector<1x16xf32> to vector<16xf32>
        %swap3A_308 = vector.shape_cast %mul3A_303 : vector<16xf32> to vector<1x16xf32>
        tpu.vector_store %arg9[%swap3A_304, %swap3A_305], %swap3A_308 {strides = array<i32>} : memref<128x128xf32, #tpu.memory_space<vmem>>, vector<1x16xf32>,
        %get3A_309 = arith.index_cast %add3A_286 : i32 to index
        %get3A_310 = arith.constant 32 : index
        %get3A_311 = tpu.vector_load %arg6[%get3A_309, %get3A_310] {strides = array<i32>} : memref<128x128xf32, #tpu.memory_space<vmem>>, vector<1x16xf32>,
        %get3A_312 = vector.shape_cast %get3A_311 : vector<1x16xf32> to vector<16xf32>
        %mul3A_313 = arith.constant 8.000000e+00 : f32
        %mul3A_314 = vector.broadcast %mul3A_313 : f32 to vector<16xf32>
        %mul3A_315 = arith.mulf %get3A_312, %mul3A_314 : vector<16xf32>
        %swap3A_316 = arith.index_cast %add3A_286 : i32 to index
        %swap3A_317 = arith.constant 32 : index
        %swap3A_318 = tpu.vector_load %arg9[%swap3A_316, %swap3A_317] {strides = array<i32>} : memref<128x128xf32, #tpu.memory_space<vmem>>, vector<1x16xf32>,
        %swap3A_319 = vector.shape_cast %swap3A_318 : vector<1x16xf32> to vector<16xf32>
        %swap3A_320 = vector.shape_cast %mul3A_315 : vector<16xf32> to vector<1x16xf32>
        tpu.vector_store %arg9[%swap3A_316, %swap3A_317], %swap3A_320 {strides = array<i32>} : memref<128x128xf32, #tpu.memory_space<vmem>>, vector<1x16xf32>,
        %get3A_321 = arith.index_cast %add3A_286 : i32 to index
        %get3A_322 = arith.constant 48 : index
        %get3A_323 = tpu.vector_load %arg6[%get3A_321, %get3A_322] {strides = array<i32>} : memref<128x128xf32, #tpu.memory_space<vmem>>, vector<1x16xf32>,
        %get3A_324 = vector.shape_cast %get3A_323 : vector<1x16xf32> to vector<16xf32>
        %mul3A_325 = arith.constant 8.000000e+00 : f32
        %mul3A_326 = vector.broadcast %mul3A_325 : f32 to vector<16xf32>
        %mul3A_327 = arith.mulf %get3A_324, %mul3A_326 : vector<16xf32>
        %swap3A_328 = arith.index_cast %add3A_286 : i32 to index
        %swap3A_329 = arith.constant 48 : index
        %swap3A_330 = tpu.vector_load %arg9[%swap3A_328, %swap3A_329] {strides = array<i32>} : memref<128x128xf32, #tpu.memory_space<vmem>>, vector<1x16xf32>,
        %swap3A_331 = vector.shape_cast %swap3A_330 : vector<1x16xf32> to vector<16xf32>
        %swap3A_332 = vector.shape_cast %mul3A_327 : vector<16xf32> to vector<1x16xf32>
        tpu.vector_store %arg9[%swap3A_328, %swap3A_329], %swap3A_332 {strides = array<i32>} : memref<128x128xf32, #tpu.memory_space<vmem>>, vector<1x16xf32>,
        %mul3A_333 = arith.constant 4 : i32
        %mul3A_334 = arith.muli %scan3A_281, %mul3A_333 : i32
        %add3A_335 = arith.constant 1 : i32
        %add3A_336 = arith.addi %mul3A_334, %add3A_335 : i32
        %get3A_337 = arith.index_cast %add3A_336 : i32 to index
        %get3A_338 = arith.constant 0 : index
        %get3A_339 = tpu.vector_load %arg6[%get3A_337, %get3A_338] {strides = array<i32>} : memref<128x128xf32, #tpu.memory_space<vmem>>, vector<1x16xf32>,
        %get3A_340 = vector.shape_cast %get3A_339 : vector<1x16xf32> to vector<16xf32>
        %mul3A_341 = arith.constant 8.000000e+00 : f32
        %mul3A_342 = vector.broadcast %mul3A_341 : f32 to vector<16xf32>
        %mul3A_343 = arith.mulf %get3A_340, %mul3A_342 : vector<16xf32>
        %swap3A_344 = arith.index_cast %add3A_336 : i32 to index
        %swap3A_345 = arith.constant 0 : index
        %swap3A_346 = tpu.vector_load %arg9[%swap3A_344, %swap3A_345] {strides = array<i32>} : memref<128x128xf32, #tpu.memory_space<vmem>>, vector<1x16xf32>,
        %swap3A_347 = vector.shape_cast %swap3A_346 : vector<1x16xf32> to vector<16xf32>
        %swap3A_348 = vector.shape_cast %mul3A_343 : vector<16xf32> to vector<1x16xf32>
        tpu.vector_store %arg9[%swap3A_344, %swap3A_345], %swap3A_348 {strides = array<i32>} : memref<128x128xf32, #tpu.memory_space<vmem>>, vector<1x16xf32>,
        %get3A_349 = arith.index_cast %add3A_336 : i32 to index
        %get3A_350 = arith.constant 16 : index
        %get3A_351 = tpu.vector_load %arg6[%get3A_349, %get3A_350] {strides = array<i32>} : memref<128x128xf32, #tpu.memory_space<vmem>>, vector<1x16xf32>,
        %get3A_352 = vector.shape_cast %get3A_351 : vector<1x16xf32> to vector<16xf32>
        %mul3A_353 = arith.constant 8.000000e+00 : f32
        %mul3A_354 = vector.broadcast %mul3A_353 : f32 to vector<16xf32>
        %mul3A_355 = arith.mulf %get3A_352, %mul3A_354 : vector<16xf32>
        %swap3A_356 = arith.index_cast %add3A_336 : i32 to index
        %swap3A_357 = arith.constant 16 : index
        %swap3A_358 = tpu.vector_load %arg9[%swap3A_356, %swap3A_357] {strides = array<i32>} : memref<128x128xf32, #tpu.memory_space<vmem>>, vector<1x16xf32>,
        %swap3A_359 = vector.shape_cast %swap3A_358 : vector<1x16xf32> to vector<16xf32>
        %swap3A_360 = vector.shape_cast %mul3A_355 : vector<16xf32> to vector<1x16xf32>
        tpu.vector_store %arg9[%swap3A_356, %swap3A_357], %swap3A_360 {strides = array<i32>} : memref<128x128xf32, #tpu.memory_space<vmem>>, vector<1x16xf32>,
        %get3A_361 = arith.index_cast %add3A_336 : i32 to index
        %get3A_362 = arith.constant 32 : index
        %get3A_363 = tpu.vector_load %arg6[%get3A_361, %get3A_362] {strides = array<i32>} : memref<128x128xf32, #tpu.memory_space<vmem>>, vector<1x16xf32>,
        %get3A_364 = vector.shape_cast %get3A_363 : vector<1x16xf32> to vector<16xf32>
        %mul3A_365 = arith.constant 8.000000e+00 : f32
        %mul3A_366 = vector.broadcast %mul3A_365 : f32 to vector<16xf32>
        %mul3A_367 = arith.mulf %get3A_364, %mul3A_366 : vector<16xf32>
        %swap3A_368 = arith.index_cast %add3A_336 : i32 to index
        %swap3A_369 = arith.constant 32 : index
        %swap3A_370 = tpu.vector_load %arg9[%swap3A_368, %swap3A_369] {strides = array<i32>} : memref<128x128xf32, #tpu.memory_space<vmem>>, vector<1x16xf32>,
        %swap3A_371 = vector.shape_cast %swap3A_370 : vector<1x16xf32> to vector<16xf32>
        %swap3A_372 = vector.shape_cast %mul3A_367 : vector<16xf32> to vector<1x16xf32>
        tpu.vector_store %arg9[%swap3A_368, %swap3A_369], %swap3A_372 {strides = array<i32>} : memref<128x128xf32, #tpu.memory_space<vmem>>, vector<1x16xf32>,
        %get3A_373 = arith.index_cast %add3A_336 : i32 to index
        %get3A_374 = arith.constant 48 : index
        %get3A_375 = tpu.vector_load %arg6[%get3A_373, %get3A_374] {strides = array<i32>} : memref<128x128xf32, #tpu.memory_space<vmem>>, vector<1x16xf32>,
        %get3A_376 = vector.shape_cast %get3A_375 : vector<1x16xf32> to vector<16xf32>
        %mul3A_377 = arith.constant 8.000000e+00 : f32
        %mul3A_378 = vector.broadcast %mul3A_377 : f32 to vector<16xf32>
        %mul3A_379 = arith.mulf %get3A_376, %mul3A_378 : vector<16xf32>
        %swap3A_380 = arith.index_cast %add3A_336 : i32 to index
        %swap3A_381 = arith.constant 48 : index
        %swap3A_382 = tpu.vector_load %arg9[%swap3A_380, %swap3A_381] {strides = array<i32>} : memref<128x128xf32, #tpu.memory_space<vmem>>, vector<1x16xf32>,
        %swap3A_383 = vector.shape_cast %swap3A_382 : vector<1x16xf32> to vector<16xf32>
        %swap3A_384 = vector.shape_cast %mul3A_379 : vector<16xf32> to vector<1x16xf32>
        tpu.vector_store %arg9[%swap3A_380, %swap3A_381], %swap3A_384 {strides = array<i32>} : memref<128x128xf32, #tpu.memory_space<vmem>>, vector<1x16xf32>,
        %mul3A_385 = arith.constant 4 : i32
        %mul3A_386 = arith.muli %scan3A_281, %mul3A_385 : i32
        %add3A_387 = arith.constant 2 : i32
        %add3A_388 = arith.addi %mul3A_386, %add3A_387 : i32
        %get3A_389 = arith.index_cast %add3A_388 : i32 to index
        %get3A_390 = arith.constant 0 : index
        %get3A_391 = tpu.vector_load %arg6[%get3A_389, %get3A_390] {strides = array<i32>} : memref<128x128xf32, #tpu.memory_space<vmem>>, vector<1x16xf32>,
        %get3A_392 = vector.shape_cast %get3A_391 : vector<1x16xf32> to vector<16xf32>
        %mul3A_393 = arith.constant 8.000000e+00 : f32
        %mul3A_394 = vector.broadcast %mul3A_393 : f32 to vector<16xf32>
        %mul3A_395 = arith.mulf %get3A_392, %mul3A_394 : vector<16xf32>
        %swap3A_396 = arith.index_cast %add3A_388 : i32 to index
        %swap3A_397 = arith.constant 0 : index
        %swap3A_398 = tpu.vector_load %arg9[%swap3A_396, %swap3A_397] {strides = array<i32>} : memref<128x128xf32, #tpu.memory_space<vmem>>, vector<1x16xf32>,
        %swap3A_399 = vector.shape_cast %swap3A_398 : vector<1x16xf32> to vector<16xf32>
        %swap3A_400 = vector.shape_cast %mul3A_395 : vector<16xf32> to vector<1x16xf32>
        tpu.vector_store %arg9[%swap3A_396, %swap3A_397], %swap3A_400 {strides = array<i32>} : memref<128x128xf32, #tpu.memory_space<vmem>>, vector<1x16xf32>,
        %get3A_401 = arith.index_cast %add3A_388 : i32 to index
        %get3A_402 = arith.constant 16 : index
        %get3A_403 = tpu.vector_load %arg6[%get3A_401, %get3A_402] {strides = array<i32>} : memref<128x128xf32, #tpu.memory_space<vmem>>, vector<1x16xf32>,
        %get3A_404 = vector.shape_cast %get3A_403 : vector<1x16xf32> to vector<16xf32>
        %mul3A_405 = arith.constant 8.000000e+00 : f32
        %mul3A_406 = vector.broadcast %mul3A_405 : f32 to vector<16xf32>
        %mul3A_407 = arith.mulf %get3A_404, %mul3A_406 : vector<16xf32>
        %swap3A_408 = arith.index_cast %add3A_388 : i32 to index
        %swap3A_409 = arith.constant 16 : index
        %swap3A_410 = tpu.vector_load %arg9[%swap3A_408, %swap3A_409] {strides = array<i32>} : memref<128x128xf32, #tpu.memory_space<vmem>>, vector<1x16xf32>,
        %swap3A_411 = vector.shape_cast %swap3A_410 : vector<1x16xf32> to vector<16xf32>
        %swap3A_412 = vector.shape_cast %mul3A_407 : vector<16xf32> to vector<1x16xf32>
        tpu.vector_store %arg9[%swap3A_408, %swap3A_409], %swap3A_412 {strides = array<i32>} : memref<128x128xf32, #tpu.memory_space<vmem>>, vector<1x16xf32>,
        %get3A_413 = arith.index_cast %add3A_388 : i32 to index
        %get3A_414 = arith.constant 32 : index
        %get3A_415 = tpu.vector_load %arg6[%get3A_413, %get3A_414] {strides = array<i32>} : memref<128x128xf32, #tpu.memory_space<vmem>>, vector<1x16xf32>,
        %get3A_416 = vector.shape_cast %get3A_415 : vector<1x16xf32> to vector<16xf32>
        %mul3A_417 = arith.constant 8.000000e+00 : f32
        %mul3A_418 = vector.broadcast %mul3A_417 : f32 to vector<16xf32>
        %mul3A_419 = arith.mulf %get3A_416, %mul3A_418 : vector<16xf32>
        %swap3A_420 = arith.index_cast %add3A_388 : i32 to index
        %swap3A_421 = arith.constant 32 : index
        %swap3A_422 = tpu.vector_load %arg9[%swap3A_420, %swap3A_421] {strides = array<i32>} : memref<128x128xf32, #tpu.memory_space<vmem>>, vector<1x16xf32>,
        %swap3A_423 = vector.shape_cast %swap3A_422 : vector<1x16xf32> to vector<16xf32>
        %swap3A_424 = vector.shape_cast %mul3A_419 : vector<16xf32> to vector<1x16xf32>
        tpu.vector_store %arg9[%swap3A_420, %swap3A_421], %swap3A_424 {strides = array<i32>} : memref<128x128xf32, #tpu.memory_space<vmem>>, vector<1x16xf32>,
        %get3A_425 = arith.index_cast %add3A_388 : i32 to index
        %get3A_426 = arith.constant 48 : index
        %get3A_427 = tpu.vector_load %arg6[%get3A_425, %get3A_426] {strides = array<i32>} : memref<128x128xf32, #tpu.memory_space<vmem>>, vector<1x16xf32>,
        %get3A_428 = vector.shape_cast %get3A_427 : vector<1x16xf32> to vector<16xf32>
        %mul3A_429 = arith.constant 8.000000e+00 : f32
        %mul3A_430 = vector.broadcast %mul3A_429 : f32 to vector<16xf32>
        %mul3A_431 = arith.mulf %get3A_428, %mul3A_430 : vector<16xf32>
        %swap3A_432 = arith.index_cast %add3A_388 : i32 to index
        %swap3A_433 = arith.constant 48 : index
        %swap3A_434 = tpu.vector_load %arg9[%swap3A_432, %swap3A_433] {strides = array<i32>} : memref<128x128xf32, #tpu.memory_space<vmem>>, vector<1x16xf32>,
        %swap3A_435 = vector.shape_cast %swap3A_434 : vector<1x16xf32> to vector<16xf32>
        %swap3A_436 = vector.shape_cast %mul3A_431 : vector<16xf32> to vector<1x16xf32>
        tpu.vector_store %arg9[%swap3A_432, %swap3A_433], %swap3A_436 {strides = array<i32>} : memref<128x128xf32, #tpu.memory_space<vmem>>, vector<1x16xf32>,
        %mul3A_437 = arith.constant 4 : i32
        %mul3A_438 = arith.muli %scan3A_281, %mul3A_437 : i32
        %add3A_439 = arith.constant 3 : i32
        %add3A_440 = arith.addi %mul3A_438, %add3A_439 : i32
        %get3A_441 = arith.index_cast %add3A_440 : i32 to index
        %get3A_442 = arith.constant 0 : index
        %get3A_443 = tpu.vector_load %arg6[%get3A_441, %get3A_442] {strides = array<i32>} : memref<128x128xf32, #tpu.memory_space<vmem>>, vector<1x16xf32>,
        %get3A_444 = vector.shape_cast %get3A_443 : vector<1x16xf32> to vector<16xf32>
        %mul3A_445 = arith.constant 8.000000e+00 : f32
        %mul3A_446 = vector.broadcast %mul3A_445 : f32 to vector<16xf32>
        %mul3A_447 = arith.mulf %get3A_444, %mul3A_446 : vector<16xf32>
        %swap3A_448 = arith.index_cast %add3A_440 : i32 to index
        %swap3A_449 = arith.constant 0 : index
        %swap3A_450 = tpu.vector_load %arg9[%swap3A_448, %swap3A_449] {strides = array<i32>} : memref<128x128xf32, #tpu.memory_space<vmem>>, vector<1x16xf32>,
        %swap3A_451 = vector.shape_cast %swap3A_450 : vector<1x16xf32> to vector<16xf32>
        %swap3A_452 = vector.shape_cast %mul3A_447 : vector<16xf32> to vector<1x16xf32>
        tpu.vector_store %arg9[%swap3A_448, %swap3A_449], %swap3A_452 {strides = array<i32>} : memref<128x128xf32, #tpu.memory_space<vmem>>, vector<1x16xf32>,
        %get3A_453 = arith.index_cast %add3A_440 : i32 to index
        %get3A_454 = arith.constant 16 : index
        %get3A_455 = tpu.vector_load %arg6[%get3A_453, %get3A_454] {strides = array<i32>} : memref<128x128xf32, #tpu.memory_space<vmem>>, vector<1x16xf32>,
        %get3A_456 = vector.shape_cast %get3A_455 : vector<1x16xf32> to vector<16xf32>
        %mul3A_457 = arith.constant 8.000000e+00 : f32
        %mul3A_458 = vector.broadcast %mul3A_457 : f32 to vector<16xf32>
        %mul3A_459 = arith.mulf %get3A_456, %mul3A_458 : vector<16xf32>
        %swap3A_460 = arith.index_cast %add3A_440 : i32 to index
        %swap3A_461 = arith.constant 16 : index
        %swap3A_462 = tpu.vector_load %arg9[%swap3A_460, %swap3A_461] {strides = array<i32>} : memref<128x128xf32, #tpu.memory_space<vmem>>, vector<1x16xf32>,
        %swap3A_463 = vector.shape_cast %swap3A_462 : vector<1x16xf32> to vector<16xf32>
        %swap3A_464 = vector.shape_cast %mul3A_459 : vector<16xf32> to vector<1x16xf32>
        tpu.vector_store %arg9[%swap3A_460, %swap3A_461], %swap3A_464 {strides = array<i32>} : memref<128x128xf32, #tpu.memory_space<vmem>>, vector<1x16xf32>,
        %get3A_465 = arith.index_cast %add3A_440 : i32 to index
        %get3A_466 = arith.constant 32 : index
        %get3A_467 = tpu.vector_load %arg6[%get3A_465, %get3A_466] {strides = array<i32>} : memref<128x128xf32, #tpu.memory_space<vmem>>, vector<1x16xf32>,
        %get3A_468 = vector.shape_cast %get3A_467 : vector<1x16xf32> to vector<16xf32>
        %mul3A_469 = arith.constant 8.000000e+00 : f32
        %mul3A_470 = vector.broadcast %mul3A_469 : f32 to vector<16xf32>
        %mul3A_471 = arith.mulf %get3A_468, %mul3A_470 : vector<16xf32>
        %swap3A_472 = arith.index_cast %add3A_440 : i32 to index
        %swap3A_473 = arith.constant 32 : index
        %swap3A_474 = tpu.vector_load %arg9[%swap3A_472, %swap3A_473] {strides = array<i32>} : memref<128x128xf32, #tpu.memory_space<vmem>>, vector<1x16xf32>,
        %swap3A_475 = vector.shape_cast %swap3A_474 : vector<1x16xf32> to vector<16xf32>
        %swap3A_476 = vector.shape_cast %mul3A_471 : vector<16xf32> to vector<1x16xf32>
        tpu.vector_store %arg9[%swap3A_472, %swap3A_473], %swap3A_476 {strides = array<i32>} : memref<128x128xf32, #tpu.memory_space<vmem>>, vector<1x16xf32>,
        %get3A_477 = arith.index_cast %add3A_440 : i32 to index
        %get3A_478 = arith.constant 48 : index
        %get3A_479 = tpu.vector_load %arg6[%get3A_477, %get3A_478] {strides = array<i32>} : memref<128x128xf32, #tpu.memory_space<vmem>>, vector<1x16xf32>,
        %get3A_480 = vector.shape_cast %get3A_479 : vector<1x16xf32> to vector<16xf32>
        %mul3A_481 = arith.constant 8.000000e+00 : f32
        %mul3A_482 = vector.broadcast %mul3A_481 : f32 to vector<16xf32>
        %mul3A_483 = arith.mulf %get3A_480, %mul3A_482 : vector<16xf32>
        %swap3A_484 = arith.index_cast %add3A_440 : i32 to index
        %swap3A_485 = arith.constant 48 : index
        %swap3A_486 = tpu.vector_load %arg9[%swap3A_484, %swap3A_485] {strides = array<i32>} : memref<128x128xf32, #tpu.memory_space<vmem>>, vector<1x16xf32>,
        %swap3A_487 = vector.shape_cast %swap3A_486 : vector<1x16xf32> to vector<16xf32>
        %swap3A_488 = vector.shape_cast %mul3A_483 : vector<16xf32> to vector<1x16xf32>
        tpu.vector_store %arg9[%swap3A_484, %swap3A_485], %swap3A_488 {strides = array<i32>} : memref<128x128xf32, #tpu.memory_space<vmem>>, vector<1x16xf32>,
        %scan3A_489 = arith.constant 0 : i32
        scf.yield %scan3A_489 : i32
      }
      %scan3A_190 = arith.constant 32 : i32
      %mul3A_191 = arith.constant 128 : i32
      %mul3A_192 = arith.muli %add3A_175, %mul3A_191 : i32
      %add3A_193 = arith.addi %mul3A_2, %mul3A_192 : i32
      %dma_start3A_194 = arith.constant 0 : i32
      %dma_start3A_195 = tpu.memref_slice %arg4[%add3A_193, %dma_start3A_194] : memref<819200x128xf32, #tpu.memory_space<hbm>> -> memref<128x128xf32, #tpu.memory_space<hbm>>
      %dma_start3A_196 = arith.constant 0 : i32
      %dma_start3A_197 = tpu.memref_slice %arg4[%add3A_193, %dma_start3A_196] : memref<819200x128xf32, #tpu.memory_space<hbm>> -> memref<128x128xf32, #tpu.memory_space<hbm>>
      tpu.enqueue_dma source(%arg9 : memref<128x128xf32, #tpu.memory_space<vmem>>) target(%dma_start3A_197 : memref<128x128xf32, #tpu.memory_space<hbm>>) target_semaphore(%arg15 : memref<!tpu.dma_semaphore, #tpu.memory_space<semaphore_mem>>)
      %add3A_198 = arith.constant 3 : i32
      %add3A_199 = arith.addi %add3A_175, %add3A_198 : i32
      %mul3A_200 = arith.constant 128 : i32
      %mul3A_201 = arith.muli %add3A_199, %mul3A_200 : i32
      %dma_start3A_202 = tpu.memref_slice %arg5[%mul3A_201] : memref<25600xi32, #tpu.memory_space<vmem>> -> memref<128xi32, #tpu.memory_space<vmem>>
      %dma_start3A_203 = arith.constant 0 : i32
      %dma_start3A_204 = arith.constant 0 : i32
      %dma_start3A_205 = tpu.memref_slice %arg3[%dma_start3A_203, %dma_start3A_204] : memref<1000000x128xf32, #tpu.memory_space<hbm>> -> memref<1000000x128xf32, #tpu.memory_space<hbm>>
      tpu.enqueue_indirect_dma source(%dma_start3A_205 : memref<1000000x128xf32, #tpu.memory_space<hbm>>) target(%arg6 : memref<128x128xf32, #tpu.memory_space<vmem>>) offsets(%dma_start3A_202 : memref<128xi32, #tpu.memory_space<vmem>>) semaphore(%arg12 : memref<!tpu.dma_semaphore, #tpu.memory_space<semaphore_mem>>)
      %mul3A_206 = arith.constant 3 : i32
      %mul3A_207 = arith.muli %scan3A_170, %mul3A_206 : i32
      %add3A_208 = arith.constant 1 : i32
      %add3A_209 = arith.addi %mul3A_207, %add3A_208 : i32
      %mul3A_210 = arith.constant 128 : i32
      %mul3A_211 = arith.muli %add3A_209, %mul3A_210 : i32
      %dma_wait3A_212 = tpu.memref_slice %arg5[%mul3A_211] : memref<25600xi32, #tpu.memory_space<vmem>> -> memref<128xi32, #tpu.memory_space<vmem>>
      %dma_wait3A_213 = arith.constant 0 : i32
      %dma_wait3A_214 = arith.constant 0 : i32
      %dma_wait3A_215 = tpu.memref_slice %arg3[%dma_wait3A_213, %dma_wait3A_214] : memref<1000000x128xf32, #tpu.memory_space<hbm>> -> memref<1000000x128xf32, #tpu.memory_space<hbm>>
      tpu.wait_indirect_dma semaphore(%arg13 : memref<!tpu.dma_semaphore, #tpu.memory_space<semaphore_mem>>) src(%dma_wait3A_215 : memref<1000000x128xf32, #tpu.memory_space<hbm>>) dst(%arg7 : memref<128x128xf32, #tpu.memory_space<vmem>>)
      %gt3A_216 = arith.constant 0 : i32
      %gt3A_217 = arith.cmpi sgt, %scan3A_170, %gt3A_216 : i32
      %convert_element_type3A_218 = arith.extui %gt3A_217 : i1 to i32
      %cond3A_219 = arith.constant 0 : i32
      %cond3A_220 = arith.cmpi ne, %convert_element_type3A_218, %cond3A_219 : i32
      scf.if %cond3A_220 {
        %sub3A = arith.constant 3 : i32
        %sub3A_281 = arith.subi %add3A_209, %sub3A : i32
        %mul3A_282 = arith.constant 128 : i32
        %mul3A_283 = arith.muli %sub3A_281, %mul3A_282 : i32
        %add3A_284 = arith.addi %mul3A_2, %mul3A_283 : i32
        %dma_wait3A_285 = arith.constant 0 : i32
        %dma_wait3A_286 = tpu.memref_slice %arg4[%add3A_284, %dma_wait3A_285] : memref<819200x128xf32, #tpu.memory_space<hbm>> -> memref<128x128xf32, #tpu.memory_space<hbm>>
        %dma_wait3A_287 = arith.constant 0 : i32
        %dma_wait3A_288 = tpu.memref_slice %arg4[%add3A_284, %dma_wait3A_287] : memref<819200x128xf32, #tpu.memory_space<hbm>> -> memref<128x128xf32, #tpu.memory_space<hbm>>
        tpu.wait_dma2 semaphore(%arg16 : memref<!tpu.dma_semaphore, #tpu.memory_space<semaphore_mem>>) src(%arg10 : memref<128x128xf32, #tpu.memory_space<vmem>>) dst(%dma_wait3A_288 : memref<128x128xf32, #tpu.memory_space<hbm>>)
      } else {
      }
      %scan3A_221 = arith.constant 0 : i32
      %scan3A_222 = arith.constant 0 : i32
      %scan3A_223 = arith.constant 32 : i32
      %scan3A_224 = arith.addi %scan3A_222, %scan3A_223 : i32
      %scan3A_225 = arith.constant 1 : i32
      %scan3A_226 = scf.for %scan3A_281 = %scan3A_222 to %scan3A_224 step %scan3A_225 iter_args(%scan3A_282 = %scan3A_221) -> (i32)  : i32 {
        %mul3A_283 = arith.constant 4 : i32
        %mul3A_284 = arith.muli %scan3A_281, %mul3A_283 : i32
        %add3A_285 = arith.constant 0 : i32
        %add3A_286 = arith.addi %mul3A_284, %add3A_285 : i32
        %get3A = arith.index_cast %add3A_286 : i32 to index
        %get3A_287 = arith.constant 0 : index
        %get3A_288 = tpu.vector_load %arg7[%get3A, %get3A_287] {strides = array<i32>} : memref<128x128xf32, #tpu.memory_space<vmem>>, vector<1x16xf32>,
        %get3A_289 = vector.shape_cast %get3A_288 : vector<1x16xf32> to vector<16xf32>
        %mul3A_290 = arith.constant 8.000000e+00 : f32
        %mul3A_291 = vector.broadcast %mul3A_290 : f32 to vector<16xf32>
        %mul3A_292 = arith.mulf %get3A_289, %mul3A_291 : vector<16xf32>
        %swap3A = arith.index_cast %add3A_286 : i32 to index
        %swap3A_293 = arith.constant 0 : index
        %swap3A_294 = tpu.vector_load %arg10[%swap3A, %swap3A_293] {strides = array<i32>} : memref<128x128xf32, #tpu.memory_space<vmem>>, vector<1x16xf32>,
        %swap3A_295 = vector.shape_cast %swap3A_294 : vector<1x16xf32> to vector<16xf32>
        %swap3A_296 = vector.shape_cast %mul3A_292 : vector<16xf32> to vector<1x16xf32>
        tpu.vector_store %arg10[%swap3A, %swap3A_293], %swap3A_296 {strides = array<i32>} : memref<128x128xf32, #tpu.memory_space<vmem>>, vector<1x16xf32>,
        %get3A_297 = arith.index_cast %add3A_286 : i32 to index
        %get3A_298 = arith.constant 16 : index
        %get3A_299 = tpu.vector_load %arg7[%get3A_297, %get3A_298] {strides = array<i32>} : memref<128x128xf32, #tpu.memory_space<vmem>>, vector<1x16xf32>,
        %get3A_300 = vector.shape_cast %get3A_299 : vector<1x16xf32> to vector<16xf32>
        %mul3A_301 = arith.constant 8.000000e+00 : f32
        %mul3A_302 = vector.broadcast %mul3A_301 : f32 to vector<16xf32>
        %mul3A_303 = arith.mulf %get3A_300, %mul3A_302 : vector<16xf32>
        %swap3A_304 = arith.index_cast %add3A_286 : i32 to index
        %swap3A_305 = arith.constant 16 : index
        %swap3A_306 = tpu.vector_load %arg10[%swap3A_304, %swap3A_305] {strides = array<i32>} : memref<128x128xf32, #tpu.memory_space<vmem>>, vector<1x16xf32>,
        %swap3A_307 = vector.shape_cast %swap3A_306 : vector<1x16xf32> to vector<16xf32>
        %swap3A_308 = vector.shape_cast %mul3A_303 : vector<16xf32> to vector<1x16xf32>
        tpu.vector_store %arg10[%swap3A_304, %swap3A_305], %swap3A_308 {strides = array<i32>} : memref<128x128xf32, #tpu.memory_space<vmem>>, vector<1x16xf32>,
        %get3A_309 = arith.index_cast %add3A_286 : i32 to index
        %get3A_310 = arith.constant 32 : index
        %get3A_311 = tpu.vector_load %arg7[%get3A_309, %get3A_310] {strides = array<i32>} : memref<128x128xf32, #tpu.memory_space<vmem>>, vector<1x16xf32>,
        %get3A_312 = vector.shape_cast %get3A_311 : vector<1x16xf32> to vector<16xf32>
        %mul3A_313 = arith.constant 8.000000e+00 : f32
        %mul3A_314 = vector.broadcast %mul3A_313 : f32 to vector<16xf32>
        %mul3A_315 = arith.mulf %get3A_312, %mul3A_314 : vector<16xf32>
        %swap3A_316 = arith.index_cast %add3A_286 : i32 to index
        %swap3A_317 = arith.constant 32 : index
        %swap3A_318 = tpu.vector_load %arg10[%swap3A_316, %swap3A_317] {strides = array<i32>} : memref<128x128xf32, #tpu.memory_space<vmem>>, vector<1x16xf32>,
        %swap3A_319 = vector.shape_cast %swap3A_318 : vector<1x16xf32> to vector<16xf32>
        %swap3A_320 = vector.shape_cast %mul3A_315 : vector<16xf32> to vector<1x16xf32>
        tpu.vector_store %arg10[%swap3A_316, %swap3A_317], %swap3A_320 {strides = array<i32>} : memref<128x128xf32, #tpu.memory_space<vmem>>, vector<1x16xf32>,
        %get3A_321 = arith.index_cast %add3A_286 : i32 to index
        %get3A_322 = arith.constant 48 : index
        %get3A_323 = tpu.vector_load %arg7[%get3A_321, %get3A_322] {strides = array<i32>} : memref<128x128xf32, #tpu.memory_space<vmem>>, vector<1x16xf32>,
        %get3A_324 = vector.shape_cast %get3A_323 : vector<1x16xf32> to vector<16xf32>
        %mul3A_325 = arith.constant 8.000000e+00 : f32
        %mul3A_326 = vector.broadcast %mul3A_325 : f32 to vector<16xf32>
        %mul3A_327 = arith.mulf %get3A_324, %mul3A_326 : vector<16xf32>
        %swap3A_328 = arith.index_cast %add3A_286 : i32 to index
        %swap3A_329 = arith.constant 48 : index
        %swap3A_330 = tpu.vector_load %arg10[%swap3A_328, %swap3A_329] {strides = array<i32>} : memref<128x128xf32, #tpu.memory_space<vmem>>, vector<1x16xf32>,
        %swap3A_331 = vector.shape_cast %swap3A_330 : vector<1x16xf32> to vector<16xf32>
        %swap3A_332 = vector.shape_cast %mul3A_327 : vector<16xf32> to vector<1x16xf32>
        tpu.vector_store %arg10[%swap3A_328, %swap3A_329], %swap3A_332 {strides = array<i32>} : memref<128x128xf32, #tpu.memory_space<vmem>>, vector<1x16xf32>,
        %mul3A_333 = arith.constant 4 : i32
        %mul3A_334 = arith.muli %scan3A_281, %mul3A_333 : i32
        %add3A_335 = arith.constant 1 : i32
        %add3A_336 = arith.addi %mul3A_334, %add3A_335 : i32
        %get3A_337 = arith.index_cast %add3A_336 : i32 to index
        %get3A_338 = arith.constant 0 : index
        %get3A_339 = tpu.vector_load %arg7[%get3A_337, %get3A_338] {strides = array<i32>} : memref<128x128xf32, #tpu.memory_space<vmem>>, vector<1x16xf32>,
        %get3A_340 = vector.shape_cast %get3A_339 : vector<1x16xf32> to vector<16xf32>
        %mul3A_341 = arith.constant 8.000000e+00 : f32
        %mul3A_342 = vector.broadcast %mul3A_341 : f32 to vector<16xf32>
        %mul3A_343 = arith.mulf %get3A_340, %mul3A_342 : vector<16xf32>
        %swap3A_344 = arith.index_cast %add3A_336 : i32 to index
        %swap3A_345 = arith.constant 0 : index
        %swap3A_346 = tpu.vector_load %arg10[%swap3A_344, %swap3A_345] {strides = array<i32>} : memref<128x128xf32, #tpu.memory_space<vmem>>, vector<1x16xf32>,
        %swap3A_347 = vector.shape_cast %swap3A_346 : vector<1x16xf32> to vector<16xf32>
        %swap3A_348 = vector.shape_cast %mul3A_343 : vector<16xf32> to vector<1x16xf32>
        tpu.vector_store %arg10[%swap3A_344, %swap3A_345], %swap3A_348 {strides = array<i32>} : memref<128x128xf32, #tpu.memory_space<vmem>>, vector<1x16xf32>,
        %get3A_349 = arith.index_cast %add3A_336 : i32 to index
        %get3A_350 = arith.constant 16 : index
        %get3A_351 = tpu.vector_load %arg7[%get3A_349, %get3A_350] {strides = array<i32>} : memref<128x128xf32, #tpu.memory_space<vmem>>, vector<1x16xf32>,
        %get3A_352 = vector.shape_cast %get3A_351 : vector<1x16xf32> to vector<16xf32>
        %mul3A_353 = arith.constant 8.000000e+00 : f32
        %mul3A_354 = vector.broadcast %mul3A_353 : f32 to vector<16xf32>
        %mul3A_355 = arith.mulf %get3A_352, %mul3A_354 : vector<16xf32>
        %swap3A_356 = arith.index_cast %add3A_336 : i32 to index
        %swap3A_357 = arith.constant 16 : index
        %swap3A_358 = tpu.vector_load %arg10[%swap3A_356, %swap3A_357] {strides = array<i32>} : memref<128x128xf32, #tpu.memory_space<vmem>>, vector<1x16xf32>,
        %swap3A_359 = vector.shape_cast %swap3A_358 : vector<1x16xf32> to vector<16xf32>
        %swap3A_360 = vector.shape_cast %mul3A_355 : vector<16xf32> to vector<1x16xf32>
        tpu.vector_store %arg10[%swap3A_356, %swap3A_357], %swap3A_360 {strides = array<i32>} : memref<128x128xf32, #tpu.memory_space<vmem>>, vector<1x16xf32>,
        %get3A_361 = arith.index_cast %add3A_336 : i32 to index
        %get3A_362 = arith.constant 32 : index
        %get3A_363 = tpu.vector_load %arg7[%get3A_361, %get3A_362] {strides = array<i32>} : memref<128x128xf32, #tpu.memory_space<vmem>>, vector<1x16xf32>,
        %get3A_364 = vector.shape_cast %get3A_363 : vector<1x16xf32> to vector<16xf32>
        %mul3A_365 = arith.constant 8.000000e+00 : f32
        %mul3A_366 = vector.broadcast %mul3A_365 : f32 to vector<16xf32>
        %mul3A_367 = arith.mulf %get3A_364, %mul3A_366 : vector<16xf32>
        %swap3A_368 = arith.index_cast %add3A_336 : i32 to index
        %swap3A_369 = arith.constant 32 : index
        %swap3A_370 = tpu.vector_load %arg10[%swap3A_368, %swap3A_369] {strides = array<i32>} : memref<128x128xf32, #tpu.memory_space<vmem>>, vector<1x16xf32>,
        %swap3A_371 = vector.shape_cast %swap3A_370 : vector<1x16xf32> to vector<16xf32>
        %swap3A_372 = vector.shape_cast %mul3A_367 : vector<16xf32> to vector<1x16xf32>
        tpu.vector_store %arg10[%swap3A_368, %swap3A_369], %swap3A_372 {strides = array<i32>} : memref<128x128xf32, #tpu.memory_space<vmem>>, vector<1x16xf32>,
        %get3A_373 = arith.index_cast %add3A_336 : i32 to index
        %get3A_374 = arith.constant 48 : index
        %get3A_375 = tpu.vector_load %arg7[%get3A_373, %get3A_374] {strides = array<i32>} : memref<128x128xf32, #tpu.memory_space<vmem>>, vector<1x16xf32>,
        %get3A_376 = vector.shape_cast %get3A_375 : vector<1x16xf32> to vector<16xf32>
        %mul3A_377 = arith.constant 8.000000e+00 : f32
        %mul3A_378 = vector.broadcast %mul3A_377 : f32 to vector<16xf32>
        %mul3A_379 = arith.mulf %get3A_376, %mul3A_378 : vector<16xf32>
        %swap3A_380 = arith.index_cast %add3A_336 : i32 to index
        %swap3A_381 = arith.constant 48 : index
        %swap3A_382 = tpu.vector_load %arg10[%swap3A_380, %swap3A_381] {strides = array<i32>} : memref<128x128xf32, #tpu.memory_space<vmem>>, vector<1x16xf32>,
        %swap3A_383 = vector.shape_cast %swap3A_382 : vector<1x16xf32> to vector<16xf32>
        %swap3A_384 = vector.shape_cast %mul3A_379 : vector<16xf32> to vector<1x16xf32>
        tpu.vector_store %arg10[%swap3A_380, %swap3A_381], %swap3A_384 {strides = array<i32>} : memref<128x128xf32, #tpu.memory_space<vmem>>, vector<1x16xf32>,
        %mul3A_385 = arith.constant 4 : i32
        %mul3A_386 = arith.muli %scan3A_281, %mul3A_385 : i32
        %add3A_387 = arith.constant 2 : i32
        %add3A_388 = arith.addi %mul3A_386, %add3A_387 : i32
        %get3A_389 = arith.index_cast %add3A_388 : i32 to index
        %get3A_390 = arith.constant 0 : index
        %get3A_391 = tpu.vector_load %arg7[%get3A_389, %get3A_390] {strides = array<i32>} : memref<128x128xf32, #tpu.memory_space<vmem>>, vector<1x16xf32>,
        %get3A_392 = vector.shape_cast %get3A_391 : vector<1x16xf32> to vector<16xf32>
        %mul3A_393 = arith.constant 8.000000e+00 : f32
        %mul3A_394 = vector.broadcast %mul3A_393 : f32 to vector<16xf32>
        %mul3A_395 = arith.mulf %get3A_392, %mul3A_394 : vector<16xf32>
        %swap3A_396 = arith.index_cast %add3A_388 : i32 to index
        %swap3A_397 = arith.constant 0 : index
        %swap3A_398 = tpu.vector_load %arg10[%swap3A_396, %swap3A_397] {strides = array<i32>} : memref<128x128xf32, #tpu.memory_space<vmem>>, vector<1x16xf32>,
        %swap3A_399 = vector.shape_cast %swap3A_398 : vector<1x16xf32> to vector<16xf32>
        %swap3A_400 = vector.shape_cast %mul3A_395 : vector<16xf32> to vector<1x16xf32>
        tpu.vector_store %arg10[%swap3A_396, %swap3A_397], %swap3A_400 {strides = array<i32>} : memref<128x128xf32, #tpu.memory_space<vmem>>, vector<1x16xf32>,
        %get3A_401 = arith.index_cast %add3A_388 : i32 to index
        %get3A_402 = arith.constant 16 : index
        %get3A_403 = tpu.vector_load %arg7[%get3A_401, %get3A_402] {strides = array<i32>} : memref<128x128xf32, #tpu.memory_space<vmem>>, vector<1x16xf32>,
        %get3A_404 = vector.shape_cast %get3A_403 : vector<1x16xf32> to vector<16xf32>
        %mul3A_405 = arith.constant 8.000000e+00 : f32
        %mul3A_406 = vector.broadcast %mul3A_405 : f32 to vector<16xf32>
        %mul3A_407 = arith.mulf %get3A_404, %mul3A_406 : vector<16xf32>
        %swap3A_408 = arith.index_cast %add3A_388 : i32 to index
        %swap3A_409 = arith.constant 16 : index
        %swap3A_410 = tpu.vector_load %arg10[%swap3A_408, %swap3A_409] {strides = array<i32>} : memref<128x128xf32, #tpu.memory_space<vmem>>, vector<1x16xf32>,
        %swap3A_411 = vector.shape_cast %swap3A_410 : vector<1x16xf32> to vector<16xf32>
        %swap3A_412 = vector.shape_cast %mul3A_407 : vector<16xf32> to vector<1x16xf32>
        tpu.vector_store %arg10[%swap3A_408, %swap3A_409], %swap3A_412 {strides = array<i32>} : memref<128x128xf32, #tpu.memory_space<vmem>>, vector<1x16xf32>,
        %get3A_413 = arith.index_cast %add3A_388 : i32 to index
        %get3A_414 = arith.constant 32 : index
        %get3A_415 = tpu.vector_load %arg7[%get3A_413, %get3A_414] {strides = array<i32>} : memref<128x128xf32, #tpu.memory_space<vmem>>, vector<1x16xf32>,
        %get3A_416 = vector.shape_cast %get3A_415 : vector<1x16xf32> to vector<16xf32>
        %mul3A_417 = arith.constant 8.000000e+00 : f32
        %mul3A_418 = vector.broadcast %mul3A_417 : f32 to vector<16xf32>
        %mul3A_419 = arith.mulf %get3A_416, %mul3A_418 : vector<16xf32>
        %swap3A_420 = arith.index_cast %add3A_388 : i32 to index
        %swap3A_421 = arith.constant 32 : index
        %swap3A_422 = tpu.vector_load %arg10[%swap3A_420, %swap3A_421] {strides = array<i32>} : memref<128x128xf32, #tpu.memory_space<vmem>>, vector<1x16xf32>,
        %swap3A_423 = vector.shape_cast %swap3A_422 : vector<1x16xf32> to vector<16xf32>
        %swap3A_424 = vector.shape_cast %mul3A_419 : vector<16xf32> to vector<1x16xf32>
        tpu.vector_store %arg10[%swap3A_420, %swap3A_421], %swap3A_424 {strides = array<i32>} : memref<128x128xf32, #tpu.memory_space<vmem>>, vector<1x16xf32>,
        %get3A_425 = arith.index_cast %add3A_388 : i32 to index
        %get3A_426 = arith.constant 48 : index
        %get3A_427 = tpu.vector_load %arg7[%get3A_425, %get3A_426] {strides = array<i32>} : memref<128x128xf32, #tpu.memory_space<vmem>>, vector<1x16xf32>,
        %get3A_428 = vector.shape_cast %get3A_427 : vector<1x16xf32> to vector<16xf32>
        %mul3A_429 = arith.constant 8.000000e+00 : f32
        %mul3A_430 = vector.broadcast %mul3A_429 : f32 to vector<16xf32>
        %mul3A_431 = arith.mulf %get3A_428, %mul3A_430 : vector<16xf32>
        %swap3A_432 = arith.index_cast %add3A_388 : i32 to index
        %swap3A_433 = arith.constant 48 : index
        %swap3A_434 = tpu.vector_load %arg10[%swap3A_432, %swap3A_433] {strides = array<i32>} : memref<128x128xf32, #tpu.memory_space<vmem>>, vector<1x16xf32>,
        %swap3A_435 = vector.shape_cast %swap3A_434 : vector<1x16xf32> to vector<16xf32>
        %swap3A_436 = vector.shape_cast %mul3A_431 : vector<16xf32> to vector<1x16xf32>
        tpu.vector_store %arg10[%swap3A_432, %swap3A_433], %swap3A_436 {strides = array<i32>} : memref<128x128xf32, #tpu.memory_space<vmem>>, vector<1x16xf32>,
        %mul3A_437 = arith.constant 4 : i32
        %mul3A_438 = arith.muli %scan3A_281, %mul3A_437 : i32
        %add3A_439 = arith.constant 3 : i32
        %add3A_440 = arith.addi %mul3A_438, %add3A_439 : i32
        %get3A_441 = arith.index_cast %add3A_440 : i32 to index
        %get3A_442 = arith.constant 0 : index
        %get3A_443 = tpu.vector_load %arg7[%get3A_441, %get3A_442] {strides = array<i32>} : memref<128x128xf32, #tpu.memory_space<vmem>>, vector<1x16xf32>,
        %get3A_444 = vector.shape_cast %get3A_443 : vector<1x16xf32> to vector<16xf32>
        %mul3A_445 = arith.constant 8.000000e+00 : f32
        %mul3A_446 = vector.broadcast %mul3A_445 : f32 to vector<16xf32>
        %mul3A_447 = arith.mulf %get3A_444, %mul3A_446 : vector<16xf32>
        %swap3A_448 = arith.index_cast %add3A_440 : i32 to index
        %swap3A_449 = arith.constant 0 : index
        %swap3A_450 = tpu.vector_load %arg10[%swap3A_448, %swap3A_449] {strides = array<i32>} : memref<128x128xf32, #tpu.memory_space<vmem>>, vector<1x16xf32>,
        %swap3A_451 = vector.shape_cast %swap3A_450 : vector<1x16xf32> to vector<16xf32>
        %swap3A_452 = vector.shape_cast %mul3A_447 : vector<16xf32> to vector<1x16xf32>
        tpu.vector_store %arg10[%swap3A_448, %swap3A_449], %swap3A_452 {strides = array<i32>} : memref<128x128xf32, #tpu.memory_space<vmem>>, vector<1x16xf32>,
        %get3A_453 = arith.index_cast %add3A_440 : i32 to index
        %get3A_454 = arith.constant 16 : index
        %get3A_455 = tpu.vector_load %arg7[%get3A_453, %get3A_454] {strides = array<i32>} : memref<128x128xf32, #tpu.memory_space<vmem>>, vector<1x16xf32>,
        %get3A_456 = vector.shape_cast %get3A_455 : vector<1x16xf32> to vector<16xf32>
        %mul3A_457 = arith.constant 8.000000e+00 : f32
        %mul3A_458 = vector.broadcast %mul3A_457 : f32 to vector<16xf32>
        %mul3A_459 = arith.mulf %get3A_456, %mul3A_458 : vector<16xf32>
        %swap3A_460 = arith.index_cast %add3A_440 : i32 to index
        %swap3A_461 = arith.constant 16 : index
        %swap3A_462 = tpu.vector_load %arg10[%swap3A_460, %swap3A_461] {strides = array<i32>} : memref<128x128xf32, #tpu.memory_space<vmem>>, vector<1x16xf32>,
        %swap3A_463 = vector.shape_cast %swap3A_462 : vector<1x16xf32> to vector<16xf32>
        %swap3A_464 = vector.shape_cast %mul3A_459 : vector<16xf32> to vector<1x16xf32>
        tpu.vector_store %arg10[%swap3A_460, %swap3A_461], %swap3A_464 {strides = array<i32>} : memref<128x128xf32, #tpu.memory_space<vmem>>, vector<1x16xf32>,
        %get3A_465 = arith.index_cast %add3A_440 : i32 to index
        %get3A_466 = arith.constant 32 : index
        %get3A_467 = tpu.vector_load %arg7[%get3A_465, %get3A_466] {strides = array<i32>} : memref<128x128xf32, #tpu.memory_space<vmem>>, vector<1x16xf32>,
        %get3A_468 = vector.shape_cast %get3A_467 : vector<1x16xf32> to vector<16xf32>
        %mul3A_469 = arith.constant 8.000000e+00 : f32
        %mul3A_470 = vector.broadcast %mul3A_469 : f32 to vector<16xf32>
        %mul3A_471 = arith.mulf %get3A_468, %mul3A_470 : vector<16xf32>
        %swap3A_472 = arith.index_cast %add3A_440 : i32 to index
        %swap3A_473 = arith.constant 32 : index
        %swap3A_474 = tpu.vector_load %arg10[%swap3A_472, %swap3A_473] {strides = array<i32>} : memref<128x128xf32, #tpu.memory_space<vmem>>, vector<1x16xf32>,
        %swap3A_475 = vector.shape_cast %swap3A_474 : vector<1x16xf32> to vector<16xf32>
        %swap3A_476 = vector.shape_cast %mul3A_471 : vector<16xf32> to vector<1x16xf32>
        tpu.vector_store %arg10[%swap3A_472, %swap3A_473], %swap3A_476 {strides = array<i32>} : memref<128x128xf32, #tpu.memory_space<vmem>>, vector<1x16xf32>,
        %get3A_477 = arith.index_cast %add3A_440 : i32 to index
        %get3A_478 = arith.constant 48 : index
        %get3A_479 = tpu.vector_load %arg7[%get3A_477, %get3A_478] {strides = array<i32>} : memref<128x128xf32, #tpu.memory_space<vmem>>, vector<1x16xf32>,
        %get3A_480 = vector.shape_cast %get3A_479 : vector<1x16xf32> to vector<16xf32>
        %mul3A_481 = arith.constant 8.000000e+00 : f32
        %mul3A_482 = vector.broadcast %mul3A_481 : f32 to vector<16xf32>
        %mul3A_483 = arith.mulf %get3A_480, %mul3A_482 : vector<16xf32>
        %swap3A_484 = arith.index_cast %add3A_440 : i32 to index
        %swap3A_485 = arith.constant 48 : index
        %swap3A_486 = tpu.vector_load %arg10[%swap3A_484, %swap3A_485] {strides = array<i32>} : memref<128x128xf32, #tpu.memory_space<vmem>>, vector<1x16xf32>,
        %swap3A_487 = vector.shape_cast %swap3A_486 : vector<1x16xf32> to vector<16xf32>
        %swap3A_488 = vector.shape_cast %mul3A_483 : vector<16xf32> to vector<1x16xf32>
        tpu.vector_store %arg10[%swap3A_484, %swap3A_485], %swap3A_488 {strides = array<i32>} : memref<128x128xf32, #tpu.memory_space<vmem>>, vector<1x16xf32>,
        %scan3A_489 = arith.constant 0 : i32
        scf.yield %scan3A_489 : i32
      }
      %scan3A_227 = arith.constant 32 : i32
      %mul3A_228 = arith.constant 128 : i32
      %mul3A_229 = arith.muli %add3A_209, %mul3A_228 : i32
      %add3A_230 = arith.addi %mul3A_2, %mul3A_229 : i32
      %dma_start3A_231 = arith.constant 0 : i32
      %dma_start3A_232 = tpu.memref_slice %arg4[%add3A_230, %dma_start3A_231] : memref<819200x128xf32, #tpu.memory_space<hbm>> -> memref<128x128xf32, #tpu.memory_space<hbm>>
      %dma_start3A_233 = arith.constant 0 : i32
      %dma_start3A_234 = tpu.memref_slice %arg4[%add3A_230, %dma_start3A_233] : memref<819200x128xf32, #tpu.memory_space<hbm>> -> memref<128x128xf32, #tpu.memory_space<hbm>>
      tpu.enqueue_dma source(%arg10 : memref<128x128xf32, #tpu.memory_space<vmem>>) target(%dma_start3A_234 : memref<128x128xf32, #tpu.memory_space<hbm>>) target_semaphore(%arg16 : memref<!tpu.dma_semaphore, #tpu.memory_space<semaphore_mem>>)
      %add3A_235 = arith.constant 3 : i32
      %add3A_236 = arith.addi %add3A_209, %add3A_235 : i32
      %mul3A_237 = arith.constant 128 : i32
      %mul3A_238 = arith.muli %add3A_236, %mul3A_237 : i32
      %dma_start3A_239 = tpu.memref_slice %arg5[%mul3A_238] : memref<25600xi32, #tpu.memory_space<vmem>> -> memref<128xi32, #tpu.memory_space<vmem>>
      %dma_start3A_240 = arith.constant 0 : i32
      %dma_start3A_241 = arith.constant 0 : i32
      %dma_start3A_242 = tpu.memref_slice %arg3[%dma_start3A_240, %dma_start3A_241] : memref<1000000x128xf32, #tpu.memory_space<hbm>> -> memref<1000000x128xf32, #tpu.memory_space<hbm>>
      tpu.enqueue_indirect_dma source(%dma_start3A_242 : memref<1000000x128xf32, #tpu.memory_space<hbm>>) target(%arg7 : memref<128x128xf32, #tpu.memory_space<vmem>>) offsets(%dma_start3A_239 : memref<128xi32, #tpu.memory_space<vmem>>) semaphore(%arg13 : memref<!tpu.dma_semaphore, #tpu.memory_space<semaphore_mem>>)
      %mul3A_243 = arith.constant 3 : i32
      %mul3A_244 = arith.muli %scan3A_170, %mul3A_243 : i32
      %add3A_245 = arith.constant 2 : i32
      %add3A_246 = arith.addi %mul3A_244, %add3A_245 : i32
      %mul3A_247 = arith.constant 128 : i32
      %mul3A_248 = arith.muli %add3A_246, %mul3A_247 : i32
      %dma_wait3A_249 = tpu.memref_slice %arg5[%mul3A_248] : memref<25600xi32, #tpu.memory_space<vmem>> -> memref<128xi32, #tpu.memory_space<vmem>>
      %dma_wait3A_250 = arith.constant 0 : i32
      %dma_wait3A_251 = arith.constant 0 : i32
      %dma_wait3A_252 = tpu.memref_slice %arg3[%dma_wait3A_250, %dma_wait3A_251] : memref<1000000x128xf32, #tpu.memory_space<hbm>> -> memref<1000000x128xf32, #tpu.memory_space<hbm>>
      tpu.wait_indirect_dma semaphore(%arg14 : memref<!tpu.dma_semaphore, #tpu.memory_space<semaphore_mem>>) src(%dma_wait3A_252 : memref<1000000x128xf32, #tpu.memory_space<hbm>>) dst(%arg8 : memref<128x128xf32, #tpu.memory_space<vmem>>)
      %gt3A_253 = arith.constant 0 : i32
      %gt3A_254 = arith.cmpi sgt, %scan3A_170, %gt3A_253 : i32
      %convert_element_type3A_255 = arith.extui %gt3A_254 : i1 to i32
      %cond3A_256 = arith.constant 0 : i32
      %cond3A_257 = arith.cmpi ne, %convert_element_type3A_255, %cond3A_256 : i32
      scf.if %cond3A_257 {
        %sub3A = arith.constant 3 : i32
        %sub3A_281 = arith.subi %add3A_246, %sub3A : i32
        %mul3A_282 = arith.constant 128 : i32
        %mul3A_283 = arith.muli %sub3A_281, %mul3A_282 : i32
        %add3A_284 = arith.addi %mul3A_2, %mul3A_283 : i32
        %dma_wait3A_285 = arith.constant 0 : i32
        %dma_wait3A_286 = tpu.memref_slice %arg4[%add3A_284, %dma_wait3A_285] : memref<819200x128xf32, #tpu.memory_space<hbm>> -> memref<128x128xf32, #tpu.memory_space<hbm>>
        %dma_wait3A_287 = arith.constant 0 : i32
        %dma_wait3A_288 = tpu.memref_slice %arg4[%add3A_284, %dma_wait3A_287] : memref<819200x128xf32, #tpu.memory_space<hbm>> -> memref<128x128xf32, #tpu.memory_space<hbm>>
        tpu.wait_dma2 semaphore(%arg17 : memref<!tpu.dma_semaphore, #tpu.memory_space<semaphore_mem>>) src(%arg11 : memref<128x128xf32, #tpu.memory_space<vmem>>) dst(%dma_wait3A_288 : memref<128x128xf32, #tpu.memory_space<hbm>>)
      } else {
      }
      %scan3A_258 = arith.constant 0 : i32
      %scan3A_259 = arith.constant 0 : i32
      %scan3A_260 = arith.constant 32 : i32
      %scan3A_261 = arith.addi %scan3A_259, %scan3A_260 : i32
      %scan3A_262 = arith.constant 1 : i32
      %scan3A_263 = scf.for %scan3A_281 = %scan3A_259 to %scan3A_261 step %scan3A_262 iter_args(%scan3A_282 = %scan3A_258) -> (i32)  : i32 {
        %mul3A_283 = arith.constant 4 : i32
        %mul3A_284 = arith.muli %scan3A_281, %mul3A_283 : i32
        %add3A_285 = arith.constant 0 : i32
        %add3A_286 = arith.addi %mul3A_284, %add3A_285 : i32
        %get3A = arith.index_cast %add3A_286 : i32 to index
        %get3A_287 = arith.constant 0 : index
        %get3A_288 = tpu.vector_load %arg8[%get3A, %get3A_287] {strides = array<i32>} : memref<128x128xf32, #tpu.memory_space<vmem>>, vector<1x16xf32>,
        %get3A_289 = vector.shape_cast %get3A_288 : vector<1x16xf32> to vector<16xf32>
        %mul3A_290 = arith.constant 8.000000e+00 : f32
        %mul3A_291 = vector.broadcast %mul3A_290 : f32 to vector<16xf32>
        %mul3A_292 = arith.mulf %get3A_289, %mul3A_291 : vector<16xf32>
        %swap3A = arith.index_cast %add3A_286 : i32 to index
        %swap3A_293 = arith.constant 0 : index
        %swap3A_294 = tpu.vector_load %arg11[%swap3A, %swap3A_293] {strides = array<i32>} : memref<128x128xf32, #tpu.memory_space<vmem>>, vector<1x16xf32>,
        %swap3A_295 = vector.shape_cast %swap3A_294 : vector<1x16xf32> to vector<16xf32>
        %swap3A_296 = vector.shape_cast %mul3A_292 : vector<16xf32> to vector<1x16xf32>
        tpu.vector_store %arg11[%swap3A, %swap3A_293], %swap3A_296 {strides = array<i32>} : memref<128x128xf32, #tpu.memory_space<vmem>>, vector<1x16xf32>,
        %get3A_297 = arith.index_cast %add3A_286 : i32 to index
        %get3A_298 = arith.constant 16 : index
        %get3A_299 = tpu.vector_load %arg8[%get3A_297, %get3A_298] {strides = array<i32>} : memref<128x128xf32, #tpu.memory_space<vmem>>, vector<1x16xf32>,
        %get3A_300 = vector.shape_cast %get3A_299 : vector<1x16xf32> to vector<16xf32>
        %mul3A_301 = arith.constant 8.000000e+00 : f32
        %mul3A_302 = vector.broadcast %mul3A_301 : f32 to vector<16xf32>
        %mul3A_303 = arith.mulf %get3A_300, %mul3A_302 : vector<16xf32>
        %swap3A_304 = arith.index_cast %add3A_286 : i32 to index
        %swap3A_305 = arith.constant 16 : index
        %swap3A_306 = tpu.vector_load %arg11[%swap3A_304, %swap3A_305] {strides = array<i32>} : memref<128x128xf32, #tpu.memory_space<vmem>>, vector<1x16xf32>,
        %swap3A_307 = vector.shape_cast %swap3A_306 : vector<1x16xf32> to vector<16xf32>
        %swap3A_308 = vector.shape_cast %mul3A_303 : vector<16xf32> to vector<1x16xf32>
        tpu.vector_store %arg11[%swap3A_304, %swap3A_305], %swap3A_308 {strides = array<i32>} : memref<128x128xf32, #tpu.memory_space<vmem>>, vector<1x16xf32>,
        %get3A_309 = arith.index_cast %add3A_286 : i32 to index
        %get3A_310 = arith.constant 32 : index
        %get3A_311 = tpu.vector_load %arg8[%get3A_309, %get3A_310] {strides = array<i32>} : memref<128x128xf32, #tpu.memory_space<vmem>>, vector<1x16xf32>,
        %get3A_312 = vector.shape_cast %get3A_311 : vector<1x16xf32> to vector<16xf32>
        %mul3A_313 = arith.constant 8.000000e+00 : f32
        %mul3A_314 = vector.broadcast %mul3A_313 : f32 to vector<16xf32>
        %mul3A_315 = arith.mulf %get3A_312, %mul3A_314 : vector<16xf32>
        %swap3A_316 = arith.index_cast %add3A_286 : i32 to index
        %swap3A_317 = arith.constant 32 : index
        %swap3A_318 = tpu.vector_load %arg11[%swap3A_316, %swap3A_317] {strides = array<i32>} : memref<128x128xf32, #tpu.memory_space<vmem>>, vector<1x16xf32>,
        %swap3A_319 = vector.shape_cast %swap3A_318 : vector<1x16xf32> to vector<16xf32>
        %swap3A_320 = vector.shape_cast %mul3A_315 : vector<16xf32> to vector<1x16xf32>
        tpu.vector_store %arg11[%swap3A_316, %swap3A_317], %swap3A_320 {strides = array<i32>} : memref<128x128xf32, #tpu.memory_space<vmem>>, vector<1x16xf32>,
        %get3A_321 = arith.index_cast %add3A_286 : i32 to index
        %get3A_322 = arith.constant 48 : index
        %get3A_323 = tpu.vector_load %arg8[%get3A_321, %get3A_322] {strides = array<i32>} : memref<128x128xf32, #tpu.memory_space<vmem>>, vector<1x16xf32>,
        %get3A_324 = vector.shape_cast %get3A_323 : vector<1x16xf32> to vector<16xf32>
        %mul3A_325 = arith.constant 8.000000e+00 : f32
        %mul3A_326 = vector.broadcast %mul3A_325 : f32 to vector<16xf32>
        %mul3A_327 = arith.mulf %get3A_324, %mul3A_326 : vector<16xf32>
        %swap3A_328 = arith.index_cast %add3A_286 : i32 to index
        %swap3A_329 = arith.constant 48 : index
        %swap3A_330 = tpu.vector_load %arg11[%swap3A_328, %swap3A_329] {strides = array<i32>} : memref<128x128xf32, #tpu.memory_space<vmem>>, vector<1x16xf32>,
        %swap3A_331 = vector.shape_cast %swap3A_330 : vector<1x16xf32> to vector<16xf32>
        %swap3A_332 = vector.shape_cast %mul3A_327 : vector<16xf32> to vector<1x16xf32>
        tpu.vector_store %arg11[%swap3A_328, %swap3A_329], %swap3A_332 {strides = array<i32>} : memref<128x128xf32, #tpu.memory_space<vmem>>, vector<1x16xf32>,
        %mul3A_333 = arith.constant 4 : i32
        %mul3A_334 = arith.muli %scan3A_281, %mul3A_333 : i32
        %add3A_335 = arith.constant 1 : i32
        %add3A_336 = arith.addi %mul3A_334, %add3A_335 : i32
        %get3A_337 = arith.index_cast %add3A_336 : i32 to index
        %get3A_338 = arith.constant 0 : index
        %get3A_339 = tpu.vector_load %arg8[%get3A_337, %get3A_338] {strides = array<i32>} : memref<128x128xf32, #tpu.memory_space<vmem>>, vector<1x16xf32>,
        %get3A_340 = vector.shape_cast %get3A_339 : vector<1x16xf32> to vector<16xf32>
        %mul3A_341 = arith.constant 8.000000e+00 : f32
        %mul3A_342 = vector.broadcast %mul3A_341 : f32 to vector<16xf32>
        %mul3A_343 = arith.mulf %get3A_340, %mul3A_342 : vector<16xf32>
        %swap3A_344 = arith.index_cast %add3A_336 : i32 to index
        %swap3A_345 = arith.constant 0 : index
        %swap3A_346 = tpu.vector_load %arg11[%swap3A_344, %swap3A_345] {strides = array<i32>} : memref<128x128xf32, #tpu.memory_space<vmem>>, vector<1x16xf32>,
        %swap3A_347 = vector.shape_cast %swap3A_346 : vector<1x16xf32> to vector<16xf32>
        %swap3A_348 = vector.shape_cast %mul3A_343 : vector<16xf32> to vector<1x16xf32>
        tpu.vector_store %arg11[%swap3A_344, %swap3A_345], %swap3A_348 {strides = array<i32>} : memref<128x128xf32, #tpu.memory_space<vmem>>, vector<1x16xf32>,
        %get3A_349 = arith.index_cast %add3A_336 : i32 to index
        %get3A_350 = arith.constant 16 : index
        %get3A_351 = tpu.vector_load %arg8[%get3A_349, %get3A_350] {strides = array<i32>} : memref<128x128xf32, #tpu.memory_space<vmem>>, vector<1x16xf32>,
        %get3A_352 = vector.shape_cast %get3A_351 : vector<1x16xf32> to vector<16xf32>
        %mul3A_353 = arith.constant 8.000000e+00 : f32
        %mul3A_354 = vector.broadcast %mul3A_353 : f32 to vector<16xf32>
        %mul3A_355 = arith.mulf %get3A_352, %mul3A_354 : vector<16xf32>
        %swap3A_356 = arith.index_cast %add3A_336 : i32 to index
        %swap3A_357 = arith.constant 16 : index
        %swap3A_358 = tpu.vector_load %arg11[%swap3A_356, %swap3A_357] {strides = array<i32>} : memref<128x128xf32, #tpu.memory_space<vmem>>, vector<1x16xf32>,
        %swap3A_359 = vector.shape_cast %swap3A_358 : vector<1x16xf32> to vector<16xf32>
        %swap3A_360 = vector.shape_cast %mul3A_355 : vector<16xf32> to vector<1x16xf32>
        tpu.vector_store %arg11[%swap3A_356, %swap3A_357], %swap3A_360 {strides = array<i32>} : memref<128x128xf32, #tpu.memory_space<vmem>>, vector<1x16xf32>,
        %get3A_361 = arith.index_cast %add3A_336 : i32 to index
        %get3A_362 = arith.constant 32 : index
        %get3A_363 = tpu.vector_load %arg8[%get3A_361, %get3A_362] {strides = array<i32>} : memref<128x128xf32, #tpu.memory_space<vmem>>, vector<1x16xf32>,
        %get3A_364 = vector.shape_cast %get3A_363 : vector<1x16xf32> to vector<16xf32>
        %mul3A_365 = arith.constant 8.000000e+00 : f32
        %mul3A_366 = vector.broadcast %mul3A_365 : f32 to vector<16xf32>
        %mul3A_367 = arith.mulf %get3A_364, %mul3A_366 : vector<16xf32>
        %swap3A_368 = arith.index_cast %add3A_336 : i32 to index
        %swap3A_369 = arith.constant 32 : index
        %swap3A_370 = tpu.vector_load %arg11[%swap3A_368, %swap3A_369] {strides = array<i32>} : memref<128x128xf32, #tpu.memory_space<vmem>>, vector<1x16xf32>,
        %swap3A_371 = vector.shape_cast %swap3A_370 : vector<1x16xf32> to vector<16xf32>
        %swap3A_372 = vector.shape_cast %mul3A_367 : vector<16xf32> to vector<1x16xf32>
        tpu.vector_store %arg11[%swap3A_368, %swap3A_369], %swap3A_372 {strides = array<i32>} : memref<128x128xf32, #tpu.memory_space<vmem>>, vector<1x16xf32>,
        %get3A_373 = arith.index_cast %add3A_336 : i32 to index
        %get3A_374 = arith.constant 48 : index
        %get3A_375 = tpu.vector_load %arg8[%get3A_373, %get3A_374] {strides = array<i32>} : memref<128x128xf32, #tpu.memory_space<vmem>>, vector<1x16xf32>,
        %get3A_376 = vector.shape_cast %get3A_375 : vector<1x16xf32> to vector<16xf32>
        %mul3A_377 = arith.constant 8.000000e+00 : f32
        %mul3A_378 = vector.broadcast %mul3A_377 : f32 to vector<16xf32>
        %mul3A_379 = arith.mulf %get3A_376, %mul3A_378 : vector<16xf32>
        %swap3A_380 = arith.index_cast %add3A_336 : i32 to index
        %swap3A_381 = arith.constant 48 : index
        %swap3A_382 = tpu.vector_load %arg11[%swap3A_380, %swap3A_381] {strides = array<i32>} : memref<128x128xf32, #tpu.memory_space<vmem>>, vector<1x16xf32>,
        %swap3A_383 = vector.shape_cast %swap3A_382 : vector<1x16xf32> to vector<16xf32>
        %swap3A_384 = vector.shape_cast %mul3A_379 : vector<16xf32> to vector<1x16xf32>
        tpu.vector_store %arg11[%swap3A_380, %swap3A_381], %swap3A_384 {strides = array<i32>} : memref<128x128xf32, #tpu.memory_space<vmem>>, vector<1x16xf32>,
        %mul3A_385 = arith.constant 4 : i32
        %mul3A_386 = arith.muli %scan3A_281, %mul3A_385 : i32
        %add3A_387 = arith.constant 2 : i32
        %add3A_388 = arith.addi %mul3A_386, %add3A_387 : i32
        %get3A_389 = arith.index_cast %add3A_388 : i32 to index
        %get3A_390 = arith.constant 0 : index
        %get3A_391 = tpu.vector_load %arg8[%get3A_389, %get3A_390] {strides = array<i32>} : memref<128x128xf32, #tpu.memory_space<vmem>>, vector<1x16xf32>,
        %get3A_392 = vector.shape_cast %get3A_391 : vector<1x16xf32> to vector<16xf32>
        %mul3A_393 = arith.constant 8.000000e+00 : f32
        %mul3A_394 = vector.broadcast %mul3A_393 : f32 to vector<16xf32>
        %mul3A_395 = arith.mulf %get3A_392, %mul3A_394 : vector<16xf32>
        %swap3A_396 = arith.index_cast %add3A_388 : i32 to index
        %swap3A_397 = arith.constant 0 : index
        %swap3A_398 = tpu.vector_load %arg11[%swap3A_396, %swap3A_397] {strides = array<i32>} : memref<128x128xf32, #tpu.memory_space<vmem>>, vector<1x16xf32>,
        %swap3A_399 = vector.shape_cast %swap3A_398 : vector<1x16xf32> to vector<16xf32>
        %swap3A_400 = vector.shape_cast %mul3A_395 : vector<16xf32> to vector<1x16xf32>
        tpu.vector_store %arg11[%swap3A_396, %swap3A_397], %swap3A_400 {strides = array<i32>} : memref<128x128xf32, #tpu.memory_space<vmem>>, vector<1x16xf32>,
        %get3A_401 = arith.index_cast %add3A_388 : i32 to index
        %get3A_402 = arith.constant 16 : index
        %get3A_403 = tpu.vector_load %arg8[%get3A_401, %get3A_402] {strides = array<i32>} : memref<128x128xf32, #tpu.memory_space<vmem>>, vector<1x16xf32>,
        %get3A_404 = vector.shape_cast %get3A_403 : vector<1x16xf32> to vector<16xf32>
        %mul3A_405 = arith.constant 8.000000e+00 : f32
        %mul3A_406 = vector.broadcast %mul3A_405 : f32 to vector<16xf32>
        %mul3A_407 = arith.mulf %get3A_404, %mul3A_406 : vector<16xf32>
        %swap3A_408 = arith.index_cast %add3A_388 : i32 to index
        %swap3A_409 = arith.constant 16 : index
        %swap3A_410 = tpu.vector_load %arg11[%swap3A_408, %swap3A_409] {strides = array<i32>} : memref<128x128xf32, #tpu.memory_space<vmem>>, vector<1x16xf32>,
        %swap3A_411 = vector.shape_cast %swap3A_410 : vector<1x16xf32> to vector<16xf32>
        %swap3A_412 = vector.shape_cast %mul3A_407 : vector<16xf32> to vector<1x16xf32>
        tpu.vector_store %arg11[%swap3A_408, %swap3A_409], %swap3A_412 {strides = array<i32>} : memref<128x128xf32, #tpu.memory_space<vmem>>, vector<1x16xf32>,
        %get3A_413 = arith.index_cast %add3A_388 : i32 to index
        %get3A_414 = arith.constant 32 : index
        %get3A_415 = tpu.vector_load %arg8[%get3A_413, %get3A_414] {strides = array<i32>} : memref<128x128xf32, #tpu.memory_space<vmem>>, vector<1x16xf32>,
        %get3A_416 = vector.shape_cast %get3A_415 : vector<1x16xf32> to vector<16xf32>
        %mul3A_417 = arith.constant 8.000000e+00 : f32
        %mul3A_418 = vector.broadcast %mul3A_417 : f32 to vector<16xf32>
        %mul3A_419 = arith.mulf %get3A_416, %mul3A_418 : vector<16xf32>
        %swap3A_420 = arith.index_cast %add3A_388 : i32 to index
        %swap3A_421 = arith.constant 32 : index
        %swap3A_422 = tpu.vector_load %arg11[%swap3A_420, %swap3A_421] {strides = array<i32>} : memref<128x128xf32, #tpu.memory_space<vmem>>, vector<1x16xf32>,
        %swap3A_423 = vector.shape_cast %swap3A_422 : vector<1x16xf32> to vector<16xf32>
        %swap3A_424 = vector.shape_cast %mul3A_419 : vector<16xf32> to vector<1x16xf32>
        tpu.vector_store %arg11[%swap3A_420, %swap3A_421], %swap3A_424 {strides = array<i32>} : memref<128x128xf32, #tpu.memory_space<vmem>>, vector<1x16xf32>,
        %get3A_425 = arith.index_cast %add3A_388 : i32 to index
        %get3A_426 = arith.constant 48 : index
        %get3A_427 = tpu.vector_load %arg8[%get3A_425, %get3A_426] {strides = array<i32>} : memref<128x128xf32, #tpu.memory_space<vmem>>, vector<1x16xf32>,
        %get3A_428 = vector.shape_cast %get3A_427 : vector<1x16xf32> to vector<16xf32>
        %mul3A_429 = arith.constant 8.000000e+00 : f32
        %mul3A_430 = vector.broadcast %mul3A_429 : f32 to vector<16xf32>
        %mul3A_431 = arith.mulf %get3A_428, %mul3A_430 : vector<16xf32>
        %swap3A_432 = arith.index_cast %add3A_388 : i32 to index
        %swap3A_433 = arith.constant 48 : index
        %swap3A_434 = tpu.vector_load %arg11[%swap3A_432, %swap3A_433] {strides = array<i32>} : memref<128x128xf32, #tpu.memory_space<vmem>>, vector<1x16xf32>,
        %swap3A_435 = vector.shape_cast %swap3A_434 : vector<1x16xf32> to vector<16xf32>
        %swap3A_436 = vector.shape_cast %mul3A_431 : vector<16xf32> to vector<1x16xf32>
        tpu.vector_store %arg11[%swap3A_432, %swap3A_433], %swap3A_436 {strides = array<i32>} : memref<128x128xf32, #tpu.memory_space<vmem>>, vector<1x16xf32>,
        %mul3A_437 = arith.constant 4 : i32
        %mul3A_438 = arith.muli %scan3A_281, %mul3A_437 : i32
        %add3A_439 = arith.constant 3 : i32
        %add3A_440 = arith.addi %mul3A_438, %add3A_439 : i32
        %get3A_441 = arith.index_cast %add3A_440 : i32 to index
        %get3A_442 = arith.constant 0 : index
        %get3A_443 = tpu.vector_load %arg8[%get3A_441, %get3A_442] {strides = array<i32>} : memref<128x128xf32, #tpu.memory_space<vmem>>, vector<1x16xf32>,
        %get3A_444 = vector.shape_cast %get3A_443 : vector<1x16xf32> to vector<16xf32>
        %mul3A_445 = arith.constant 8.000000e+00 : f32
        %mul3A_446 = vector.broadcast %mul3A_445 : f32 to vector<16xf32>
        %mul3A_447 = arith.mulf %get3A_444, %mul3A_446 : vector<16xf32>
        %swap3A_448 = arith.index_cast %add3A_440 : i32 to index
        %swap3A_449 = arith.constant 0 : index
        %swap3A_450 = tpu.vector_load %arg11[%swap3A_448, %swap3A_449] {strides = array<i32>} : memref<128x128xf32, #tpu.memory_space<vmem>>, vector<1x16xf32>,
        %swap3A_451 = vector.shape_cast %swap3A_450 : vector<1x16xf32> to vector<16xf32>
        %swap3A_452 = vector.shape_cast %mul3A_447 : vector<16xf32> to vector<1x16xf32>
        tpu.vector_store %arg11[%swap3A_448, %swap3A_449], %swap3A_452 {strides = array<i32>} : memref<128x128xf32, #tpu.memory_space<vmem>>, vector<1x16xf32>,
        %get3A_453 = arith.index_cast %add3A_440 : i32 to index
        %get3A_454 = arith.constant 16 : index
        %get3A_455 = tpu.vector_load %arg8[%get3A_453, %get3A_454] {strides = array<i32>} : memref<128x128xf32, #tpu.memory_space<vmem>>, vector<1x16xf32>,
        %get3A_456 = vector.shape_cast %get3A_455 : vector<1x16xf32> to vector<16xf32>
        %mul3A_457 = arith.constant 8.000000e+00 : f32
        %mul3A_458 = vector.broadcast %mul3A_457 : f32 to vector<16xf32>
        %mul3A_459 = arith.mulf %get3A_456, %mul3A_458 : vector<16xf32>
        %swap3A_460 = arith.index_cast %add3A_440 : i32 to index
        %swap3A_461 = arith.constant 16 : index
        %swap3A_462 = tpu.vector_load %arg11[%swap3A_460, %swap3A_461] {strides = array<i32>} : memref<128x128xf32, #tpu.memory_space<vmem>>, vector<1x16xf32>,
        %swap3A_463 = vector.shape_cast %swap3A_462 : vector<1x16xf32> to vector<16xf32>
        %swap3A_464 = vector.shape_cast %mul3A_459 : vector<16xf32> to vector<1x16xf32>
        tpu.vector_store %arg11[%swap3A_460, %swap3A_461], %swap3A_464 {strides = array<i32>} : memref<128x128xf32, #tpu.memory_space<vmem>>, vector<1x16xf32>,
        %get3A_465 = arith.index_cast %add3A_440 : i32 to index
        %get3A_466 = arith.constant 32 : index
        %get3A_467 = tpu.vector_load %arg8[%get3A_465, %get3A_466] {strides = array<i32>} : memref<128x128xf32, #tpu.memory_space<vmem>>, vector<1x16xf32>,
        %get3A_468 = vector.shape_cast %get3A_467 : vector<1x16xf32> to vector<16xf32>
        %mul3A_469 = arith.constant 8.000000e+00 : f32
        %mul3A_470 = vector.broadcast %mul3A_469 : f32 to vector<16xf32>
        %mul3A_471 = arith.mulf %get3A_468, %mul3A_470 : vector<16xf32>
        %swap3A_472 = arith.index_cast %add3A_440 : i32 to index
        %swap3A_473 = arith.constant 32 : index
        %swap3A_474 = tpu.vector_load %arg11[%swap3A_472, %swap3A_473] {strides = array<i32>} : memref<128x128xf32, #tpu.memory_space<vmem>>, vector<1x16xf32>,
        %swap3A_475 = vector.shape_cast %swap3A_474 : vector<1x16xf32> to vector<16xf32>
        %swap3A_476 = vector.shape_cast %mul3A_471 : vector<16xf32> to vector<1x16xf32>
        tpu.vector_store %arg11[%swap3A_472, %swap3A_473], %swap3A_476 {strides = array<i32>} : memref<128x128xf32, #tpu.memory_space<vmem>>, vector<1x16xf32>,
        %get3A_477 = arith.index_cast %add3A_440 : i32 to index
        %get3A_478 = arith.constant 48 : index
        %get3A_479 = tpu.vector_load %arg8[%get3A_477, %get3A_478] {strides = array<i32>} : memref<128x128xf32, #tpu.memory_space<vmem>>, vector<1x16xf32>,
        %get3A_480 = vector.shape_cast %get3A_479 : vector<1x16xf32> to vector<16xf32>
        %mul3A_481 = arith.constant 8.000000e+00 : f32
        %mul3A_482 = vector.broadcast %mul3A_481 : f32 to vector<16xf32>
        %mul3A_483 = arith.mulf %get3A_480, %mul3A_482 : vector<16xf32>
        %swap3A_484 = arith.index_cast %add3A_440 : i32 to index
        %swap3A_485 = arith.constant 48 : index
        %swap3A_486 = tpu.vector_load %arg11[%swap3A_484, %swap3A_485] {strides = array<i32>} : memref<128x128xf32, #tpu.memory_space<vmem>>, vector<1x16xf32>,
        %swap3A_487 = vector.shape_cast %swap3A_486 : vector<1x16xf32> to vector<16xf32>
        %swap3A_488 = vector.shape_cast %mul3A_483 : vector<16xf32> to vector<1x16xf32>
        tpu.vector_store %arg11[%swap3A_484, %swap3A_485], %swap3A_488 {strides = array<i32>} : memref<128x128xf32, #tpu.memory_space<vmem>>, vector<1x16xf32>,
        %scan3A_489 = arith.constant 0 : i32
        scf.yield %scan3A_489 : i32
      }
      %scan3A_264 = arith.constant 32 : i32
      %mul3A_265 = arith.constant 128 : i32
      %mul3A_266 = arith.muli %add3A_246, %mul3A_265 : i32
      %add3A_267 = arith.addi %mul3A_2, %mul3A_266 : i32
      %dma_start3A_268 = arith.constant 0 : i32
      %dma_start3A_269 = tpu.memref_slice %arg4[%add3A_267, %dma_start3A_268] : memref<819200x128xf32, #tpu.memory_space<hbm>> -> memref<128x128xf32, #tpu.memory_space<hbm>>
      %dma_start3A_270 = arith.constant 0 : i32
      %dma_start3A_271 = tpu.memref_slice %arg4[%add3A_267, %dma_start3A_270] : memref<819200x128xf32, #tpu.memory_space<hbm>> -> memref<128x128xf32, #tpu.memory_space<hbm>>
      tpu.enqueue_dma source(%arg11 : memref<128x128xf32, #tpu.memory_space<vmem>>) target(%dma_start3A_271 : memref<128x128xf32, #tpu.memory_space<hbm>>) target_semaphore(%arg17 : memref<!tpu.dma_semaphore, #tpu.memory_space<semaphore_mem>>)
      %add3A_272 = arith.constant 3 : i32
      %add3A_273 = arith.addi %add3A_246, %add3A_272 : i32
      %mul3A_274 = arith.constant 128 : i32
      %mul3A_275 = arith.muli %add3A_273, %mul3A_274 : i32
      %dma_start3A_276 = tpu.memref_slice %arg5[%mul3A_275] : memref<25600xi32, #tpu.memory_space<vmem>> -> memref<128xi32, #tpu.memory_space<vmem>>
      %dma_start3A_277 = arith.constant 0 : i32
      %dma_start3A_278 = arith.constant 0 : i32
      %dma_start3A_279 = tpu.memref_slice %arg3[%dma_start3A_277, %dma_start3A_278] : memref<1000000x128xf32, #tpu.memory_space<hbm>> -> memref<1000000x128xf32, #tpu.memory_space<hbm>>
      tpu.enqueue_indirect_dma source(%dma_start3A_279 : memref<1000000x128xf32, #tpu.memory_space<hbm>>) target(%arg8 : memref<128x128xf32, #tpu.memory_space<vmem>>) offsets(%dma_start3A_276 : memref<128xi32, #tpu.memory_space<vmem>>) semaphore(%arg14 : memref<!tpu.dma_semaphore, #tpu.memory_space<semaphore_mem>>)
      %scan3A_280 = arith.constant 0 : i32
      scf.yield %scan3A_280 : i32
    }
    %scan3A_22 = arith.constant 65 : i32
    %dma_wait3A = arith.constant 24960 : i32
    %dma_wait3A_23 = tpu.memref_slice %arg5[%dma_wait3A] : memref<25600xi32, #tpu.memory_space<vmem>> -> memref<128xi32, #tpu.memory_space<vmem>>
    %dma_wait3A_24 = arith.constant 0 : i32
    %dma_wait3A_25 = arith.constant 0 : i32
    %dma_wait3A_26 = tpu.memref_slice %arg3[%dma_wait3A_24, %dma_wait3A_25] : memref<1000000x128xf32, #tpu.memory_space<hbm>> -> memref<1000000x128xf32, #tpu.memory_space<hbm>>
    tpu.wait_indirect_dma semaphore(%arg12 : memref<!tpu.dma_semaphore, #tpu.memory_space<semaphore_mem>>) src(%dma_wait3A_26 : memref<1000000x128xf32, #tpu.memory_space<hbm>>) dst(%arg6 : memref<128x128xf32, #tpu.memory_space<vmem>>)
    %add3A_27 = arith.constant 24576 : i32
    %add3A_28 = arith.addi %mul3A_2, %add3A_27 : i32
    %dma_wait3A_29 = arith.constant 0 : i32
    %dma_wait3A_30 = tpu.memref_slice %arg4[%add3A_28, %dma_wait3A_29] : memref<819200x128xf32, #tpu.memory_space<hbm>> -> memref<128x128xf32, #tpu.memory_space<hbm>>
    %dma_wait3A_31 = arith.constant 0 : i32
    %dma_wait3A_32 = tpu.memref_slice %arg4[%add3A_28, %dma_wait3A_31] : memref<819200x128xf32, #tpu.memory_space<hbm>> -> memref<128x128xf32, #tpu.memory_space<hbm>>
    tpu.wait_dma2 semaphore(%arg15 : memref<!tpu.dma_semaphore, #tpu.memory_space<semaphore_mem>>) src(%arg9 : memref<128x128xf32, #tpu.memory_space<vmem>>) dst(%dma_wait3A_32 : memref<128x128xf32, #tpu.memory_space<hbm>>)
    %scan3A_33 = arith.constant 0 : i32
    %scan3A_34 = arith.constant 0 : i32
    %scan3A_35 = arith.constant 32 : i32
    %scan3A_36 = arith.addi %scan3A_34, %scan3A_35 : i32
    %scan3A_37 = arith.constant 1 : i32
    %scan3A_38 = scf.for %scan3A_170 = %scan3A_34 to %scan3A_36 step %scan3A_37 iter_args(%scan3A_171 = %scan3A_33) -> (i32)  : i32 {
      %mul3A_172 = arith.constant 4 : i32
      %mul3A_173 = arith.muli %scan3A_170, %mul3A_172 : i32
      %add3A_174 = arith.constant 0 : i32
      %add3A_175 = arith.addi %mul3A_173, %add3A_174 : i32
      %get3A = arith.index_cast %add3A_175 : i32 to index
      %get3A_176 = arith.constant 0 : index
      %get3A_177 = tpu.vector_load %arg6[%get3A, %get3A_176] {strides = array<i32>} : memref<128x128xf32, #tpu.memory_space<vmem>>, vector<1x16xf32>,
      %get3A_178 = vector.shape_cast %get3A_177 : vector<1x16xf32> to vector<16xf32>
      %mul3A_179 = arith.constant 8.000000e+00 : f32
      %mul3A_180 = vector.broadcast %mul3A_179 : f32 to vector<16xf32>
      %mul3A_181 = arith.mulf %get3A_178, %mul3A_180 : vector<16xf32>
      %swap3A = arith.index_cast %add3A_175 : i32 to index
      %swap3A_182 = arith.constant 0 : index
      %swap3A_183 = tpu.vector_load %arg9[%swap3A, %swap3A_182] {strides = array<i32>} : memref<128x128xf32, #tpu.memory_space<vmem>>, vector<1x16xf32>,
      %swap3A_184 = vector.shape_cast %swap3A_183 : vector<1x16xf32> to vector<16xf32>
      %swap3A_185 = vector.shape_cast %mul3A_181 : vector<16xf32> to vector<1x16xf32>
      tpu.vector_store %arg9[%swap3A, %swap3A_182], %swap3A_185 {strides = array<i32>} : memref<128x128xf32, #tpu.memory_space<vmem>>, vector<1x16xf32>,
      %get3A_186 = arith.index_cast %add3A_175 : i32 to index
      %get3A_187 = arith.constant 16 : index
      %get3A_188 = tpu.vector_load %arg6[%get3A_186, %get3A_187] {strides = array<i32>} : memref<128x128xf32, #tpu.memory_space<vmem>>, vector<1x16xf32>,
      %get3A_189 = vector.shape_cast %get3A_188 : vector<1x16xf32> to vector<16xf32>
      %mul3A_190 = arith.constant 8.000000e+00 : f32
      %mul3A_191 = vector.broadcast %mul3A_190 : f32 to vector<16xf32>
      %mul3A_192 = arith.mulf %get3A_189, %mul3A_191 : vector<16xf32>
      %swap3A_193 = arith.index_cast %add3A_175 : i32 to index
      %swap3A_194 = arith.constant 16 : index
      %swap3A_195 = tpu.vector_load %arg9[%swap3A_193, %swap3A_194] {strides = array<i32>} : memref<128x128xf32, #tpu.memory_space<vmem>>, vector<1x16xf32>,
      %swap3A_196 = vector.shape_cast %swap3A_195 : vector<1x16xf32> to vector<16xf32>
      %swap3A_197 = vector.shape_cast %mul3A_192 : vector<16xf32> to vector<1x16xf32>
      tpu.vector_store %arg9[%swap3A_193, %swap3A_194], %swap3A_197 {strides = array<i32>} : memref<128x128xf32, #tpu.memory_space<vmem>>, vector<1x16xf32>,
      %get3A_198 = arith.index_cast %add3A_175 : i32 to index
      %get3A_199 = arith.constant 32 : index
      %get3A_200 = tpu.vector_load %arg6[%get3A_198, %get3A_199] {strides = array<i32>} : memref<128x128xf32, #tpu.memory_space<vmem>>, vector<1x16xf32>,
      %get3A_201 = vector.shape_cast %get3A_200 : vector<1x16xf32> to vector<16xf32>
      %mul3A_202 = arith.constant 8.000000e+00 : f32
      %mul3A_203 = vector.broadcast %mul3A_202 : f32 to vector<16xf32>
      %mul3A_204 = arith.mulf %get3A_201, %mul3A_203 : vector<16xf32>
      %swap3A_205 = arith.index_cast %add3A_175 : i32 to index
      %swap3A_206 = arith.constant 32 : index
      %swap3A_207 = tpu.vector_load %arg9[%swap3A_205, %swap3A_206] {strides = array<i32>} : memref<128x128xf32, #tpu.memory_space<vmem>>, vector<1x16xf32>,
      %swap3A_208 = vector.shape_cast %swap3A_207 : vector<1x16xf32> to vector<16xf32>
      %swap3A_209 = vector.shape_cast %mul3A_204 : vector<16xf32> to vector<1x16xf32>
      tpu.vector_store %arg9[%swap3A_205, %swap3A_206], %swap3A_209 {strides = array<i32>} : memref<128x128xf32, #tpu.memory_space<vmem>>, vector<1x16xf32>,
      %get3A_210 = arith.index_cast %add3A_175 : i32 to index
      %get3A_211 = arith.constant 48 : index
      %get3A_212 = tpu.vector_load %arg6[%get3A_210, %get3A_211] {strides = array<i32>} : memref<128x128xf32, #tpu.memory_space<vmem>>, vector<1x16xf32>,
      %get3A_213 = vector.shape_cast %get3A_212 : vector<1x16xf32> to vector<16xf32>
      %mul3A_214 = arith.constant 8.000000e+00 : f32
      %mul3A_215 = vector.broadcast %mul3A_214 : f32 to vector<16xf32>
      %mul3A_216 = arith.mulf %get3A_213, %mul3A_215 : vector<16xf32>
      %swap3A_217 = arith.index_cast %add3A_175 : i32 to index
      %swap3A_218 = arith.constant 48 : index
      %swap3A_219 = tpu.vector_load %arg9[%swap3A_217, %swap3A_218] {strides = array<i32>} : memref<128x128xf32, #tpu.memory_space<vmem>>, vector<1x16xf32>,
      %swap3A_220 = vector.shape_cast %swap3A_219 : vector<1x16xf32> to vector<16xf32>
      %swap3A_221 = vector.shape_cast %mul3A_216 : vector<16xf32> to vector<1x16xf32>
      tpu.vector_store %arg9[%swap3A_217, %swap3A_218], %swap3A_221 {strides = array<i32>} : memref<128x128xf32, #tpu.memory_space<vmem>>, vector<1x16xf32>,
      %mul3A_222 = arith.constant 4 : i32
      %mul3A_223 = arith.muli %scan3A_170, %mul3A_222 : i32
      %add3A_224 = arith.constant 1 : i32
      %add3A_225 = arith.addi %mul3A_223, %add3A_224 : i32
      %get3A_226 = arith.index_cast %add3A_225 : i32 to index
      %get3A_227 = arith.constant 0 : index
      %get3A_228 = tpu.vector_load %arg6[%get3A_226, %get3A_227] {strides = array<i32>} : memref<128x128xf32, #tpu.memory_space<vmem>>, vector<1x16xf32>,
      %get3A_229 = vector.shape_cast %get3A_228 : vector<1x16xf32> to vector<16xf32>
      %mul3A_230 = arith.constant 8.000000e+00 : f32
      %mul3A_231 = vector.broadcast %mul3A_230 : f32 to vector<16xf32>
      %mul3A_232 = arith.mulf %get3A_229, %mul3A_231 : vector<16xf32>
      %swap3A_233 = arith.index_cast %add3A_225 : i32 to index
      %swap3A_234 = arith.constant 0 : index
      %swap3A_235 = tpu.vector_load %arg9[%swap3A_233, %swap3A_234] {strides = array<i32>} : memref<128x128xf32, #tpu.memory_space<vmem>>, vector<1x16xf32>,
      %swap3A_236 = vector.shape_cast %swap3A_235 : vector<1x16xf32> to vector<16xf32>
      %swap3A_237 = vector.shape_cast %mul3A_232 : vector<16xf32> to vector<1x16xf32>
      tpu.vector_store %arg9[%swap3A_233, %swap3A_234], %swap3A_237 {strides = array<i32>} : memref<128x128xf32, #tpu.memory_space<vmem>>, vector<1x16xf32>,
      %get3A_238 = arith.index_cast %add3A_225 : i32 to index
      %get3A_239 = arith.constant 16 : index
      %get3A_240 = tpu.vector_load %arg6[%get3A_238, %get3A_239] {strides = array<i32>} : memref<128x128xf32, #tpu.memory_space<vmem>>, vector<1x16xf32>,
      %get3A_241 = vector.shape_cast %get3A_240 : vector<1x16xf32> to vector<16xf32>
      %mul3A_242 = arith.constant 8.000000e+00 : f32
      %mul3A_243 = vector.broadcast %mul3A_242 : f32 to vector<16xf32>
      %mul3A_244 = arith.mulf %get3A_241, %mul3A_243 : vector<16xf32>
      %swap3A_245 = arith.index_cast %add3A_225 : i32 to index
      %swap3A_246 = arith.constant 16 : index
      %swap3A_247 = tpu.vector_load %arg9[%swap3A_245, %swap3A_246] {strides = array<i32>} : memref<128x128xf32, #tpu.memory_space<vmem>>, vector<1x16xf32>,
      %swap3A_248 = vector.shape_cast %swap3A_247 : vector<1x16xf32> to vector<16xf32>
      %swap3A_249 = vector.shape_cast %mul3A_244 : vector<16xf32> to vector<1x16xf32>
      tpu.vector_store %arg9[%swap3A_245, %swap3A_246], %swap3A_249 {strides = array<i32>} : memref<128x128xf32, #tpu.memory_space<vmem>>, vector<1x16xf32>,
      %get3A_250 = arith.index_cast %add3A_225 : i32 to index
      %get3A_251 = arith.constant 32 : index
      %get3A_252 = tpu.vector_load %arg6[%get3A_250, %get3A_251] {strides = array<i32>} : memref<128x128xf32, #tpu.memory_space<vmem>>, vector<1x16xf32>,
      %get3A_253 = vector.shape_cast %get3A_252 : vector<1x16xf32> to vector<16xf32>
      %mul3A_254 = arith.constant 8.000000e+00 : f32
      %mul3A_255 = vector.broadcast %mul3A_254 : f32 to vector<16xf32>
      %mul3A_256 = arith.mulf %get3A_253, %mul3A_255 : vector<16xf32>
      %swap3A_257 = arith.index_cast %add3A_225 : i32 to index
      %swap3A_258 = arith.constant 32 : index
      %swap3A_259 = tpu.vector_load %arg9[%swap3A_257, %swap3A_258] {strides = array<i32>} : memref<128x128xf32, #tpu.memory_space<vmem>>, vector<1x16xf32>,
      %swap3A_260 = vector.shape_cast %swap3A_259 : vector<1x16xf32> to vector<16xf32>
      %swap3A_261 = vector.shape_cast %mul3A_256 : vector<16xf32> to vector<1x16xf32>
      tpu.vector_store %arg9[%swap3A_257, %swap3A_258], %swap3A_261 {strides = array<i32>} : memref<128x128xf32, #tpu.memory_space<vmem>>, vector<1x16xf32>,
      %get3A_262 = arith.index_cast %add3A_225 : i32 to index
      %get3A_263 = arith.constant 48 : index
      %get3A_264 = tpu.vector_load %arg6[%get3A_262, %get3A_263] {strides = array<i32>} : memref<128x128xf32, #tpu.memory_space<vmem>>, vector<1x16xf32>,
      %get3A_265 = vector.shape_cast %get3A_264 : vector<1x16xf32> to vector<16xf32>
      %mul3A_266 = arith.constant 8.000000e+00 : f32
      %mul3A_267 = vector.broadcast %mul3A_266 : f32 to vector<16xf32>
      %mul3A_268 = arith.mulf %get3A_265, %mul3A_267 : vector<16xf32>
      %swap3A_269 = arith.index_cast %add3A_225 : i32 to index
      %swap3A_270 = arith.constant 48 : index
      %swap3A_271 = tpu.vector_load %arg9[%swap3A_269, %swap3A_270] {strides = array<i32>} : memref<128x128xf32, #tpu.memory_space<vmem>>, vector<1x16xf32>,
      %swap3A_272 = vector.shape_cast %swap3A_271 : vector<1x16xf32> to vector<16xf32>
      %swap3A_273 = vector.shape_cast %mul3A_268 : vector<16xf32> to vector<1x16xf32>
      tpu.vector_store %arg9[%swap3A_269, %swap3A_270], %swap3A_273 {strides = array<i32>} : memref<128x128xf32, #tpu.memory_space<vmem>>, vector<1x16xf32>,
      %mul3A_274 = arith.constant 4 : i32
      %mul3A_275 = arith.muli %scan3A_170, %mul3A_274 : i32
      %add3A_276 = arith.constant 2 : i32
      %add3A_277 = arith.addi %mul3A_275, %add3A_276 : i32
      %get3A_278 = arith.index_cast %add3A_277 : i32 to index
      %get3A_279 = arith.constant 0 : index
      %get3A_280 = tpu.vector_load %arg6[%get3A_278, %get3A_279] {strides = array<i32>} : memref<128x128xf32, #tpu.memory_space<vmem>>, vector<1x16xf32>,
      %get3A_281 = vector.shape_cast %get3A_280 : vector<1x16xf32> to vector<16xf32>
      %mul3A_282 = arith.constant 8.000000e+00 : f32
      %mul3A_283 = vector.broadcast %mul3A_282 : f32 to vector<16xf32>
      %mul3A_284 = arith.mulf %get3A_281, %mul3A_283 : vector<16xf32>
      %swap3A_285 = arith.index_cast %add3A_277 : i32 to index
      %swap3A_286 = arith.constant 0 : index
      %swap3A_287 = tpu.vector_load %arg9[%swap3A_285, %swap3A_286] {strides = array<i32>} : memref<128x128xf32, #tpu.memory_space<vmem>>, vector<1x16xf32>,
      %swap3A_288 = vector.shape_cast %swap3A_287 : vector<1x16xf32> to vector<16xf32>
      %swap3A_289 = vector.shape_cast %mul3A_284 : vector<16xf32> to vector<1x16xf32>
      tpu.vector_store %arg9[%swap3A_285, %swap3A_286], %swap3A_289 {strides = array<i32>} : memref<128x128xf32, #tpu.memory_space<vmem>>, vector<1x16xf32>,
      %get3A_290 = arith.index_cast %add3A_277 : i32 to index
      %get3A_291 = arith.constant 16 : index
      %get3A_292 = tpu.vector_load %arg6[%get3A_290, %get3A_291] {strides = array<i32>} : memref<128x128xf32, #tpu.memory_space<vmem>>, vector<1x16xf32>,
      %get3A_293 = vector.shape_cast %get3A_292 : vector<1x16xf32> to vector<16xf32>
      %mul3A_294 = arith.constant 8.000000e+00 : f32
      %mul3A_295 = vector.broadcast %mul3A_294 : f32 to vector<16xf32>
      %mul3A_296 = arith.mulf %get3A_293, %mul3A_295 : vector<16xf32>
      %swap3A_297 = arith.index_cast %add3A_277 : i32 to index
      %swap3A_298 = arith.constant 16 : index
      %swap3A_299 = tpu.vector_load %arg9[%swap3A_297, %swap3A_298] {strides = array<i32>} : memref<128x128xf32, #tpu.memory_space<vmem>>, vector<1x16xf32>,
      %swap3A_300 = vector.shape_cast %swap3A_299 : vector<1x16xf32> to vector<16xf32>
      %swap3A_301 = vector.shape_cast %mul3A_296 : vector<16xf32> to vector<1x16xf32>
      tpu.vector_store %arg9[%swap3A_297, %swap3A_298], %swap3A_301 {strides = array<i32>} : memref<128x128xf32, #tpu.memory_space<vmem>>, vector<1x16xf32>,
      %get3A_302 = arith.index_cast %add3A_277 : i32 to index
      %get3A_303 = arith.constant 32 : index
      %get3A_304 = tpu.vector_load %arg6[%get3A_302, %get3A_303] {strides = array<i32>} : memref<128x128xf32, #tpu.memory_space<vmem>>, vector<1x16xf32>,
      %get3A_305 = vector.shape_cast %get3A_304 : vector<1x16xf32> to vector<16xf32>
      %mul3A_306 = arith.constant 8.000000e+00 : f32
      %mul3A_307 = vector.broadcast %mul3A_306 : f32 to vector<16xf32>
      %mul3A_308 = arith.mulf %get3A_305, %mul3A_307 : vector<16xf32>
      %swap3A_309 = arith.index_cast %add3A_277 : i32 to index
      %swap3A_310 = arith.constant 32 : index
      %swap3A_311 = tpu.vector_load %arg9[%swap3A_309, %swap3A_310] {strides = array<i32>} : memref<128x128xf32, #tpu.memory_space<vmem>>, vector<1x16xf32>,
      %swap3A_312 = vector.shape_cast %swap3A_311 : vector<1x16xf32> to vector<16xf32>
      %swap3A_313 = vector.shape_cast %mul3A_308 : vector<16xf32> to vector<1x16xf32>
      tpu.vector_store %arg9[%swap3A_309, %swap3A_310], %swap3A_313 {strides = array<i32>} : memref<128x128xf32, #tpu.memory_space<vmem>>, vector<1x16xf32>,
      %get3A_314 = arith.index_cast %add3A_277 : i32 to index
      %get3A_315 = arith.constant 48 : index
      %get3A_316 = tpu.vector_load %arg6[%get3A_314, %get3A_315] {strides = array<i32>} : memref<128x128xf32, #tpu.memory_space<vmem>>, vector<1x16xf32>,
      %get3A_317 = vector.shape_cast %get3A_316 : vector<1x16xf32> to vector<16xf32>
      %mul3A_318 = arith.constant 8.000000e+00 : f32
      %mul3A_319 = vector.broadcast %mul3A_318 : f32 to vector<16xf32>
      %mul3A_320 = arith.mulf %get3A_317, %mul3A_319 : vector<16xf32>
      %swap3A_321 = arith.index_cast %add3A_277 : i32 to index
      %swap3A_322 = arith.constant 48 : index
      %swap3A_323 = tpu.vector_load %arg9[%swap3A_321, %swap3A_322] {strides = array<i32>} : memref<128x128xf32, #tpu.memory_space<vmem>>, vector<1x16xf32>,
      %swap3A_324 = vector.shape_cast %swap3A_323 : vector<1x16xf32> to vector<16xf32>
      %swap3A_325 = vector.shape_cast %mul3A_320 : vector<16xf32> to vector<1x16xf32>
      tpu.vector_store %arg9[%swap3A_321, %swap3A_322], %swap3A_325 {strides = array<i32>} : memref<128x128xf32, #tpu.memory_space<vmem>>, vector<1x16xf32>,
      %mul3A_326 = arith.constant 4 : i32
      %mul3A_327 = arith.muli %scan3A_170, %mul3A_326 : i32
      %add3A_328 = arith.constant 3 : i32
      %add3A_329 = arith.addi %mul3A_327, %add3A_328 : i32
      %get3A_330 = arith.index_cast %add3A_329 : i32 to index
      %get3A_331 = arith.constant 0 : index
      %get3A_332 = tpu.vector_load %arg6[%get3A_330, %get3A_331] {strides = array<i32>} : memref<128x128xf32, #tpu.memory_space<vmem>>, vector<1x16xf32>,
      %get3A_333 = vector.shape_cast %get3A_332 : vector<1x16xf32> to vector<16xf32>
      %mul3A_334 = arith.constant 8.000000e+00 : f32
      %mul3A_335 = vector.broadcast %mul3A_334 : f32 to vector<16xf32>
      %mul3A_336 = arith.mulf %get3A_333, %mul3A_335 : vector<16xf32>
      %swap3A_337 = arith.index_cast %add3A_329 : i32 to index
      %swap3A_338 = arith.constant 0 : index
      %swap3A_339 = tpu.vector_load %arg9[%swap3A_337, %swap3A_338] {strides = array<i32>} : memref<128x128xf32, #tpu.memory_space<vmem>>, vector<1x16xf32>,
      %swap3A_340 = vector.shape_cast %swap3A_339 : vector<1x16xf32> to vector<16xf32>
      %swap3A_341 = vector.shape_cast %mul3A_336 : vector<16xf32> to vector<1x16xf32>
      tpu.vector_store %arg9[%swap3A_337, %swap3A_338], %swap3A_341 {strides = array<i32>} : memref<128x128xf32, #tpu.memory_space<vmem>>, vector<1x16xf32>,
      %get3A_342 = arith.index_cast %add3A_329 : i32 to index
      %get3A_343 = arith.constant 16 : index
      %get3A_344 = tpu.vector_load %arg6[%get3A_342, %get3A_343] {strides = array<i32>} : memref<128x128xf32, #tpu.memory_space<vmem>>, vector<1x16xf32>,
      %get3A_345 = vector.shape_cast %get3A_344 : vector<1x16xf32> to vector<16xf32>
      %mul3A_346 = arith.constant 8.000000e+00 : f32
      %mul3A_347 = vector.broadcast %mul3A_346 : f32 to vector<16xf32>
      %mul3A_348 = arith.mulf %get3A_345, %mul3A_347 : vector<16xf32>
      %swap3A_349 = arith.index_cast %add3A_329 : i32 to index
      %swap3A_350 = arith.constant 16 : index
      %swap3A_351 = tpu.vector_load %arg9[%swap3A_349, %swap3A_350] {strides = array<i32>} : memref<128x128xf32, #tpu.memory_space<vmem>>, vector<1x16xf32>,
      %swap3A_352 = vector.shape_cast %swap3A_351 : vector<1x16xf32> to vector<16xf32>
      %swap3A_353 = vector.shape_cast %mul3A_348 : vector<16xf32> to vector<1x16xf32>
      tpu.vector_store %arg9[%swap3A_349, %swap3A_350], %swap3A_353 {strides = array<i32>} : memref<128x128xf32, #tpu.memory_space<vmem>>, vector<1x16xf32>,
      %get3A_354 = arith.index_cast %add3A_329 : i32 to index
      %get3A_355 = arith.constant 32 : index
      %get3A_356 = tpu.vector_load %arg6[%get3A_354, %get3A_355] {strides = array<i32>} : memref<128x128xf32, #tpu.memory_space<vmem>>, vector<1x16xf32>,
      %get3A_357 = vector.shape_cast %get3A_356 : vector<1x16xf32> to vector<16xf32>
      %mul3A_358 = arith.constant 8.000000e+00 : f32
      %mul3A_359 = vector.broadcast %mul3A_358 : f32 to vector<16xf32>
      %mul3A_360 = arith.mulf %get3A_357, %mul3A_359 : vector<16xf32>
      %swap3A_361 = arith.index_cast %add3A_329 : i32 to index
      %swap3A_362 = arith.constant 32 : index
      %swap3A_363 = tpu.vector_load %arg9[%swap3A_361, %swap3A_362] {strides = array<i32>} : memref<128x128xf32, #tpu.memory_space<vmem>>, vector<1x16xf32>,
      %swap3A_364 = vector.shape_cast %swap3A_363 : vector<1x16xf32> to vector<16xf32>
      %swap3A_365 = vector.shape_cast %mul3A_360 : vector<16xf32> to vector<1x16xf32>
      tpu.vector_store %arg9[%swap3A_361, %swap3A_362], %swap3A_365 {strides = array<i32>} : memref<128x128xf32, #tpu.memory_space<vmem>>, vector<1x16xf32>,
      %get3A_366 = arith.index_cast %add3A_329 : i32 to index
      %get3A_367 = arith.constant 48 : index
      %get3A_368 = tpu.vector_load %arg6[%get3A_366, %get3A_367] {strides = array<i32>} : memref<128x128xf32, #tpu.memory_space<vmem>>, vector<1x16xf32>,
      %get3A_369 = vector.shape_cast %get3A_368 : vector<1x16xf32> to vector<16xf32>
      %mul3A_370 = arith.constant 8.000000e+00 : f32
      %mul3A_371 = vector.broadcast %mul3A_370 : f32 to vector<16xf32>
      %mul3A_372 = arith.mulf %get3A_369, %mul3A_371 : vector<16xf32>
      %swap3A_373 = arith.index_cast %add3A_329 : i32 to index
      %swap3A_374 = arith.constant 48 : index
      %swap3A_375 = tpu.vector_load %arg9[%swap3A_373, %swap3A_374] {strides = array<i32>} : memref<128x128xf32, #tpu.memory_space<vmem>>, vector<1x16xf32>,
      %swap3A_376 = vector.shape_cast %swap3A_375 : vector<1x16xf32> to vector<16xf32>
      %swap3A_377 = vector.shape_cast %mul3A_372 : vector<16xf32> to vector<1x16xf32>
      tpu.vector_store %arg9[%swap3A_373, %swap3A_374], %swap3A_377 {strides = array<i32>} : memref<128x128xf32, #tpu.memory_space<vmem>>, vector<1x16xf32>,
      %scan3A_378 = arith.constant 0 : i32
      scf.yield %scan3A_378 : i32
    }
    %scan3A_39 = arith.constant 32 : i32
    %add3A_40 = arith.constant 24960 : i32
    %add3A_41 = arith.addi %mul3A_2, %add3A_40 : i32
    %dma_start3A_42 = arith.constant 0 : i32
    %dma_start3A_43 = tpu.memref_slice %arg4[%add3A_41, %dma_start3A_42] : memref<819200x128xf32, #tpu.memory_space<hbm>> -> memref<128x128xf32, #tpu.memory_space<hbm>>
    %dma_start3A_44 = arith.constant 0 : i32
    %dma_start3A_45 = tpu.memref_slice %arg4[%add3A_41, %dma_start3A_44] : memref<819200x128xf32, #tpu.memory_space<hbm>> -> memref<128x128xf32, #tpu.memory_space<hbm>>
    tpu.enqueue_dma source(%arg9 : memref<128x128xf32, #tpu.memory_space<vmem>>) target(%dma_start3A_45 : memref<128x128xf32, #tpu.memory_space<hbm>>) target_semaphore(%arg15 : memref<!tpu.dma_semaphore, #tpu.memory_space<semaphore_mem>>)
    %dma_start3A_46 = arith.constant 25344 : i32
    %dma_start3A_47 = tpu.memref_slice %arg5[%dma_start3A_46] : memref<25600xi32, #tpu.memory_space<vmem>> -> memref<128xi32, #tpu.memory_space<vmem>>
    %dma_start3A_48 = arith.constant 0 : i32
    %dma_start3A_49 = arith.constant 0 : i32
    %dma_start3A_50 = tpu.memref_slice %arg3[%dma_start3A_48, %dma_start3A_49] : memref<1000000x128xf32, #tpu.memory_space<hbm>> -> memref<1000000x128xf32, #tpu.memory_space<hbm>>
    tpu.enqueue_indirect_dma source(%dma_start3A_50 : memref<1000000x128xf32, #tpu.memory_space<hbm>>) target(%arg6 : memref<128x128xf32, #tpu.memory_space<vmem>>) offsets(%dma_start3A_47 : memref<128xi32, #tpu.memory_space<vmem>>) semaphore(%arg12 : memref<!tpu.dma_semaphore, #tpu.memory_space<semaphore_mem>>)
    %dma_wait3A_51 = arith.constant 25088 : i32
    %dma_wait3A_52 = tpu.memref_slice %arg5[%dma_wait3A_51] : memref<25600xi32, #tpu.memory_space<vmem>> -> memref<128xi32, #tpu.memory_space<vmem>>
    %dma_wait3A_53 = arith.constant 0 : i32
    %dma_wait3A_54 = arith.constant 0 : i32
    %dma_wait3A_55 = tpu.memref_slice %arg3[%dma_wait3A_53, %dma_wait3A_54] : memref<1000000x128xf32, #tpu.memory_space<hbm>> -> memref<1000000x128xf32, #tpu.memory_space<hbm>>
    tpu.wait_indirect_dma semaphore(%arg13 : memref<!tpu.dma_semaphore, #tpu.memory_space<semaphore_mem>>) src(%dma_wait3A_55 : memref<1000000x128xf32, #tpu.memory_space<hbm>>) dst(%arg7 : memref<128x128xf32, #tpu.memory_space<vmem>>)
    %add3A_56 = arith.constant 24704 : i32
    %add3A_57 = arith.addi %mul3A_2, %add3A_56 : i32
    %dma_wait3A_58 = arith.constant 0 : i32
    %dma_wait3A_59 = tpu.memref_slice %arg4[%add3A_57, %dma_wait3A_58] : memref<819200x128xf32, #tpu.memory_space<hbm>> -> memref<128x128xf32, #tpu.memory_space<hbm>>
    %dma_wait3A_60 = arith.constant 0 : i32
    %dma_wait3A_61 = tpu.memref_slice %arg4[%add3A_57, %dma_wait3A_60] : memref<819200x128xf32, #tpu.memory_space<hbm>> -> memref<128x128xf32, #tpu.memory_space<hbm>>
    tpu.wait_dma2 semaphore(%arg16 : memref<!tpu.dma_semaphore, #tpu.memory_space<semaphore_mem>>) src(%arg10 : memref<128x128xf32, #tpu.memory_space<vmem>>) dst(%dma_wait3A_61 : memref<128x128xf32, #tpu.memory_space<hbm>>)
    %scan3A_62 = arith.constant 0 : i32
    %scan3A_63 = arith.constant 0 : i32
    %scan3A_64 = arith.constant 32 : i32
    %scan3A_65 = arith.addi %scan3A_63, %scan3A_64 : i32
    %scan3A_66 = arith.constant 1 : i32
    %scan3A_67 = scf.for %scan3A_170 = %scan3A_63 to %scan3A_65 step %scan3A_66 iter_args(%scan3A_171 = %scan3A_62) -> (i32)  : i32 {
      %mul3A_172 = arith.constant 4 : i32
      %mul3A_173 = arith.muli %scan3A_170, %mul3A_172 : i32
      %add3A_174 = arith.constant 0 : i32
      %add3A_175 = arith.addi %mul3A_173, %add3A_174 : i32
      %get3A = arith.index_cast %add3A_175 : i32 to index
      %get3A_176 = arith.constant 0 : index
      %get3A_177 = tpu.vector_load %arg7[%get3A, %get3A_176] {strides = array<i32>} : memref<128x128xf32, #tpu.memory_space<vmem>>, vector<1x16xf32>,
      %get3A_178 = vector.shape_cast %get3A_177 : vector<1x16xf32> to vector<16xf32>
      %mul3A_179 = arith.constant 8.000000e+00 : f32
      %mul3A_180 = vector.broadcast %mul3A_179 : f32 to vector<16xf32>
      %mul3A_181 = arith.mulf %get3A_178, %mul3A_180 : vector<16xf32>
      %swap3A = arith.index_cast %add3A_175 : i32 to index
      %swap3A_182 = arith.constant 0 : index
      %swap3A_183 = tpu.vector_load %arg10[%swap3A, %swap3A_182] {strides = array<i32>} : memref<128x128xf32, #tpu.memory_space<vmem>>, vector<1x16xf32>,
      %swap3A_184 = vector.shape_cast %swap3A_183 : vector<1x16xf32> to vector<16xf32>
      %swap3A_185 = vector.shape_cast %mul3A_181 : vector<16xf32> to vector<1x16xf32>
      tpu.vector_store %arg10[%swap3A, %swap3A_182], %swap3A_185 {strides = array<i32>} : memref<128x128xf32, #tpu.memory_space<vmem>>, vector<1x16xf32>,
      %get3A_186 = arith.index_cast %add3A_175 : i32 to index
      %get3A_187 = arith.constant 16 : index
      %get3A_188 = tpu.vector_load %arg7[%get3A_186, %get3A_187] {strides = array<i32>} : memref<128x128xf32, #tpu.memory_space<vmem>>, vector<1x16xf32>,
      %get3A_189 = vector.shape_cast %get3A_188 : vector<1x16xf32> to vector<16xf32>
      %mul3A_190 = arith.constant 8.000000e+00 : f32
      %mul3A_191 = vector.broadcast %mul3A_190 : f32 to vector<16xf32>
      %mul3A_192 = arith.mulf %get3A_189, %mul3A_191 : vector<16xf32>
      %swap3A_193 = arith.index_cast %add3A_175 : i32 to index
      %swap3A_194 = arith.constant 16 : index
      %swap3A_195 = tpu.vector_load %arg10[%swap3A_193, %swap3A_194] {strides = array<i32>} : memref<128x128xf32, #tpu.memory_space<vmem>>, vector<1x16xf32>,
      %swap3A_196 = vector.shape_cast %swap3A_195 : vector<1x16xf32> to vector<16xf32>
      %swap3A_197 = vector.shape_cast %mul3A_192 : vector<16xf32> to vector<1x16xf32>
      tpu.vector_store %arg10[%swap3A_193, %swap3A_194], %swap3A_197 {strides = array<i32>} : memref<128x128xf32, #tpu.memory_space<vmem>>, vector<1x16xf32>,
      %get3A_198 = arith.index_cast %add3A_175 : i32 to index
      %get3A_199 = arith.constant 32 : index
      %get3A_200 = tpu.vector_load %arg7[%get3A_198, %get3A_199] {strides = array<i32>} : memref<128x128xf32, #tpu.memory_space<vmem>>, vector<1x16xf32>,
      %get3A_201 = vector.shape_cast %get3A_200 : vector<1x16xf32> to vector<16xf32>
      %mul3A_202 = arith.constant 8.000000e+00 : f32
      %mul3A_203 = vector.broadcast %mul3A_202 : f32 to vector<16xf32>
      %mul3A_204 = arith.mulf %get3A_201, %mul3A_203 : vector<16xf32>
      %swap3A_205 = arith.index_cast %add3A_175 : i32 to index
      %swap3A_206 = arith.constant 32 : index
      %swap3A_207 = tpu.vector_load %arg10[%swap3A_205, %swap3A_206] {strides = array<i32>} : memref<128x128xf32, #tpu.memory_space<vmem>>, vector<1x16xf32>,
      %swap3A_208 = vector.shape_cast %swap3A_207 : vector<1x16xf32> to vector<16xf32>
      %swap3A_209 = vector.shape_cast %mul3A_204 : vector<16xf32> to vector<1x16xf32>
      tpu.vector_store %arg10[%swap3A_205, %swap3A_206], %swap3A_209 {strides = array<i32>} : memref<128x128xf32, #tpu.memory_space<vmem>>, vector<1x16xf32>,
      %get3A_210 = arith.index_cast %add3A_175 : i32 to index
      %get3A_211 = arith.constant 48 : index
      %get3A_212 = tpu.vector_load %arg7[%get3A_210, %get3A_211] {strides = array<i32>} : memref<128x128xf32, #tpu.memory_space<vmem>>, vector<1x16xf32>,
      %get3A_213 = vector.shape_cast %get3A_212 : vector<1x16xf32> to vector<16xf32>
      %mul3A_214 = arith.constant 8.000000e+00 : f32
      %mul3A_215 = vector.broadcast %mul3A_214 : f32 to vector<16xf32>
      %mul3A_216 = arith.mulf %get3A_213, %mul3A_215 : vector<16xf32>
      %swap3A_217 = arith.index_cast %add3A_175 : i32 to index
      %swap3A_218 = arith.constant 48 : index
      %swap3A_219 = tpu.vector_load %arg10[%swap3A_217, %swap3A_218] {strides = array<i32>} : memref<128x128xf32, #tpu.memory_space<vmem>>, vector<1x16xf32>,
      %swap3A_220 = vector.shape_cast %swap3A_219 : vector<1x16xf32> to vector<16xf32>
      %swap3A_221 = vector.shape_cast %mul3A_216 : vector<16xf32> to vector<1x16xf32>
      tpu.vector_store %arg10[%swap3A_217, %swap3A_218], %swap3A_221 {strides = array<i32>} : memref<128x128xf32, #tpu.memory_space<vmem>>, vector<1x16xf32>,
      %mul3A_222 = arith.constant 4 : i32
      %mul3A_223 = arith.muli %scan3A_170, %mul3A_222 : i32
      %add3A_224 = arith.constant 1 : i32
      %add3A_225 = arith.addi %mul3A_223, %add3A_224 : i32
      %get3A_226 = arith.index_cast %add3A_225 : i32 to index
      %get3A_227 = arith.constant 0 : index
      %get3A_228 = tpu.vector_load %arg7[%get3A_226, %get3A_227] {strides = array<i32>} : memref<128x128xf32, #tpu.memory_space<vmem>>, vector<1x16xf32>,
      %get3A_229 = vector.shape_cast %get3A_228 : vector<1x16xf32> to vector<16xf32>
      %mul3A_230 = arith.constant 8.000000e+00 : f32
      %mul3A_231 = vector.broadcast %mul3A_230 : f32 to vector<16xf32>
      %mul3A_232 = arith.mulf %get3A_229, %mul3A_231 : vector<16xf32>
      %swap3A_233 = arith.index_cast %add3A_225 : i32 to index
      %swap3A_234 = arith.constant 0 : index
      %swap3A_235 = tpu.vector_load %arg10[%swap3A_233, %swap3A_234] {strides = array<i32>} : memref<128x128xf32, #tpu.memory_space<vmem>>, vector<1x16xf32>,
      %swap3A_236 = vector.shape_cast %swap3A_235 : vector<1x16xf32> to vector<16xf32>
      %swap3A_237 = vector.shape_cast %mul3A_232 : vector<16xf32> to vector<1x16xf32>
      tpu.vector_store %arg10[%swap3A_233, %swap3A_234], %swap3A_237 {strides = array<i32>} : memref<128x128xf32, #tpu.memory_space<vmem>>, vector<1x16xf32>,
      %get3A_238 = arith.index_cast %add3A_225 : i32 to index
      %get3A_239 = arith.constant 16 : index
      %get3A_240 = tpu.vector_load %arg7[%get3A_238, %get3A_239] {strides = array<i32>} : memref<128x128xf32, #tpu.memory_space<vmem>>, vector<1x16xf32>,
      %get3A_241 = vector.shape_cast %get3A_240 : vector<1x16xf32> to vector<16xf32>
      %mul3A_242 = arith.constant 8.000000e+00 : f32
      %mul3A_243 = vector.broadcast %mul3A_242 : f32 to vector<16xf32>
      %mul3A_244 = arith.mulf %get3A_241, %mul3A_243 : vector<16xf32>
      %swap3A_245 = arith.index_cast %add3A_225 : i32 to index
      %swap3A_246 = arith.constant 16 : index
      %swap3A_247 = tpu.vector_load %arg10[%swap3A_245, %swap3A_246] {strides = array<i32>} : memref<128x128xf32, #tpu.memory_space<vmem>>, vector<1x16xf32>,
      %swap3A_248 = vector.shape_cast %swap3A_247 : vector<1x16xf32> to vector<16xf32>
      %swap3A_249 = vector.shape_cast %mul3A_244 : vector<16xf32> to vector<1x16xf32>
      tpu.vector_store %arg10[%swap3A_245, %swap3A_246], %swap3A_249 {strides = array<i32>} : memref<128x128xf32, #tpu.memory_space<vmem>>, vector<1x16xf32>,
      %get3A_250 = arith.index_cast %add3A_225 : i32 to index
      %get3A_251 = arith.constant 32 : index
      %get3A_252 = tpu.vector_load %arg7[%get3A_250, %get3A_251] {strides = array<i32>} : memref<128x128xf32, #tpu.memory_space<vmem>>, vector<1x16xf32>,
      %get3A_253 = vector.shape_cast %get3A_252 : vector<1x16xf32> to vector<16xf32>
      %mul3A_254 = arith.constant 8.000000e+00 : f32
      %mul3A_255 = vector.broadcast %mul3A_254 : f32 to vector<16xf32>
      %mul3A_256 = arith.mulf %get3A_253, %mul3A_255 : vector<16xf32>
      %swap3A_257 = arith.index_cast %add3A_225 : i32 to index
      %swap3A_258 = arith.constant 32 : index
      %swap3A_259 = tpu.vector_load %arg10[%swap3A_257, %swap3A_258] {strides = array<i32>} : memref<128x128xf32, #tpu.memory_space<vmem>>, vector<1x16xf32>,
      %swap3A_260 = vector.shape_cast %swap3A_259 : vector<1x16xf32> to vector<16xf32>
      %swap3A_261 = vector.shape_cast %mul3A_256 : vector<16xf32> to vector<1x16xf32>
      tpu.vector_store %arg10[%swap3A_257, %swap3A_258], %swap3A_261 {strides = array<i32>} : memref<128x128xf32, #tpu.memory_space<vmem>>, vector<1x16xf32>,
      %get3A_262 = arith.index_cast %add3A_225 : i32 to index
      %get3A_263 = arith.constant 48 : index
      %get3A_264 = tpu.vector_load %arg7[%get3A_262, %get3A_263] {strides = array<i32>} : memref<128x128xf32, #tpu.memory_space<vmem>>, vector<1x16xf32>,
      %get3A_265 = vector.shape_cast %get3A_264 : vector<1x16xf32> to vector<16xf32>
      %mul3A_266 = arith.constant 8.000000e+00 : f32
      %mul3A_267 = vector.broadcast %mul3A_266 : f32 to vector<16xf32>
      %mul3A_268 = arith.mulf %get3A_265, %mul3A_267 : vector<16xf32>
      %swap3A_269 = arith.index_cast %add3A_225 : i32 to index
      %swap3A_270 = arith.constant 48 : index
      %swap3A_271 = tpu.vector_load %arg10[%swap3A_269, %swap3A_270] {strides = array<i32>} : memref<128x128xf32, #tpu.memory_space<vmem>>, vector<1x16xf32>,
      %swap3A_272 = vector.shape_cast %swap3A_271 : vector<1x16xf32> to vector<16xf32>
      %swap3A_273 = vector.shape_cast %mul3A_268 : vector<16xf32> to vector<1x16xf32>
      tpu.vector_store %arg10[%swap3A_269, %swap3A_270], %swap3A_273 {strides = array<i32>} : memref<128x128xf32, #tpu.memory_space<vmem>>, vector<1x16xf32>,
      %mul3A_274 = arith.constant 4 : i32
      %mul3A_275 = arith.muli %scan3A_170, %mul3A_274 : i32
      %add3A_276 = arith.constant 2 : i32
      %add3A_277 = arith.addi %mul3A_275, %add3A_276 : i32
      %get3A_278 = arith.index_cast %add3A_277 : i32 to index
      %get3A_279 = arith.constant 0 : index
      %get3A_280 = tpu.vector_load %arg7[%get3A_278, %get3A_279] {strides = array<i32>} : memref<128x128xf32, #tpu.memory_space<vmem>>, vector<1x16xf32>,
      %get3A_281 = vector.shape_cast %get3A_280 : vector<1x16xf32> to vector<16xf32>
      %mul3A_282 = arith.constant 8.000000e+00 : f32
      %mul3A_283 = vector.broadcast %mul3A_282 : f32 to vector<16xf32>
      %mul3A_284 = arith.mulf %get3A_281, %mul3A_283 : vector<16xf32>
      %swap3A_285 = arith.index_cast %add3A_277 : i32 to index
      %swap3A_286 = arith.constant 0 : index
      %swap3A_287 = tpu.vector_load %arg10[%swap3A_285, %swap3A_286] {strides = array<i32>} : memref<128x128xf32, #tpu.memory_space<vmem>>, vector<1x16xf32>,
      %swap3A_288 = vector.shape_cast %swap3A_287 : vector<1x16xf32> to vector<16xf32>
      %swap3A_289 = vector.shape_cast %mul3A_284 : vector<16xf32> to vector<1x16xf32>
      tpu.vector_store %arg10[%swap3A_285, %swap3A_286], %swap3A_289 {strides = array<i32>} : memref<128x128xf32, #tpu.memory_space<vmem>>, vector<1x16xf32>,
      %get3A_290 = arith.index_cast %add3A_277 : i32 to index
      %get3A_291 = arith.constant 16 : index
      %get3A_292 = tpu.vector_load %arg7[%get3A_290, %get3A_291] {strides = array<i32>} : memref<128x128xf32, #tpu.memory_space<vmem>>, vector<1x16xf32>,
      %get3A_293 = vector.shape_cast %get3A_292 : vector<1x16xf32> to vector<16xf32>
      %mul3A_294 = arith.constant 8.000000e+00 : f32
      %mul3A_295 = vector.broadcast %mul3A_294 : f32 to vector<16xf32>
      %mul3A_296 = arith.mulf %get3A_293, %mul3A_295 : vector<16xf32>
      %swap3A_297 = arith.index_cast %add3A_277 : i32 to index
      %swap3A_298 = arith.constant 16 : index
      %swap3A_299 = tpu.vector_load %arg10[%swap3A_297, %swap3A_298] {strides = array<i32>} : memref<128x128xf32, #tpu.memory_space<vmem>>, vector<1x16xf32>,
      %swap3A_300 = vector.shape_cast %swap3A_299 : vector<1x16xf32> to vector<16xf32>
      %swap3A_301 = vector.shape_cast %mul3A_296 : vector<16xf32> to vector<1x16xf32>
      tpu.vector_store %arg10[%swap3A_297, %swap3A_298], %swap3A_301 {strides = array<i32>} : memref<128x128xf32, #tpu.memory_space<vmem>>, vector<1x16xf32>,
      %get3A_302 = arith.index_cast %add3A_277 : i32 to index
      %get3A_303 = arith.constant 32 : index
      %get3A_304 = tpu.vector_load %arg7[%get3A_302, %get3A_303] {strides = array<i32>} : memref<128x128xf32, #tpu.memory_space<vmem>>, vector<1x16xf32>,
      %get3A_305 = vector.shape_cast %get3A_304 : vector<1x16xf32> to vector<16xf32>
      %mul3A_306 = arith.constant 8.000000e+00 : f32
      %mul3A_307 = vector.broadcast %mul3A_306 : f32 to vector<16xf32>
      %mul3A_308 = arith.mulf %get3A_305, %mul3A_307 : vector<16xf32>
      %swap3A_309 = arith.index_cast %add3A_277 : i32 to index
      %swap3A_310 = arith.constant 32 : index
      %swap3A_311 = tpu.vector_load %arg10[%swap3A_309, %swap3A_310] {strides = array<i32>} : memref<128x128xf32, #tpu.memory_space<vmem>>, vector<1x16xf32>,
      %swap3A_312 = vector.shape_cast %swap3A_311 : vector<1x16xf32> to vector<16xf32>
      %swap3A_313 = vector.shape_cast %mul3A_308 : vector<16xf32> to vector<1x16xf32>
      tpu.vector_store %arg10[%swap3A_309, %swap3A_310], %swap3A_313 {strides = array<i32>} : memref<128x128xf32, #tpu.memory_space<vmem>>, vector<1x16xf32>,
      %get3A_314 = arith.index_cast %add3A_277 : i32 to index
      %get3A_315 = arith.constant 48 : index
      %get3A_316 = tpu.vector_load %arg7[%get3A_314, %get3A_315] {strides = array<i32>} : memref<128x128xf32, #tpu.memory_space<vmem>>, vector<1x16xf32>,
      %get3A_317 = vector.shape_cast %get3A_316 : vector<1x16xf32> to vector<16xf32>
      %mul3A_318 = arith.constant 8.000000e+00 : f32
      %mul3A_319 = vector.broadcast %mul3A_318 : f32 to vector<16xf32>
      %mul3A_320 = arith.mulf %get3A_317, %mul3A_319 : vector<16xf32>
      %swap3A_321 = arith.index_cast %add3A_277 : i32 to index
      %swap3A_322 = arith.constant 48 : index
      %swap3A_323 = tpu.vector_load %arg10[%swap3A_321, %swap3A_322] {strides = array<i32>} : memref<128x128xf32, #tpu.memory_space<vmem>>, vector<1x16xf32>,
      %swap3A_324 = vector.shape_cast %swap3A_323 : vector<1x16xf32> to vector<16xf32>
      %swap3A_325 = vector.shape_cast %mul3A_320 : vector<16xf32> to vector<1x16xf32>
      tpu.vector_store %arg10[%swap3A_321, %swap3A_322], %swap3A_325 {strides = array<i32>} : memref<128x128xf32, #tpu.memory_space<vmem>>, vector<1x16xf32>,
      %mul3A_326 = arith.constant 4 : i32
      %mul3A_327 = arith.muli %scan3A_170, %mul3A_326 : i32
      %add3A_328 = arith.constant 3 : i32
      %add3A_329 = arith.addi %mul3A_327, %add3A_328 : i32
      %get3A_330 = arith.index_cast %add3A_329 : i32 to index
      %get3A_331 = arith.constant 0 : index
      %get3A_332 = tpu.vector_load %arg7[%get3A_330, %get3A_331] {strides = array<i32>} : memref<128x128xf32, #tpu.memory_space<vmem>>, vector<1x16xf32>,
      %get3A_333 = vector.shape_cast %get3A_332 : vector<1x16xf32> to vector<16xf32>
      %mul3A_334 = arith.constant 8.000000e+00 : f32
      %mul3A_335 = vector.broadcast %mul3A_334 : f32 to vector<16xf32>
      %mul3A_336 = arith.mulf %get3A_333, %mul3A_335 : vector<16xf32>
      %swap3A_337 = arith.index_cast %add3A_329 : i32 to index
      %swap3A_338 = arith.constant 0 : index
      %swap3A_339 = tpu.vector_load %arg10[%swap3A_337, %swap3A_338] {strides = array<i32>} : memref<128x128xf32, #tpu.memory_space<vmem>>, vector<1x16xf32>,
      %swap3A_340 = vector.shape_cast %swap3A_339 : vector<1x16xf32> to vector<16xf32>
      %swap3A_341 = vector.shape_cast %mul3A_336 : vector<16xf32> to vector<1x16xf32>
      tpu.vector_store %arg10[%swap3A_337, %swap3A_338], %swap3A_341 {strides = array<i32>} : memref<128x128xf32, #tpu.memory_space<vmem>>, vector<1x16xf32>,
      %get3A_342 = arith.index_cast %add3A_329 : i32 to index
      %get3A_343 = arith.constant 16 : index
      %get3A_344 = tpu.vector_load %arg7[%get3A_342, %get3A_343] {strides = array<i32>} : memref<128x128xf32, #tpu.memory_space<vmem>>, vector<1x16xf32>,
      %get3A_345 = vector.shape_cast %get3A_344 : vector<1x16xf32> to vector<16xf32>
      %mul3A_346 = arith.constant 8.000000e+00 : f32
      %mul3A_347 = vector.broadcast %mul3A_346 : f32 to vector<16xf32>
      %mul3A_348 = arith.mulf %get3A_345, %mul3A_347 : vector<16xf32>
      %swap3A_349 = arith.index_cast %add3A_329 : i32 to index
      %swap3A_350 = arith.constant 16 : index
      %swap3A_351 = tpu.vector_load %arg10[%swap3A_349, %swap3A_350] {strides = array<i32>} : memref<128x128xf32, #tpu.memory_space<vmem>>, vector<1x16xf32>,
      %swap3A_352 = vector.shape_cast %swap3A_351 : vector<1x16xf32> to vector<16xf32>
      %swap3A_353 = vector.shape_cast %mul3A_348 : vector<16xf32> to vector<1x16xf32>
      tpu.vector_store %arg10[%swap3A_349, %swap3A_350], %swap3A_353 {strides = array<i32>} : memref<128x128xf32, #tpu.memory_space<vmem>>, vector<1x16xf32>,
      %get3A_354 = arith.index_cast %add3A_329 : i32 to index
      %get3A_355 = arith.constant 32 : index
      %get3A_356 = tpu.vector_load %arg7[%get3A_354, %get3A_355] {strides = array<i32>} : memref<128x128xf32, #tpu.memory_space<vmem>>, vector<1x16xf32>,
      %get3A_357 = vector.shape_cast %get3A_356 : vector<1x16xf32> to vector<16xf32>
      %mul3A_358 = arith.constant 8.000000e+00 : f32
      %mul3A_359 = vector.broadcast %mul3A_358 : f32 to vector<16xf32>
      %mul3A_360 = arith.mulf %get3A_357, %mul3A_359 : vector<16xf32>
      %swap3A_361 = arith.index_cast %add3A_329 : i32 to index
      %swap3A_362 = arith.constant 32 : index
      %swap3A_363 = tpu.vector_load %arg10[%swap3A_361, %swap3A_362] {strides = array<i32>} : memref<128x128xf32, #tpu.memory_space<vmem>>, vector<1x16xf32>,
      %swap3A_364 = vector.shape_cast %swap3A_363 : vector<1x16xf32> to vector<16xf32>
      %swap3A_365 = vector.shape_cast %mul3A_360 : vector<16xf32> to vector<1x16xf32>
      tpu.vector_store %arg10[%swap3A_361, %swap3A_362], %swap3A_365 {strides = array<i32>} : memref<128x128xf32, #tpu.memory_space<vmem>>, vector<1x16xf32>,
      %get3A_366 = arith.index_cast %add3A_329 : i32 to index
      %get3A_367 = arith.constant 48 : index
      %get3A_368 = tpu.vector_load %arg7[%get3A_366, %get3A_367] {strides = array<i32>} : memref<128x128xf32, #tpu.memory_space<vmem>>, vector<1x16xf32>,
      %get3A_369 = vector.shape_cast %get3A_368 : vector<1x16xf32> to vector<16xf32>
      %mul3A_370 = arith.constant 8.000000e+00 : f32
      %mul3A_371 = vector.broadcast %mul3A_370 : f32 to vector<16xf32>
      %mul3A_372 = arith.mulf %get3A_369, %mul3A_371 : vector<16xf32>
      %swap3A_373 = arith.index_cast %add3A_329 : i32 to index
      %swap3A_374 = arith.constant 48 : index
      %swap3A_375 = tpu.vector_load %arg10[%swap3A_373, %swap3A_374] {strides = array<i32>} : memref<128x128xf32, #tpu.memory_space<vmem>>, vector<1x16xf32>,
      %swap3A_376 = vector.shape_cast %swap3A_375 : vector<1x16xf32> to vector<16xf32>
      %swap3A_377 = vector.shape_cast %mul3A_372 : vector<16xf32> to vector<1x16xf32>
      tpu.vector_store %arg10[%swap3A_373, %swap3A_374], %swap3A_377 {strides = array<i32>} : memref<128x128xf32, #tpu.memory_space<vmem>>, vector<1x16xf32>,
      %scan3A_378 = arith.constant 0 : i32
      scf.yield %scan3A_378 : i32
    }
    %scan3A_68 = arith.constant 32 : i32
    %add3A_69 = arith.constant 25088 : i32
    %add3A_70 = arith.addi %mul3A_2, %add3A_69 : i32
    %dma_start3A_71 = arith.constant 0 : i32
    %dma_start3A_72 = tpu.memref_slice %arg4[%add3A_70, %dma_start3A_71] : memref<819200x128xf32, #tpu.memory_space<hbm>> -> memref<128x128xf32, #tpu.memory_space<hbm>>
    %dma_start3A_73 = arith.constant 0 : i32
    %dma_start3A_74 = tpu.memref_slice %arg4[%add3A_70, %dma_start3A_73] : memref<819200x128xf32, #tpu.memory_space<hbm>> -> memref<128x128xf32, #tpu.memory_space<hbm>>
    tpu.enqueue_dma source(%arg10 : memref<128x128xf32, #tpu.memory_space<vmem>>) target(%dma_start3A_74 : memref<128x128xf32, #tpu.memory_space<hbm>>) target_semaphore(%arg16 : memref<!tpu.dma_semaphore, #tpu.memory_space<semaphore_mem>>)
    %dma_start3A_75 = arith.constant 25472 : i32
    %dma_start3A_76 = tpu.memref_slice %arg5[%dma_start3A_75] : memref<25600xi32, #tpu.memory_space<vmem>> -> memref<128xi32, #tpu.memory_space<vmem>>
    %dma_start3A_77 = arith.constant 0 : i32
    %dma_start3A_78 = arith.constant 0 : i32
    %dma_start3A_79 = tpu.memref_slice %arg3[%dma_start3A_77, %dma_start3A_78] : memref<1000000x128xf32, #tpu.memory_space<hbm>> -> memref<1000000x128xf32, #tpu.memory_space<hbm>>
    tpu.enqueue_indirect_dma source(%dma_start3A_79 : memref<1000000x128xf32, #tpu.memory_space<hbm>>) target(%arg7 : memref<128x128xf32, #tpu.memory_space<vmem>>) offsets(%dma_start3A_76 : memref<128xi32, #tpu.memory_space<vmem>>) semaphore(%arg13 : memref<!tpu.dma_semaphore, #tpu.memory_space<semaphore_mem>>)
    %dma_wait3A_80 = arith.constant 25216 : i32
    %dma_wait3A_81 = tpu.memref_slice %arg5[%dma_wait3A_80] : memref<25600xi32, #tpu.memory_space<vmem>> -> memref<128xi32, #tpu.memory_space<vmem>>
    %dma_wait3A_82 = arith.constant 0 : i32
    %dma_wait3A_83 = arith.constant 0 : i32
    %dma_wait3A_84 = tpu.memref_slice %arg3[%dma_wait3A_82, %dma_wait3A_83] : memref<1000000x128xf32, #tpu.memory_space<hbm>> -> memref<1000000x128xf32, #tpu.memory_space<hbm>>
    tpu.wait_indirect_dma semaphore(%arg14 : memref<!tpu.dma_semaphore, #tpu.memory_space<semaphore_mem>>) src(%dma_wait3A_84 : memref<1000000x128xf32, #tpu.memory_space<hbm>>) dst(%arg8 : memref<128x128xf32, #tpu.memory_space<vmem>>)
    %add3A_85 = arith.constant 24832 : i32
    %add3A_86 = arith.addi %mul3A_2, %add3A_85 : i32
    %dma_wait3A_87 = arith.constant 0 : i32
    %dma_wait3A_88 = tpu.memref_slice %arg4[%add3A_86, %dma_wait3A_87] : memref<819200x128xf32, #tpu.memory_space<hbm>> -> memref<128x128xf32, #tpu.memory_space<hbm>>
    %dma_wait3A_89 = arith.constant 0 : i32
    %dma_wait3A_90 = tpu.memref_slice %arg4[%add3A_86, %dma_wait3A_89] : memref<819200x128xf32, #tpu.memory_space<hbm>> -> memref<128x128xf32, #tpu.memory_space<hbm>>
    tpu.wait_dma2 semaphore(%arg17 : memref<!tpu.dma_semaphore, #tpu.memory_space<semaphore_mem>>) src(%arg11 : memref<128x128xf32, #tpu.memory_space<vmem>>) dst(%dma_wait3A_90 : memref<128x128xf32, #tpu.memory_space<hbm>>)
    %scan3A_91 = arith.constant 0 : i32
    %scan3A_92 = arith.constant 0 : i32
    %scan3A_93 = arith.constant 32 : i32
    %scan3A_94 = arith.addi %scan3A_92, %scan3A_93 : i32
    %scan3A_95 = arith.constant 1 : i32
    %scan3A_96 = scf.for %scan3A_170 = %scan3A_92 to %scan3A_94 step %scan3A_95 iter_args(%scan3A_171 = %scan3A_91) -> (i32)  : i32 {
      %mul3A_172 = arith.constant 4 : i32
      %mul3A_173 = arith.muli %scan3A_170, %mul3A_172 : i32
      %add3A_174 = arith.constant 0 : i32
      %add3A_175 = arith.addi %mul3A_173, %add3A_174 : i32
      %get3A = arith.index_cast %add3A_175 : i32 to index
      %get3A_176 = arith.constant 0 : index
      %get3A_177 = tpu.vector_load %arg8[%get3A, %get3A_176] {strides = array<i32>} : memref<128x128xf32, #tpu.memory_space<vmem>>, vector<1x16xf32>,
      %get3A_178 = vector.shape_cast %get3A_177 : vector<1x16xf32> to vector<16xf32>
      %mul3A_179 = arith.constant 8.000000e+00 : f32
      %mul3A_180 = vector.broadcast %mul3A_179 : f32 to vector<16xf32>
      %mul3A_181 = arith.mulf %get3A_178, %mul3A_180 : vector<16xf32>
      %swap3A = arith.index_cast %add3A_175 : i32 to index
      %swap3A_182 = arith.constant 0 : index
      %swap3A_183 = tpu.vector_load %arg11[%swap3A, %swap3A_182] {strides = array<i32>} : memref<128x128xf32, #tpu.memory_space<vmem>>, vector<1x16xf32>,
      %swap3A_184 = vector.shape_cast %swap3A_183 : vector<1x16xf32> to vector<16xf32>
      %swap3A_185 = vector.shape_cast %mul3A_181 : vector<16xf32> to vector<1x16xf32>
      tpu.vector_store %arg11[%swap3A, %swap3A_182], %swap3A_185 {strides = array<i32>} : memref<128x128xf32, #tpu.memory_space<vmem>>, vector<1x16xf32>,
      %get3A_186 = arith.index_cast %add3A_175 : i32 to index
      %get3A_187 = arith.constant 16 : index
      %get3A_188 = tpu.vector_load %arg8[%get3A_186, %get3A_187] {strides = array<i32>} : memref<128x128xf32, #tpu.memory_space<vmem>>, vector<1x16xf32>,
      %get3A_189 = vector.shape_cast %get3A_188 : vector<1x16xf32> to vector<16xf32>
      %mul3A_190 = arith.constant 8.000000e+00 : f32
      %mul3A_191 = vector.broadcast %mul3A_190 : f32 to vector<16xf32>
      %mul3A_192 = arith.mulf %get3A_189, %mul3A_191 : vector<16xf32>
      %swap3A_193 = arith.index_cast %add3A_175 : i32 to index
      %swap3A_194 = arith.constant 16 : index
      %swap3A_195 = tpu.vector_load %arg11[%swap3A_193, %swap3A_194] {strides = array<i32>} : memref<128x128xf32, #tpu.memory_space<vmem>>, vector<1x16xf32>,
      %swap3A_196 = vector.shape_cast %swap3A_195 : vector<1x16xf32> to vector<16xf32>
      %swap3A_197 = vector.shape_cast %mul3A_192 : vector<16xf32> to vector<1x16xf32>
      tpu.vector_store %arg11[%swap3A_193, %swap3A_194], %swap3A_197 {strides = array<i32>} : memref<128x128xf32, #tpu.memory_space<vmem>>, vector<1x16xf32>,
      %get3A_198 = arith.index_cast %add3A_175 : i32 to index
      %get3A_199 = arith.constant 32 : index
      %get3A_200 = tpu.vector_load %arg8[%get3A_198, %get3A_199] {strides = array<i32>} : memref<128x128xf32, #tpu.memory_space<vmem>>, vector<1x16xf32>,
      %get3A_201 = vector.shape_cast %get3A_200 : vector<1x16xf32> to vector<16xf32>
      %mul3A_202 = arith.constant 8.000000e+00 : f32
      %mul3A_203 = vector.broadcast %mul3A_202 : f32 to vector<16xf32>
      %mul3A_204 = arith.mulf %get3A_201, %mul3A_203 : vector<16xf32>
      %swap3A_205 = arith.index_cast %add3A_175 : i32 to index
      %swap3A_206 = arith.constant 32 : index
      %swap3A_207 = tpu.vector_load %arg11[%swap3A_205, %swap3A_206] {strides = array<i32>} : memref<128x128xf32, #tpu.memory_space<vmem>>, vector<1x16xf32>,
      %swap3A_208 = vector.shape_cast %swap3A_207 : vector<1x16xf32> to vector<16xf32>
      %swap3A_209 = vector.shape_cast %mul3A_204 : vector<16xf32> to vector<1x16xf32>
      tpu.vector_store %arg11[%swap3A_205, %swap3A_206], %swap3A_209 {strides = array<i32>} : memref<128x128xf32, #tpu.memory_space<vmem>>, vector<1x16xf32>,
      %get3A_210 = arith.index_cast %add3A_175 : i32 to index
      %get3A_211 = arith.constant 48 : index
      %get3A_212 = tpu.vector_load %arg8[%get3A_210, %get3A_211] {strides = array<i32>} : memref<128x128xf32, #tpu.memory_space<vmem>>, vector<1x16xf32>,
      %get3A_213 = vector.shape_cast %get3A_212 : vector<1x16xf32> to vector<16xf32>
      %mul3A_214 = arith.constant 8.000000e+00 : f32
      %mul3A_215 = vector.broadcast %mul3A_214 : f32 to vector<16xf32>
      %mul3A_216 = arith.mulf %get3A_213, %mul3A_215 : vector<16xf32>
      %swap3A_217 = arith.index_cast %add3A_175 : i32 to index
      %swap3A_218 = arith.constant 48 : index
      %swap3A_219 = tpu.vector_load %arg11[%swap3A_217, %swap3A_218] {strides = array<i32>} : memref<128x128xf32, #tpu.memory_space<vmem>>, vector<1x16xf32>,
      %swap3A_220 = vector.shape_cast %swap3A_219 : vector<1x16xf32> to vector<16xf32>
      %swap3A_221 = vector.shape_cast %mul3A_216 : vector<16xf32> to vector<1x16xf32>
      tpu.vector_store %arg11[%swap3A_217, %swap3A_218], %swap3A_221 {strides = array<i32>} : memref<128x128xf32, #tpu.memory_space<vmem>>, vector<1x16xf32>,
      %mul3A_222 = arith.constant 4 : i32
      %mul3A_223 = arith.muli %scan3A_170, %mul3A_222 : i32
      %add3A_224 = arith.constant 1 : i32
      %add3A_225 = arith.addi %mul3A_223, %add3A_224 : i32
      %get3A_226 = arith.index_cast %add3A_225 : i32 to index
      %get3A_227 = arith.constant 0 : index
      %get3A_228 = tpu.vector_load %arg8[%get3A_226, %get3A_227] {strides = array<i32>} : memref<128x128xf32, #tpu.memory_space<vmem>>, vector<1x16xf32>,
      %get3A_229 = vector.shape_cast %get3A_228 : vector<1x16xf32> to vector<16xf32>
      %mul3A_230 = arith.constant 8.000000e+00 : f32
      %mul3A_231 = vector.broadcast %mul3A_230 : f32 to vector<16xf32>
      %mul3A_232 = arith.mulf %get3A_229, %mul3A_231 : vector<16xf32>
      %swap3A_233 = arith.index_cast %add3A_225 : i32 to index
      %swap3A_234 = arith.constant 0 : index
      %swap3A_235 = tpu.vector_load %arg11[%swap3A_233, %swap3A_234] {strides = array<i32>} : memref<128x128xf32, #tpu.memory_space<vmem>>, vector<1x16xf32>,
      %swap3A_236 = vector.shape_cast %swap3A_235 : vector<1x16xf32> to vector<16xf32>
      %swap3A_237 = vector.shape_cast %mul3A_232 : vector<16xf32> to vector<1x16xf32>
      tpu.vector_store %arg11[%swap3A_233, %swap3A_234], %swap3A_237 {strides = array<i32>} : memref<128x128xf32, #tpu.memory_space<vmem>>, vector<1x16xf32>,
      %get3A_238 = arith.index_cast %add3A_225 : i32 to index
      %get3A_239 = arith.constant 16 : index
      %get3A_240 = tpu.vector_load %arg8[%get3A_238, %get3A_239] {strides = array<i32>} : memref<128x128xf32, #tpu.memory_space<vmem>>, vector<1x16xf32>,
      %get3A_241 = vector.shape_cast %get3A_240 : vector<1x16xf32> to vector<16xf32>
      %mul3A_242 = arith.constant 8.000000e+00 : f32
      %mul3A_243 = vector.broadcast %mul3A_242 : f32 to vector<16xf32>
      %mul3A_244 = arith.mulf %get3A_241, %mul3A_243 : vector<16xf32>
      %swap3A_245 = arith.index_cast %add3A_225 : i32 to index
      %swap3A_246 = arith.constant 16 : index
      %swap3A_247 = tpu.vector_load %arg11[%swap3A_245, %swap3A_246] {strides = array<i32>} : memref<128x128xf32, #tpu.memory_space<vmem>>, vector<1x16xf32>,
      %swap3A_248 = vector.shape_cast %swap3A_247 : vector<1x16xf32> to vector<16xf32>
      %swap3A_249 = vector.shape_cast %mul3A_244 : vector<16xf32> to vector<1x16xf32>
      tpu.vector_store %arg11[%swap3A_245, %swap3A_246], %swap3A_249 {strides = array<i32>} : memref<128x128xf32, #tpu.memory_space<vmem>>, vector<1x16xf32>,
      %get3A_250 = arith.index_cast %add3A_225 : i32 to index
      %get3A_251 = arith.constant 32 : index
      %get3A_252 = tpu.vector_load %arg8[%get3A_250, %get3A_251] {strides = array<i32>} : memref<128x128xf32, #tpu.memory_space<vmem>>, vector<1x16xf32>,
      %get3A_253 = vector.shape_cast %get3A_252 : vector<1x16xf32> to vector<16xf32>
      %mul3A_254 = arith.constant 8.000000e+00 : f32
      %mul3A_255 = vector.broadcast %mul3A_254 : f32 to vector<16xf32>
      %mul3A_256 = arith.mulf %get3A_253, %mul3A_255 : vector<16xf32>
      %swap3A_257 = arith.index_cast %add3A_225 : i32 to index
      %swap3A_258 = arith.constant 32 : index
      %swap3A_259 = tpu.vector_load %arg11[%swap3A_257, %swap3A_258] {strides = array<i32>} : memref<128x128xf32, #tpu.memory_space<vmem>>, vector<1x16xf32>,
      %swap3A_260 = vector.shape_cast %swap3A_259 : vector<1x16xf32> to vector<16xf32>
      %swap3A_261 = vector.shape_cast %mul3A_256 : vector<16xf32> to vector<1x16xf32>
      tpu.vector_store %arg11[%swap3A_257, %swap3A_258], %swap3A_261 {strides = array<i32>} : memref<128x128xf32, #tpu.memory_space<vmem>>, vector<1x16xf32>,
      %get3A_262 = arith.index_cast %add3A_225 : i32 to index
      %get3A_263 = arith.constant 48 : index
      %get3A_264 = tpu.vector_load %arg8[%get3A_262, %get3A_263] {strides = array<i32>} : memref<128x128xf32, #tpu.memory_space<vmem>>, vector<1x16xf32>,
      %get3A_265 = vector.shape_cast %get3A_264 : vector<1x16xf32> to vector<16xf32>
      %mul3A_266 = arith.constant 8.000000e+00 : f32
      %mul3A_267 = vector.broadcast %mul3A_266 : f32 to vector<16xf32>
      %mul3A_268 = arith.mulf %get3A_265, %mul3A_267 : vector<16xf32>
      %swap3A_269 = arith.index_cast %add3A_225 : i32 to index
      %swap3A_270 = arith.constant 48 : index
      %swap3A_271 = tpu.vector_load %arg11[%swap3A_269, %swap3A_270] {strides = array<i32>} : memref<128x128xf32, #tpu.memory_space<vmem>>, vector<1x16xf32>,
      %swap3A_272 = vector.shape_cast %swap3A_271 : vector<1x16xf32> to vector<16xf32>
      %swap3A_273 = vector.shape_cast %mul3A_268 : vector<16xf32> to vector<1x16xf32>
      tpu.vector_store %arg11[%swap3A_269, %swap3A_270], %swap3A_273 {strides = array<i32>} : memref<128x128xf32, #tpu.memory_space<vmem>>, vector<1x16xf32>,
      %mul3A_274 = arith.constant 4 : i32
      %mul3A_275 = arith.muli %scan3A_170, %mul3A_274 : i32
      %add3A_276 = arith.constant 2 : i32
      %add3A_277 = arith.addi %mul3A_275, %add3A_276 : i32
      %get3A_278 = arith.index_cast %add3A_277 : i32 to index
      %get3A_279 = arith.constant 0 : index
      %get3A_280 = tpu.vector_load %arg8[%get3A_278, %get3A_279] {strides = array<i32>} : memref<128x128xf32, #tpu.memory_space<vmem>>, vector<1x16xf32>,
      %get3A_281 = vector.shape_cast %get3A_280 : vector<1x16xf32> to vector<16xf32>
      %mul3A_282 = arith.constant 8.000000e+00 : f32
      %mul3A_283 = vector.broadcast %mul3A_282 : f32 to vector<16xf32>
      %mul3A_284 = arith.mulf %get3A_281, %mul3A_283 : vector<16xf32>
      %swap3A_285 = arith.index_cast %add3A_277 : i32 to index
      %swap3A_286 = arith.constant 0 : index
      %swap3A_287 = tpu.vector_load %arg11[%swap3A_285, %swap3A_286] {strides = array<i32>} : memref<128x128xf32, #tpu.memory_space<vmem>>, vector<1x16xf32>,
      %swap3A_288 = vector.shape_cast %swap3A_287 : vector<1x16xf32> to vector<16xf32>
      %swap3A_289 = vector.shape_cast %mul3A_284 : vector<16xf32> to vector<1x16xf32>
      tpu.vector_store %arg11[%swap3A_285, %swap3A_286], %swap3A_289 {strides = array<i32>} : memref<128x128xf32, #tpu.memory_space<vmem>>, vector<1x16xf32>,
      %get3A_290 = arith.index_cast %add3A_277 : i32 to index
      %get3A_291 = arith.constant 16 : index
      %get3A_292 = tpu.vector_load %arg8[%get3A_290, %get3A_291] {strides = array<i32>} : memref<128x128xf32, #tpu.memory_space<vmem>>, vector<1x16xf32>,
      %get3A_293 = vector.shape_cast %get3A_292 : vector<1x16xf32> to vector<16xf32>
      %mul3A_294 = arith.constant 8.000000e+00 : f32
      %mul3A_295 = vector.broadcast %mul3A_294 : f32 to vector<16xf32>
      %mul3A_296 = arith.mulf %get3A_293, %mul3A_295 : vector<16xf32>
      %swap3A_297 = arith.index_cast %add3A_277 : i32 to index
      %swap3A_298 = arith.constant 16 : index
      %swap3A_299 = tpu.vector_load %arg11[%swap3A_297, %swap3A_298] {strides = array<i32>} : memref<128x128xf32, #tpu.memory_space<vmem>>, vector<1x16xf32>,
      %swap3A_300 = vector.shape_cast %swap3A_299 : vector<1x16xf32> to vector<16xf32>
      %swap3A_301 = vector.shape_cast %mul3A_296 : vector<16xf32> to vector<1x16xf32>
      tpu.vector_store %arg11[%swap3A_297, %swap3A_298], %swap3A_301 {strides = array<i32>} : memref<128x128xf32, #tpu.memory_space<vmem>>, vector<1x16xf32>,
      %get3A_302 = arith.index_cast %add3A_277 : i32 to index
      %get3A_303 = arith.constant 32 : index
      %get3A_304 = tpu.vector_load %arg8[%get3A_302, %get3A_303] {strides = array<i32>} : memref<128x128xf32, #tpu.memory_space<vmem>>, vector<1x16xf32>,
      %get3A_305 = vector.shape_cast %get3A_304 : vector<1x16xf32> to vector<16xf32>
      %mul3A_306 = arith.constant 8.000000e+00 : f32
      %mul3A_307 = vector.broadcast %mul3A_306 : f32 to vector<16xf32>
      %mul3A_308 = arith.mulf %get3A_305, %mul3A_307 : vector<16xf32>
      %swap3A_309 = arith.index_cast %add3A_277 : i32 to index
      %swap3A_310 = arith.constant 32 : index
      %swap3A_311 = tpu.vector_load %arg11[%swap3A_309, %swap3A_310] {strides = array<i32>} : memref<128x128xf32, #tpu.memory_space<vmem>>, vector<1x16xf32>,
      %swap3A_312 = vector.shape_cast %swap3A_311 : vector<1x16xf32> to vector<16xf32>
      %swap3A_313 = vector.shape_cast %mul3A_308 : vector<16xf32> to vector<1x16xf32>
      tpu.vector_store %arg11[%swap3A_309, %swap3A_310], %swap3A_313 {strides = array<i32>} : memref<128x128xf32, #tpu.memory_space<vmem>>, vector<1x16xf32>,
      %get3A_314 = arith.index_cast %add3A_277 : i32 to index
      %get3A_315 = arith.constant 48 : index
      %get3A_316 = tpu.vector_load %arg8[%get3A_314, %get3A_315] {strides = array<i32>} : memref<128x128xf32, #tpu.memory_space<vmem>>, vector<1x16xf32>,
      %get3A_317 = vector.shape_cast %get3A_316 : vector<1x16xf32> to vector<16xf32>
      %mul3A_318 = arith.constant 8.000000e+00 : f32
      %mul3A_319 = vector.broadcast %mul3A_318 : f32 to vector<16xf32>
      %mul3A_320 = arith.mulf %get3A_317, %mul3A_319 : vector<16xf32>
      %swap3A_321 = arith.index_cast %add3A_277 : i32 to index
      %swap3A_322 = arith.constant 48 : index
      %swap3A_323 = tpu.vector_load %arg11[%swap3A_321, %swap3A_322] {strides = array<i32>} : memref<128x128xf32, #tpu.memory_space<vmem>>, vector<1x16xf32>,
      %swap3A_324 = vector.shape_cast %swap3A_323 : vector<1x16xf32> to vector<16xf32>
      %swap3A_325 = vector.shape_cast %mul3A_320 : vector<16xf32> to vector<1x16xf32>
      tpu.vector_store %arg11[%swap3A_321, %swap3A_322], %swap3A_325 {strides = array<i32>} : memref<128x128xf32, #tpu.memory_space<vmem>>, vector<1x16xf32>,
      %mul3A_326 = arith.constant 4 : i32
      %mul3A_327 = arith.muli %scan3A_170, %mul3A_326 : i32
      %add3A_328 = arith.constant 3 : i32
      %add3A_329 = arith.addi %mul3A_327, %add3A_328 : i32
      %get3A_330 = arith.index_cast %add3A_329 : i32 to index
      %get3A_331 = arith.constant 0 : index
      %get3A_332 = tpu.vector_load %arg8[%get3A_330, %get3A_331] {strides = array<i32>} : memref<128x128xf32, #tpu.memory_space<vmem>>, vector<1x16xf32>,
      %get3A_333 = vector.shape_cast %get3A_332 : vector<1x16xf32> to vector<16xf32>
      %mul3A_334 = arith.constant 8.000000e+00 : f32
      %mul3A_335 = vector.broadcast %mul3A_334 : f32 to vector<16xf32>
      %mul3A_336 = arith.mulf %get3A_333, %mul3A_335 : vector<16xf32>
      %swap3A_337 = arith.index_cast %add3A_329 : i32 to index
      %swap3A_338 = arith.constant 0 : index
      %swap3A_339 = tpu.vector_load %arg11[%swap3A_337, %swap3A_338] {strides = array<i32>} : memref<128x128xf32, #tpu.memory_space<vmem>>, vector<1x16xf32>,
      %swap3A_340 = vector.shape_cast %swap3A_339 : vector<1x16xf32> to vector<16xf32>
      %swap3A_341 = vector.shape_cast %mul3A_336 : vector<16xf32> to vector<1x16xf32>
      tpu.vector_store %arg11[%swap3A_337, %swap3A_338], %swap3A_341 {strides = array<i32>} : memref<128x128xf32, #tpu.memory_space<vmem>>, vector<1x16xf32>,
      %get3A_342 = arith.index_cast %add3A_329 : i32 to index
      %get3A_343 = arith.constant 16 : index
      %get3A_344 = tpu.vector_load %arg8[%get3A_342, %get3A_343] {strides = array<i32>} : memref<128x128xf32, #tpu.memory_space<vmem>>, vector<1x16xf32>,
      %get3A_345 = vector.shape_cast %get3A_344 : vector<1x16xf32> to vector<16xf32>
      %mul3A_346 = arith.constant 8.000000e+00 : f32
      %mul3A_347 = vector.broadcast %mul3A_346 : f32 to vector<16xf32>
      %mul3A_348 = arith.mulf %get3A_345, %mul3A_347 : vector<16xf32>
      %swap3A_349 = arith.index_cast %add3A_329 : i32 to index
      %swap3A_350 = arith.constant 16 : index
      %swap3A_351 = tpu.vector_load %arg11[%swap3A_349, %swap3A_350] {strides = array<i32>} : memref<128x128xf32, #tpu.memory_space<vmem>>, vector<1x16xf32>,
      %swap3A_352 = vector.shape_cast %swap3A_351 : vector<1x16xf32> to vector<16xf32>
      %swap3A_353 = vector.shape_cast %mul3A_348 : vector<16xf32> to vector<1x16xf32>
      tpu.vector_store %arg11[%swap3A_349, %swap3A_350], %swap3A_353 {strides = array<i32>} : memref<128x128xf32, #tpu.memory_space<vmem>>, vector<1x16xf32>,
      %get3A_354 = arith.index_cast %add3A_329 : i32 to index
      %get3A_355 = arith.constant 32 : index
      %get3A_356 = tpu.vector_load %arg8[%get3A_354, %get3A_355] {strides = array<i32>} : memref<128x128xf32, #tpu.memory_space<vmem>>, vector<1x16xf32>,
      %get3A_357 = vector.shape_cast %get3A_356 : vector<1x16xf32> to vector<16xf32>
      %mul3A_358 = arith.constant 8.000000e+00 : f32
      %mul3A_359 = vector.broadcast %mul3A_358 : f32 to vector<16xf32>
      %mul3A_360 = arith.mulf %get3A_357, %mul3A_359 : vector<16xf32>
      %swap3A_361 = arith.index_cast %add3A_329 : i32 to index
      %swap3A_362 = arith.constant 32 : index
      %swap3A_363 = tpu.vector_load %arg11[%swap3A_361, %swap3A_362] {strides = array<i32>} : memref<128x128xf32, #tpu.memory_space<vmem>>, vector<1x16xf32>,
      %swap3A_364 = vector.shape_cast %swap3A_363 : vector<1x16xf32> to vector<16xf32>
      %swap3A_365 = vector.shape_cast %mul3A_360 : vector<16xf32> to vector<1x16xf32>
      tpu.vector_store %arg11[%swap3A_361, %swap3A_362], %swap3A_365 {strides = array<i32>} : memref<128x128xf32, #tpu.memory_space<vmem>>, vector<1x16xf32>,
      %get3A_366 = arith.index_cast %add3A_329 : i32 to index
      %get3A_367 = arith.constant 48 : index
      %get3A_368 = tpu.vector_load %arg8[%get3A_366, %get3A_367] {strides = array<i32>} : memref<128x128xf32, #tpu.memory_space<vmem>>, vector<1x16xf32>,
      %get3A_369 = vector.shape_cast %get3A_368 : vector<1x16xf32> to vector<16xf32>
      %mul3A_370 = arith.constant 8.000000e+00 : f32
      %mul3A_371 = vector.broadcast %mul3A_370 : f32 to vector<16xf32>
      %mul3A_372 = arith.mulf %get3A_369, %mul3A_371 : vector<16xf32>
      %swap3A_373 = arith.index_cast %add3A_329 : i32 to index
      %swap3A_374 = arith.constant 48 : index
      %swap3A_375 = tpu.vector_load %arg11[%swap3A_373, %swap3A_374] {strides = array<i32>} : memref<128x128xf32, #tpu.memory_space<vmem>>, vector<1x16xf32>,
      %swap3A_376 = vector.shape_cast %swap3A_375 : vector<1x16xf32> to vector<16xf32>
      %swap3A_377 = vector.shape_cast %mul3A_372 : vector<16xf32> to vector<1x16xf32>
      tpu.vector_store %arg11[%swap3A_373, %swap3A_374], %swap3A_377 {strides = array<i32>} : memref<128x128xf32, #tpu.memory_space<vmem>>, vector<1x16xf32>,
      %scan3A_378 = arith.constant 0 : i32
      scf.yield %scan3A_378 : i32
    }
    %scan3A_97 = arith.constant 32 : i32
    %add3A_98 = arith.constant 25216 : i32
    %add3A_99 = arith.addi %mul3A_2, %add3A_98 : i32
    %dma_start3A_100 = arith.constant 0 : i32
    %dma_start3A_101 = tpu.memref_slice %arg4[%add3A_99, %dma_start3A_100] : memref<819200x128xf32, #tpu.memory_space<hbm>> -> memref<128x128xf32, #tpu.memory_space<hbm>>
    %dma_start3A_102 = arith.constant 0 : i32
    %dma_start3A_103 = tpu.memref_slice %arg4[%add3A_99, %dma_start3A_102] : memref<819200x128xf32, #tpu.memory_space<hbm>> -> memref<128x128xf32, #tpu.memory_space<hbm>>
    tpu.enqueue_dma source(%arg11 : memref<128x128xf32, #tpu.memory_space<vmem>>) target(%dma_start3A_103 : memref<128x128xf32, #tpu.memory_space<hbm>>) target_semaphore(%arg17 : memref<!tpu.dma_semaphore, #tpu.memory_space<semaphore_mem>>)
    %dma_wait3A_104 = arith.constant 25344 : i32
    %dma_wait3A_105 = tpu.memref_slice %arg5[%dma_wait3A_104] : memref<25600xi32, #tpu.memory_space<vmem>> -> memref<128xi32, #tpu.memory_space<vmem>>
    %dma_wait3A_106 = arith.constant 0 : i32
    %dma_wait3A_107 = arith.constant 0 : i32
    %dma_wait3A_108 = tpu.memref_slice %arg3[%dma_wait3A_106, %dma_wait3A_107] : memref<1000000x128xf32, #tpu.memory_space<hbm>> -> memref<1000000x128xf32, #tpu.memory_space<hbm>>
    tpu.wait_indirect_dma semaphore(%arg12 : memref<!tpu.dma_semaphore, #tpu.memory_space<semaphore_mem>>) src(%dma_wait3A_108 : memref<1000000x128xf32, #tpu.memory_space<hbm>>) dst(%arg6 : memref<128x128xf32, #tpu.memory_space<vmem>>)
    %add3A_109 = arith.constant 24960 : i32
    %add3A_110 = arith.addi %mul3A_2, %add3A_109 : i32
    %dma_wait3A_111 = arith.constant 0 : i32
    %dma_wait3A_112 = tpu.memref_slice %arg4[%add3A_110, %dma_wait3A_111] : memref<819200x128xf32, #tpu.memory_space<hbm>> -> memref<128x128xf32, #tpu.memory_space<hbm>>
    %dma_wait3A_113 = arith.constant 0 : i32
    %dma_wait3A_114 = tpu.memref_slice %arg4[%add3A_110, %dma_wait3A_113] : memref<819200x128xf32, #tpu.memory_space<hbm>> -> memref<128x128xf32, #tpu.memory_space<hbm>>
    tpu.wait_dma2 semaphore(%arg15 : memref<!tpu.dma_semaphore, #tpu.memory_space<semaphore_mem>>) src(%arg9 : memref<128x128xf32, #tpu.memory_space<vmem>>) dst(%dma_wait3A_114 : memref<128x128xf32, #tpu.memory_space<hbm>>)
    %scan3A_115 = arith.constant 0 : i32
    %scan3A_116 = arith.constant 0 : i32
    %scan3A_117 = arith.constant 32 : i32
    %scan3A_118 = arith.addi %scan3A_116, %scan3A_117 : i32
    %scan3A_119 = arith.constant 1 : i32
    %scan3A_120 = scf.for %scan3A_170 = %scan3A_116 to %scan3A_118 step %scan3A_119 iter_args(%scan3A_171 = %scan3A_115) -> (i32)  : i32 {
      %mul3A_172 = arith.constant 4 : i32
      %mul3A_173 = arith.muli %scan3A_170, %mul3A_172 : i32
      %add3A_174 = arith.constant 0 : i32
      %add3A_175 = arith.addi %mul3A_173, %add3A_174 : i32
      %get3A = arith.index_cast %add3A_175 : i32 to index
      %get3A_176 = arith.constant 0 : index
      %get3A_177 = tpu.vector_load %arg6[%get3A, %get3A_176] {strides = array<i32>} : memref<128x128xf32, #tpu.memory_space<vmem>>, vector<1x16xf32>,
      %get3A_178 = vector.shape_cast %get3A_177 : vector<1x16xf32> to vector<16xf32>
      %mul3A_179 = arith.constant 8.000000e+00 : f32
      %mul3A_180 = vector.broadcast %mul3A_179 : f32 to vector<16xf32>
      %mul3A_181 = arith.mulf %get3A_178, %mul3A_180 : vector<16xf32>
      %swap3A = arith.index_cast %add3A_175 : i32 to index
      %swap3A_182 = arith.constant 0 : index
      %swap3A_183 = tpu.vector_load %arg9[%swap3A, %swap3A_182] {strides = array<i32>} : memref<128x128xf32, #tpu.memory_space<vmem>>, vector<1x16xf32>,
      %swap3A_184 = vector.shape_cast %swap3A_183 : vector<1x16xf32> to vector<16xf32>
      %swap3A_185 = vector.shape_cast %mul3A_181 : vector<16xf32> to vector<1x16xf32>
      tpu.vector_store %arg9[%swap3A, %swap3A_182], %swap3A_185 {strides = array<i32>} : memref<128x128xf32, #tpu.memory_space<vmem>>, vector<1x16xf32>,
      %get3A_186 = arith.index_cast %add3A_175 : i32 to index
      %get3A_187 = arith.constant 16 : index
      %get3A_188 = tpu.vector_load %arg6[%get3A_186, %get3A_187] {strides = array<i32>} : memref<128x128xf32, #tpu.memory_space<vmem>>, vector<1x16xf32>,
      %get3A_189 = vector.shape_cast %get3A_188 : vector<1x16xf32> to vector<16xf32>
      %mul3A_190 = arith.constant 8.000000e+00 : f32
      %mul3A_191 = vector.broadcast %mul3A_190 : f32 to vector<16xf32>
      %mul3A_192 = arith.mulf %get3A_189, %mul3A_191 : vector<16xf32>
      %swap3A_193 = arith.index_cast %add3A_175 : i32 to index
      %swap3A_194 = arith.constant 16 : index
      %swap3A_195 = tpu.vector_load %arg9[%swap3A_193, %swap3A_194] {strides = array<i32>} : memref<128x128xf32, #tpu.memory_space<vmem>>, vector<1x16xf32>,
      %swap3A_196 = vector.shape_cast %swap3A_195 : vector<1x16xf32> to vector<16xf32>
      %swap3A_197 = vector.shape_cast %mul3A_192 : vector<16xf32> to vector<1x16xf32>
      tpu.vector_store %arg9[%swap3A_193, %swap3A_194], %swap3A_197 {strides = array<i32>} : memref<128x128xf32, #tpu.memory_space<vmem>>, vector<1x16xf32>,
      %get3A_198 = arith.index_cast %add3A_175 : i32 to index
      %get3A_199 = arith.constant 32 : index
      %get3A_200 = tpu.vector_load %arg6[%get3A_198, %get3A_199] {strides = array<i32>} : memref<128x128xf32, #tpu.memory_space<vmem>>, vector<1x16xf32>,
      %get3A_201 = vector.shape_cast %get3A_200 : vector<1x16xf32> to vector<16xf32>
      %mul3A_202 = arith.constant 8.000000e+00 : f32
      %mul3A_203 = vector.broadcast %mul3A_202 : f32 to vector<16xf32>
      %mul3A_204 = arith.mulf %get3A_201, %mul3A_203 : vector<16xf32>
      %swap3A_205 = arith.index_cast %add3A_175 : i32 to index
      %swap3A_206 = arith.constant 32 : index
      %swap3A_207 = tpu.vector_load %arg9[%swap3A_205, %swap3A_206] {strides = array<i32>} : memref<128x128xf32, #tpu.memory_space<vmem>>, vector<1x16xf32>,
      %swap3A_208 = vector.shape_cast %swap3A_207 : vector<1x16xf32> to vector<16xf32>
      %swap3A_209 = vector.shape_cast %mul3A_204 : vector<16xf32> to vector<1x16xf32>
      tpu.vector_store %arg9[%swap3A_205, %swap3A_206], %swap3A_209 {strides = array<i32>} : memref<128x128xf32, #tpu.memory_space<vmem>>, vector<1x16xf32>,
      %get3A_210 = arith.index_cast %add3A_175 : i32 to index
      %get3A_211 = arith.constant 48 : index
      %get3A_212 = tpu.vector_load %arg6[%get3A_210, %get3A_211] {strides = array<i32>} : memref<128x128xf32, #tpu.memory_space<vmem>>, vector<1x16xf32>,
      %get3A_213 = vector.shape_cast %get3A_212 : vector<1x16xf32> to vector<16xf32>
      %mul3A_214 = arith.constant 8.000000e+00 : f32
      %mul3A_215 = vector.broadcast %mul3A_214 : f32 to vector<16xf32>
      %mul3A_216 = arith.mulf %get3A_213, %mul3A_215 : vector<16xf32>
      %swap3A_217 = arith.index_cast %add3A_175 : i32 to index
      %swap3A_218 = arith.constant 48 : index
      %swap3A_219 = tpu.vector_load %arg9[%swap3A_217, %swap3A_218] {strides = array<i32>} : memref<128x128xf32, #tpu.memory_space<vmem>>, vector<1x16xf32>,
      %swap3A_220 = vector.shape_cast %swap3A_219 : vector<1x16xf32> to vector<16xf32>
      %swap3A_221 = vector.shape_cast %mul3A_216 : vector<16xf32> to vector<1x16xf32>
      tpu.vector_store %arg9[%swap3A_217, %swap3A_218], %swap3A_221 {strides = array<i32>} : memref<128x128xf32, #tpu.memory_space<vmem>>, vector<1x16xf32>,
      %mul3A_222 = arith.constant 4 : i32
      %mul3A_223 = arith.muli %scan3A_170, %mul3A_222 : i32
      %add3A_224 = arith.constant 1 : i32
      %add3A_225 = arith.addi %mul3A_223, %add3A_224 : i32
      %get3A_226 = arith.index_cast %add3A_225 : i32 to index
      %get3A_227 = arith.constant 0 : index
      %get3A_228 = tpu.vector_load %arg6[%get3A_226, %get3A_227] {strides = array<i32>} : memref<128x128xf32, #tpu.memory_space<vmem>>, vector<1x16xf32>,
      %get3A_229 = vector.shape_cast %get3A_228 : vector<1x16xf32> to vector<16xf32>
      %mul3A_230 = arith.constant 8.000000e+00 : f32
      %mul3A_231 = vector.broadcast %mul3A_230 : f32 to vector<16xf32>
      %mul3A_232 = arith.mulf %get3A_229, %mul3A_231 : vector<16xf32>
      %swap3A_233 = arith.index_cast %add3A_225 : i32 to index
      %swap3A_234 = arith.constant 0 : index
      %swap3A_235 = tpu.vector_load %arg9[%swap3A_233, %swap3A_234] {strides = array<i32>} : memref<128x128xf32, #tpu.memory_space<vmem>>, vector<1x16xf32>,
      %swap3A_236 = vector.shape_cast %swap3A_235 : vector<1x16xf32> to vector<16xf32>
      %swap3A_237 = vector.shape_cast %mul3A_232 : vector<16xf32> to vector<1x16xf32>
      tpu.vector_store %arg9[%swap3A_233, %swap3A_234], %swap3A_237 {strides = array<i32>} : memref<128x128xf32, #tpu.memory_space<vmem>>, vector<1x16xf32>,
      %get3A_238 = arith.index_cast %add3A_225 : i32 to index
      %get3A_239 = arith.constant 16 : index
      %get3A_240 = tpu.vector_load %arg6[%get3A_238, %get3A_239] {strides = array<i32>} : memref<128x128xf32, #tpu.memory_space<vmem>>, vector<1x16xf32>,
      %get3A_241 = vector.shape_cast %get3A_240 : vector<1x16xf32> to vector<16xf32>
      %mul3A_242 = arith.constant 8.000000e+00 : f32
      %mul3A_243 = vector.broadcast %mul3A_242 : f32 to vector<16xf32>
      %mul3A_244 = arith.mulf %get3A_241, %mul3A_243 : vector<16xf32>
      %swap3A_245 = arith.index_cast %add3A_225 : i32 to index
      %swap3A_246 = arith.constant 16 : index
      %swap3A_247 = tpu.vector_load %arg9[%swap3A_245, %swap3A_246] {strides = array<i32>} : memref<128x128xf32, #tpu.memory_space<vmem>>, vector<1x16xf32>,
      %swap3A_248 = vector.shape_cast %swap3A_247 : vector<1x16xf32> to vector<16xf32>
      %swap3A_249 = vector.shape_cast %mul3A_244 : vector<16xf32> to vector<1x16xf32>
      tpu.vector_store %arg9[%swap3A_245, %swap3A_246], %swap3A_249 {strides = array<i32>} : memref<128x128xf32, #tpu.memory_space<vmem>>, vector<1x16xf32>,
      %get3A_250 = arith.index_cast %add3A_225 : i32 to index
      %get3A_251 = arith.constant 32 : index
      %get3A_252 = tpu.vector_load %arg6[%get3A_250, %get3A_251] {strides = array<i32>} : memref<128x128xf32, #tpu.memory_space<vmem>>, vector<1x16xf32>,
      %get3A_253 = vector.shape_cast %get3A_252 : vector<1x16xf32> to vector<16xf32>
      %mul3A_254 = arith.constant 8.000000e+00 : f32
      %mul3A_255 = vector.broadcast %mul3A_254 : f32 to vector<16xf32>
      %mul3A_256 = arith.mulf %get3A_253, %mul3A_255 : vector<16xf32>
      %swap3A_257 = arith.index_cast %add3A_225 : i32 to index
      %swap3A_258 = arith.constant 32 : index
      %swap3A_259 = tpu.vector_load %arg9[%swap3A_257, %swap3A_258] {strides = array<i32>} : memref<128x128xf32, #tpu.memory_space<vmem>>, vector<1x16xf32>,
      %swap3A_260 = vector.shape_cast %swap3A_259 : vector<1x16xf32> to vector<16xf32>
      %swap3A_261 = vector.shape_cast %mul3A_256 : vector<16xf32> to vector<1x16xf32>
      tpu.vector_store %arg9[%swap3A_257, %swap3A_258], %swap3A_261 {strides = array<i32>} : memref<128x128xf32, #tpu.memory_space<vmem>>, vector<1x16xf32>,
      %get3A_262 = arith.index_cast %add3A_225 : i32 to index
      %get3A_263 = arith.constant 48 : index
      %get3A_264 = tpu.vector_load %arg6[%get3A_262, %get3A_263] {strides = array<i32>} : memref<128x128xf32, #tpu.memory_space<vmem>>, vector<1x16xf32>,
      %get3A_265 = vector.shape_cast %get3A_264 : vector<1x16xf32> to vector<16xf32>
      %mul3A_266 = arith.constant 8.000000e+00 : f32
      %mul3A_267 = vector.broadcast %mul3A_266 : f32 to vector<16xf32>
      %mul3A_268 = arith.mulf %get3A_265, %mul3A_267 : vector<16xf32>
      %swap3A_269 = arith.index_cast %add3A_225 : i32 to index
      %swap3A_270 = arith.constant 48 : index
      %swap3A_271 = tpu.vector_load %arg9[%swap3A_269, %swap3A_270] {strides = array<i32>} : memref<128x128xf32, #tpu.memory_space<vmem>>, vector<1x16xf32>,
      %swap3A_272 = vector.shape_cast %swap3A_271 : vector<1x16xf32> to vector<16xf32>
      %swap3A_273 = vector.shape_cast %mul3A_268 : vector<16xf32> to vector<1x16xf32>
      tpu.vector_store %arg9[%swap3A_269, %swap3A_270], %swap3A_273 {strides = array<i32>} : memref<128x128xf32, #tpu.memory_space<vmem>>, vector<1x16xf32>,
      %mul3A_274 = arith.constant 4 : i32
      %mul3A_275 = arith.muli %scan3A_170, %mul3A_274 : i32
      %add3A_276 = arith.constant 2 : i32
      %add3A_277 = arith.addi %mul3A_275, %add3A_276 : i32
      %get3A_278 = arith.index_cast %add3A_277 : i32 to index
      %get3A_279 = arith.constant 0 : index
      %get3A_280 = tpu.vector_load %arg6[%get3A_278, %get3A_279] {strides = array<i32>} : memref<128x128xf32, #tpu.memory_space<vmem>>, vector<1x16xf32>,
      %get3A_281 = vector.shape_cast %get3A_280 : vector<1x16xf32> to vector<16xf32>
      %mul3A_282 = arith.constant 8.000000e+00 : f32
      %mul3A_283 = vector.broadcast %mul3A_282 : f32 to vector<16xf32>
      %mul3A_284 = arith.mulf %get3A_281, %mul3A_283 : vector<16xf32>
      %swap3A_285 = arith.index_cast %add3A_277 : i32 to index
      %swap3A_286 = arith.constant 0 : index
      %swap3A_287 = tpu.vector_load %arg9[%swap3A_285, %swap3A_286] {strides = array<i32>} : memref<128x128xf32, #tpu.memory_space<vmem>>, vector<1x16xf32>,
      %swap3A_288 = vector.shape_cast %swap3A_287 : vector<1x16xf32> to vector<16xf32>
      %swap3A_289 = vector.shape_cast %mul3A_284 : vector<16xf32> to vector<1x16xf32>
      tpu.vector_store %arg9[%swap3A_285, %swap3A_286], %swap3A_289 {strides = array<i32>} : memref<128x128xf32, #tpu.memory_space<vmem>>, vector<1x16xf32>,
      %get3A_290 = arith.index_cast %add3A_277 : i32 to index
      %get3A_291 = arith.constant 16 : index
      %get3A_292 = tpu.vector_load %arg6[%get3A_290, %get3A_291] {strides = array<i32>} : memref<128x128xf32, #tpu.memory_space<vmem>>, vector<1x16xf32>,
      %get3A_293 = vector.shape_cast %get3A_292 : vector<1x16xf32> to vector<16xf32>
      %mul3A_294 = arith.constant 8.000000e+00 : f32
      %mul3A_295 = vector.broadcast %mul3A_294 : f32 to vector<16xf32>
      %mul3A_296 = arith.mulf %get3A_293, %mul3A_295 : vector<16xf32>
      %swap3A_297 = arith.index_cast %add3A_277 : i32 to index
      %swap3A_298 = arith.constant 16 : index
      %swap3A_299 = tpu.vector_load %arg9[%swap3A_297, %swap3A_298] {strides = array<i32>} : memref<128x128xf32, #tpu.memory_space<vmem>>, vector<1x16xf32>,
      %swap3A_300 = vector.shape_cast %swap3A_299 : vector<1x16xf32> to vector<16xf32>
      %swap3A_301 = vector.shape_cast %mul3A_296 : vector<16xf32> to vector<1x16xf32>
      tpu.vector_store %arg9[%swap3A_297, %swap3A_298], %swap3A_301 {strides = array<i32>} : memref<128x128xf32, #tpu.memory_space<vmem>>, vector<1x16xf32>,
      %get3A_302 = arith.index_cast %add3A_277 : i32 to index
      %get3A_303 = arith.constant 32 : index
      %get3A_304 = tpu.vector_load %arg6[%get3A_302, %get3A_303] {strides = array<i32>} : memref<128x128xf32, #tpu.memory_space<vmem>>, vector<1x16xf32>,
      %get3A_305 = vector.shape_cast %get3A_304 : vector<1x16xf32> to vector<16xf32>
      %mul3A_306 = arith.constant 8.000000e+00 : f32
      %mul3A_307 = vector.broadcast %mul3A_306 : f32 to vector<16xf32>
      %mul3A_308 = arith.mulf %get3A_305, %mul3A_307 : vector<16xf32>
      %swap3A_309 = arith.index_cast %add3A_277 : i32 to index
      %swap3A_310 = arith.constant 32 : index
      %swap3A_311 = tpu.vector_load %arg9[%swap3A_309, %swap3A_310] {strides = array<i32>} : memref<128x128xf32, #tpu.memory_space<vmem>>, vector<1x16xf32>,
      %swap3A_312 = vector.shape_cast %swap3A_311 : vector<1x16xf32> to vector<16xf32>
      %swap3A_313 = vector.shape_cast %mul3A_308 : vector<16xf32> to vector<1x16xf32>
      tpu.vector_store %arg9[%swap3A_309, %swap3A_310], %swap3A_313 {strides = array<i32>} : memref<128x128xf32, #tpu.memory_space<vmem>>, vector<1x16xf32>,
      %get3A_314 = arith.index_cast %add3A_277 : i32 to index
      %get3A_315 = arith.constant 48 : index
      %get3A_316 = tpu.vector_load %arg6[%get3A_314, %get3A_315] {strides = array<i32>} : memref<128x128xf32, #tpu.memory_space<vmem>>, vector<1x16xf32>,
      %get3A_317 = vector.shape_cast %get3A_316 : vector<1x16xf32> to vector<16xf32>
      %mul3A_318 = arith.constant 8.000000e+00 : f32
      %mul3A_319 = vector.broadcast %mul3A_318 : f32 to vector<16xf32>
      %mul3A_320 = arith.mulf %get3A_317, %mul3A_319 : vector<16xf32>
      %swap3A_321 = arith.index_cast %add3A_277 : i32 to index
      %swap3A_322 = arith.constant 48 : index
      %swap3A_323 = tpu.vector_load %arg9[%swap3A_321, %swap3A_322] {strides = array<i32>} : memref<128x128xf32, #tpu.memory_space<vmem>>, vector<1x16xf32>,
      %swap3A_324 = vector.shape_cast %swap3A_323 : vector<1x16xf32> to vector<16xf32>
      %swap3A_325 = vector.shape_cast %mul3A_320 : vector<16xf32> to vector<1x16xf32>
      tpu.vector_store %arg9[%swap3A_321, %swap3A_322], %swap3A_325 {strides = array<i32>} : memref<128x128xf32, #tpu.memory_space<vmem>>, vector<1x16xf32>,
      %mul3A_326 = arith.constant 4 : i32
      %mul3A_327 = arith.muli %scan3A_170, %mul3A_326 : i32
      %add3A_328 = arith.constant 3 : i32
      %add3A_329 = arith.addi %mul3A_327, %add3A_328 : i32
      %get3A_330 = arith.index_cast %add3A_329 : i32 to index
      %get3A_331 = arith.constant 0 : index
      %get3A_332 = tpu.vector_load %arg6[%get3A_330, %get3A_331] {strides = array<i32>} : memref<128x128xf32, #tpu.memory_space<vmem>>, vector<1x16xf32>,
      %get3A_333 = vector.shape_cast %get3A_332 : vector<1x16xf32> to vector<16xf32>
      %mul3A_334 = arith.constant 8.000000e+00 : f32
      %mul3A_335 = vector.broadcast %mul3A_334 : f32 to vector<16xf32>
      %mul3A_336 = arith.mulf %get3A_333, %mul3A_335 : vector<16xf32>
      %swap3A_337 = arith.index_cast %add3A_329 : i32 to index
      %swap3A_338 = arith.constant 0 : index
      %swap3A_339 = tpu.vector_load %arg9[%swap3A_337, %swap3A_338] {strides = array<i32>} : memref<128x128xf32, #tpu.memory_space<vmem>>, vector<1x16xf32>,
      %swap3A_340 = vector.shape_cast %swap3A_339 : vector<1x16xf32> to vector<16xf32>
      %swap3A_341 = vector.shape_cast %mul3A_336 : vector<16xf32> to vector<1x16xf32>
      tpu.vector_store %arg9[%swap3A_337, %swap3A_338], %swap3A_341 {strides = array<i32>} : memref<128x128xf32, #tpu.memory_space<vmem>>, vector<1x16xf32>,
      %get3A_342 = arith.index_cast %add3A_329 : i32 to index
      %get3A_343 = arith.constant 16 : index
      %get3A_344 = tpu.vector_load %arg6[%get3A_342, %get3A_343] {strides = array<i32>} : memref<128x128xf32, #tpu.memory_space<vmem>>, vector<1x16xf32>,
      %get3A_345 = vector.shape_cast %get3A_344 : vector<1x16xf32> to vector<16xf32>
      %mul3A_346 = arith.constant 8.000000e+00 : f32
      %mul3A_347 = vector.broadcast %mul3A_346 : f32 to vector<16xf32>
      %mul3A_348 = arith.mulf %get3A_345, %mul3A_347 : vector<16xf32>
      %swap3A_349 = arith.index_cast %add3A_329 : i32 to index
      %swap3A_350 = arith.constant 16 : index
      %swap3A_351 = tpu.vector_load %arg9[%swap3A_349, %swap3A_350] {strides = array<i32>} : memref<128x128xf32, #tpu.memory_space<vmem>>, vector<1x16xf32>,
      %swap3A_352 = vector.shape_cast %swap3A_351 : vector<1x16xf32> to vector<16xf32>
      %swap3A_353 = vector.shape_cast %mul3A_348 : vector<16xf32> to vector<1x16xf32>
      tpu.vector_store %arg9[%swap3A_349, %swap3A_350], %swap3A_353 {strides = array<i32>} : memref<128x128xf32, #tpu.memory_space<vmem>>, vector<1x16xf32>,
      %get3A_354 = arith.index_cast %add3A_329 : i32 to index
      %get3A_355 = arith.constant 32 : index
      %get3A_356 = tpu.vector_load %arg6[%get3A_354, %get3A_355] {strides = array<i32>} : memref<128x128xf32, #tpu.memory_space<vmem>>, vector<1x16xf32>,
      %get3A_357 = vector.shape_cast %get3A_356 : vector<1x16xf32> to vector<16xf32>
      %mul3A_358 = arith.constant 8.000000e+00 : f32
      %mul3A_359 = vector.broadcast %mul3A_358 : f32 to vector<16xf32>
      %mul3A_360 = arith.mulf %get3A_357, %mul3A_359 : vector<16xf32>
      %swap3A_361 = arith.index_cast %add3A_329 : i32 to index
      %swap3A_362 = arith.constant 32 : index
      %swap3A_363 = tpu.vector_load %arg9[%swap3A_361, %swap3A_362] {strides = array<i32>} : memref<128x128xf32, #tpu.memory_space<vmem>>, vector<1x16xf32>,
      %swap3A_364 = vector.shape_cast %swap3A_363 : vector<1x16xf32> to vector<16xf32>
      %swap3A_365 = vector.shape_cast %mul3A_360 : vector<16xf32> to vector<1x16xf32>
      tpu.vector_store %arg9[%swap3A_361, %swap3A_362], %swap3A_365 {strides = array<i32>} : memref<128x128xf32, #tpu.memory_space<vmem>>, vector<1x16xf32>,
      %get3A_366 = arith.index_cast %add3A_329 : i32 to index
      %get3A_367 = arith.constant 48 : index
      %get3A_368 = tpu.vector_load %arg6[%get3A_366, %get3A_367] {strides = array<i32>} : memref<128x128xf32, #tpu.memory_space<vmem>>, vector<1x16xf32>,
      %get3A_369 = vector.shape_cast %get3A_368 : vector<1x16xf32> to vector<16xf32>
      %mul3A_370 = arith.constant 8.000000e+00 : f32
      %mul3A_371 = vector.broadcast %mul3A_370 : f32 to vector<16xf32>
      %mul3A_372 = arith.mulf %get3A_369, %mul3A_371 : vector<16xf32>
      %swap3A_373 = arith.index_cast %add3A_329 : i32 to index
      %swap3A_374 = arith.constant 48 : index
      %swap3A_375 = tpu.vector_load %arg9[%swap3A_373, %swap3A_374] {strides = array<i32>} : memref<128x128xf32, #tpu.memory_space<vmem>>, vector<1x16xf32>,
      %swap3A_376 = vector.shape_cast %swap3A_375 : vector<1x16xf32> to vector<16xf32>
      %swap3A_377 = vector.shape_cast %mul3A_372 : vector<16xf32> to vector<1x16xf32>
      tpu.vector_store %arg9[%swap3A_373, %swap3A_374], %swap3A_377 {strides = array<i32>} : memref<128x128xf32, #tpu.memory_space<vmem>>, vector<1x16xf32>,
      %scan3A_378 = arith.constant 0 : i32
      scf.yield %scan3A_378 : i32
    }
    %scan3A_121 = arith.constant 32 : i32
    %add3A_122 = arith.constant 25344 : i32
    %add3A_123 = arith.addi %mul3A_2, %add3A_122 : i32
    %dma_start3A_124 = arith.constant 0 : i32
    %dma_start3A_125 = tpu.memref_slice %arg4[%add3A_123, %dma_start3A_124] : memref<819200x128xf32, #tpu.memory_space<hbm>> -> memref<128x128xf32, #tpu.memory_space<hbm>>
    %dma_start3A_126 = arith.constant 0 : i32
    %dma_start3A_127 = tpu.memref_slice %arg4[%add3A_123, %dma_start3A_126] : memref<819200x128xf32, #tpu.memory_space<hbm>> -> memref<128x128xf32, #tpu.memory_space<hbm>>
    tpu.enqueue_dma source(%arg9 : memref<128x128xf32, #tpu.memory_space<vmem>>) target(%dma_start3A_127 : memref<128x128xf32, #tpu.memory_space<hbm>>) target_semaphore(%arg15 : memref<!tpu.dma_semaphore, #tpu.memory_space<semaphore_mem>>)
    %dma_wait3A_128 = arith.constant 25472 : i32
    %dma_wait3A_129 = tpu.memref_slice %arg5[%dma_wait3A_128] : memref<25600xi32, #tpu.memory_space<vmem>> -> memref<128xi32, #tpu.memory_space<vmem>>
    %dma_wait3A_130 = arith.constant 0 : i32
    %dma_wait3A_131 = arith.constant 0 : i32
    %dma_wait3A_132 = tpu.memref_slice %arg3[%dma_wait3A_130, %dma_wait3A_131] : memref<1000000x128xf32, #tpu.memory_space<hbm>> -> memref<1000000x128xf32, #tpu.memory_space<hbm>>
    tpu.wait_indirect_dma semaphore(%arg13 : memref<!tpu.dma_semaphore, #tpu.memory_space<semaphore_mem>>) src(%dma_wait3A_132 : memref<1000000x128xf32, #tpu.memory_space<hbm>>) dst(%arg7 : memref<128x128xf32, #tpu.memory_space<vmem>>)
    %add3A_133 = arith.constant 25088 : i32
    %add3A_134 = arith.addi %mul3A_2, %add3A_133 : i32
    %dma_wait3A_135 = arith.constant 0 : i32
    %dma_wait3A_136 = tpu.memref_slice %arg4[%add3A_134, %dma_wait3A_135] : memref<819200x128xf32, #tpu.memory_space<hbm>> -> memref<128x128xf32, #tpu.memory_space<hbm>>
    %dma_wait3A_137 = arith.constant 0 : i32
    %dma_wait3A_138 = tpu.memref_slice %arg4[%add3A_134, %dma_wait3A_137] : memref<819200x128xf32, #tpu.memory_space<hbm>> -> memref<128x128xf32, #tpu.memory_space<hbm>>
    tpu.wait_dma2 semaphore(%arg16 : memref<!tpu.dma_semaphore, #tpu.memory_space<semaphore_mem>>) src(%arg10 : memref<128x128xf32, #tpu.memory_space<vmem>>) dst(%dma_wait3A_138 : memref<128x128xf32, #tpu.memory_space<hbm>>)
    %scan3A_139 = arith.constant 0 : i32
    %scan3A_140 = arith.constant 0 : i32
    %scan3A_141 = arith.constant 32 : i32
    %scan3A_142 = arith.addi %scan3A_140, %scan3A_141 : i32
    %scan3A_143 = arith.constant 1 : i32
    %scan3A_144 = scf.for %scan3A_170 = %scan3A_140 to %scan3A_142 step %scan3A_143 iter_args(%scan3A_171 = %scan3A_139) -> (i32)  : i32 {
      %mul3A_172 = arith.constant 4 : i32
      %mul3A_173 = arith.muli %scan3A_170, %mul3A_172 : i32
      %add3A_174 = arith.constant 0 : i32
      %add3A_175 = arith.addi %mul3A_173, %add3A_174 : i32
      %get3A = arith.index_cast %add3A_175 : i32 to index
      %get3A_176 = arith.constant 0 : index
      %get3A_177 = tpu.vector_load %arg7[%get3A, %get3A_176] {strides = array<i32>} : memref<128x128xf32, #tpu.memory_space<vmem>>, vector<1x16xf32>,
      %get3A_178 = vector.shape_cast %get3A_177 : vector<1x16xf32> to vector<16xf32>
      %mul3A_179 = arith.constant 8.000000e+00 : f32
      %mul3A_180 = vector.broadcast %mul3A_179 : f32 to vector<16xf32>
      %mul3A_181 = arith.mulf %get3A_178, %mul3A_180 : vector<16xf32>
      %swap3A = arith.index_cast %add3A_175 : i32 to index
      %swap3A_182 = arith.constant 0 : index
      %swap3A_183 = tpu.vector_load %arg10[%swap3A, %swap3A_182] {strides = array<i32>} : memref<128x128xf32, #tpu.memory_space<vmem>>, vector<1x16xf32>,
      %swap3A_184 = vector.shape_cast %swap3A_183 : vector<1x16xf32> to vector<16xf32>
      %swap3A_185 = vector.shape_cast %mul3A_181 : vector<16xf32> to vector<1x16xf32>
      tpu.vector_store %arg10[%swap3A, %swap3A_182], %swap3A_185 {strides = array<i32>} : memref<128x128xf32, #tpu.memory_space<vmem>>, vector<1x16xf32>,
      %get3A_186 = arith.index_cast %add3A_175 : i32 to index
      %get3A_187 = arith.constant 16 : index
      %get3A_188 = tpu.vector_load %arg7[%get3A_186, %get3A_187] {strides = array<i32>} : memref<128x128xf32, #tpu.memory_space<vmem>>, vector<1x16xf32>,
      %get3A_189 = vector.shape_cast %get3A_188 : vector<1x16xf32> to vector<16xf32>
      %mul3A_190 = arith.constant 8.000000e+00 : f32
      %mul3A_191 = vector.broadcast %mul3A_190 : f32 to vector<16xf32>
      %mul3A_192 = arith.mulf %get3A_189, %mul3A_191 : vector<16xf32>
      %swap3A_193 = arith.index_cast %add3A_175 : i32 to index
      %swap3A_194 = arith.constant 16 : index
      %swap3A_195 = tpu.vector_load %arg10[%swap3A_193, %swap3A_194] {strides = array<i32>} : memref<128x128xf32, #tpu.memory_space<vmem>>, vector<1x16xf32>,
      %swap3A_196 = vector.shape_cast %swap3A_195 : vector<1x16xf32> to vector<16xf32>
      %swap3A_197 = vector.shape_cast %mul3A_192 : vector<16xf32> to vector<1x16xf32>
      tpu.vector_store %arg10[%swap3A_193, %swap3A_194], %swap3A_197 {strides = array<i32>} : memref<128x128xf32, #tpu.memory_space<vmem>>, vector<1x16xf32>,
      %get3A_198 = arith.index_cast %add3A_175 : i32 to index
      %get3A_199 = arith.constant 32 : index
      %get3A_200 = tpu.vector_load %arg7[%get3A_198, %get3A_199] {strides = array<i32>} : memref<128x128xf32, #tpu.memory_space<vmem>>, vector<1x16xf32>,
      %get3A_201 = vector.shape_cast %get3A_200 : vector<1x16xf32> to vector<16xf32>
      %mul3A_202 = arith.constant 8.000000e+00 : f32
      %mul3A_203 = vector.broadcast %mul3A_202 : f32 to vector<16xf32>
      %mul3A_204 = arith.mulf %get3A_201, %mul3A_203 : vector<16xf32>
      %swap3A_205 = arith.index_cast %add3A_175 : i32 to index
      %swap3A_206 = arith.constant 32 : index
      %swap3A_207 = tpu.vector_load %arg10[%swap3A_205, %swap3A_206] {strides = array<i32>} : memref<128x128xf32, #tpu.memory_space<vmem>>, vector<1x16xf32>,
      %swap3A_208 = vector.shape_cast %swap3A_207 : vector<1x16xf32> to vector<16xf32>
      %swap3A_209 = vector.shape_cast %mul3A_204 : vector<16xf32> to vector<1x16xf32>
      tpu.vector_store %arg10[%swap3A_205, %swap3A_206], %swap3A_209 {strides = array<i32>} : memref<128x128xf32, #tpu.memory_space<vmem>>, vector<1x16xf32>,
      %get3A_210 = arith.index_cast %add3A_175 : i32 to index
      %get3A_211 = arith.constant 48 : index
      %get3A_212 = tpu.vector_load %arg7[%get3A_210, %get3A_211] {strides = array<i32>} : memref<128x128xf32, #tpu.memory_space<vmem>>, vector<1x16xf32>,
      %get3A_213 = vector.shape_cast %get3A_212 : vector<1x16xf32> to vector<16xf32>
      %mul3A_214 = arith.constant 8.000000e+00 : f32
      %mul3A_215 = vector.broadcast %mul3A_214 : f32 to vector<16xf32>
      %mul3A_216 = arith.mulf %get3A_213, %mul3A_215 : vector<16xf32>
      %swap3A_217 = arith.index_cast %add3A_175 : i32 to index
      %swap3A_218 = arith.constant 48 : index
      %swap3A_219 = tpu.vector_load %arg10[%swap3A_217, %swap3A_218] {strides = array<i32>} : memref<128x128xf32, #tpu.memory_space<vmem>>, vector<1x16xf32>,
      %swap3A_220 = vector.shape_cast %swap3A_219 : vector<1x16xf32> to vector<16xf32>
      %swap3A_221 = vector.shape_cast %mul3A_216 : vector<16xf32> to vector<1x16xf32>
      tpu.vector_store %arg10[%swap3A_217, %swap3A_218], %swap3A_221 {strides = array<i32>} : memref<128x128xf32, #tpu.memory_space<vmem>>, vector<1x16xf32>,
      %mul3A_222 = arith.constant 4 : i32
      %mul3A_223 = arith.muli %scan3A_170, %mul3A_222 : i32
      %add3A_224 = arith.constant 1 : i32
      %add3A_225 = arith.addi %mul3A_223, %add3A_224 : i32
      %get3A_226 = arith.index_cast %add3A_225 : i32 to index
      %get3A_227 = arith.constant 0 : index
      %get3A_228 = tpu.vector_load %arg7[%get3A_226, %get3A_227] {strides = array<i32>} : memref<128x128xf32, #tpu.memory_space<vmem>>, vector<1x16xf32>,
      %get3A_229 = vector.shape_cast %get3A_228 : vector<1x16xf32> to vector<16xf32>
      %mul3A_230 = arith.constant 8.000000e+00 : f32
      %mul3A_231 = vector.broadcast %mul3A_230 : f32 to vector<16xf32>
      %mul3A_232 = arith.mulf %get3A_229, %mul3A_231 : vector<16xf32>
      %swap3A_233 = arith.index_cast %add3A_225 : i32 to index
      %swap3A_234 = arith.constant 0 : index
      %swap3A_235 = tpu.vector_load %arg10[%swap3A_233, %swap3A_234] {strides = array<i32>} : memref<128x128xf32, #tpu.memory_space<vmem>>, vector<1x16xf32>,
      %swap3A_236 = vector.shape_cast %swap3A_235 : vector<1x16xf32> to vector<16xf32>
      %swap3A_237 = vector.shape_cast %mul3A_232 : vector<16xf32> to vector<1x16xf32>
      tpu.vector_store %arg10[%swap3A_233, %swap3A_234], %swap3A_237 {strides = array<i32>} : memref<128x128xf32, #tpu.memory_space<vmem>>, vector<1x16xf32>,
      %get3A_238 = arith.index_cast %add3A_225 : i32 to index
      %get3A_239 = arith.constant 16 : index
      %get3A_240 = tpu.vector_load %arg7[%get3A_238, %get3A_239] {strides = array<i32>} : memref<128x128xf32, #tpu.memory_space<vmem>>, vector<1x16xf32>,
      %get3A_241 = vector.shape_cast %get3A_240 : vector<1x16xf32> to vector<16xf32>
      %mul3A_242 = arith.constant 8.000000e+00 : f32
      %mul3A_243 = vector.broadcast %mul3A_242 : f32 to vector<16xf32>
      %mul3A_244 = arith.mulf %get3A_241, %mul3A_243 : vector<16xf32>
      %swap3A_245 = arith.index_cast %add3A_225 : i32 to index
      %swap3A_246 = arith.constant 16 : index
      %swap3A_247 = tpu.vector_load %arg10[%swap3A_245, %swap3A_246] {strides = array<i32>} : memref<128x128xf32, #tpu.memory_space<vmem>>, vector<1x16xf32>,
      %swap3A_248 = vector.shape_cast %swap3A_247 : vector<1x16xf32> to vector<16xf32>
      %swap3A_249 = vector.shape_cast %mul3A_244 : vector<16xf32> to vector<1x16xf32>
      tpu.vector_store %arg10[%swap3A_245, %swap3A_246], %swap3A_249 {strides = array<i32>} : memref<128x128xf32, #tpu.memory_space<vmem>>, vector<1x16xf32>,
      %get3A_250 = arith.index_cast %add3A_225 : i32 to index
      %get3A_251 = arith.constant 32 : index
      %get3A_252 = tpu.vector_load %arg7[%get3A_250, %get3A_251] {strides = array<i32>} : memref<128x128xf32, #tpu.memory_space<vmem>>, vector<1x16xf32>,
      %get3A_253 = vector.shape_cast %get3A_252 : vector<1x16xf32> to vector<16xf32>
      %mul3A_254 = arith.constant 8.000000e+00 : f32
      %mul3A_255 = vector.broadcast %mul3A_254 : f32 to vector<16xf32>
      %mul3A_256 = arith.mulf %get3A_253, %mul3A_255 : vector<16xf32>
      %swap3A_257 = arith.index_cast %add3A_225 : i32 to index
      %swap3A_258 = arith.constant 32 : index
      %swap3A_259 = tpu.vector_load %arg10[%swap3A_257, %swap3A_258] {strides = array<i32>} : memref<128x128xf32, #tpu.memory_space<vmem>>, vector<1x16xf32>,
      %swap3A_260 = vector.shape_cast %swap3A_259 : vector<1x16xf32> to vector<16xf32>
      %swap3A_261 = vector.shape_cast %mul3A_256 : vector<16xf32> to vector<1x16xf32>
      tpu.vector_store %arg10[%swap3A_257, %swap3A_258], %swap3A_261 {strides = array<i32>} : memref<128x128xf32, #tpu.memory_space<vmem>>, vector<1x16xf32>,
      %get3A_262 = arith.index_cast %add3A_225 : i32 to index
      %get3A_263 = arith.constant 48 : index
      %get3A_264 = tpu.vector_load %arg7[%get3A_262, %get3A_263] {strides = array<i32>} : memref<128x128xf32, #tpu.memory_space<vmem>>, vector<1x16xf32>,
      %get3A_265 = vector.shape_cast %get3A_264 : vector<1x16xf32> to vector<16xf32>
      %mul3A_266 = arith.constant 8.000000e+00 : f32
      %mul3A_267 = vector.broadcast %mul3A_266 : f32 to vector<16xf32>
      %mul3A_268 = arith.mulf %get3A_265, %mul3A_267 : vector<16xf32>
      %swap3A_269 = arith.index_cast %add3A_225 : i32 to index
      %swap3A_270 = arith.constant 48 : index
      %swap3A_271 = tpu.vector_load %arg10[%swap3A_269, %swap3A_270] {strides = array<i32>} : memref<128x128xf32, #tpu.memory_space<vmem>>, vector<1x16xf32>,
      %swap3A_272 = vector.shape_cast %swap3A_271 : vector<1x16xf32> to vector<16xf32>
      %swap3A_273 = vector.shape_cast %mul3A_268 : vector<16xf32> to vector<1x16xf32>
      tpu.vector_store %arg10[%swap3A_269, %swap3A_270], %swap3A_273 {strides = array<i32>} : memref<128x128xf32, #tpu.memory_space<vmem>>, vector<1x16xf32>,
      %mul3A_274 = arith.constant 4 : i32
      %mul3A_275 = arith.muli %scan3A_170, %mul3A_274 : i32
      %add3A_276 = arith.constant 2 : i32
      %add3A_277 = arith.addi %mul3A_275, %add3A_276 : i32
      %get3A_278 = arith.index_cast %add3A_277 : i32 to index
      %get3A_279 = arith.constant 0 : index
      %get3A_280 = tpu.vector_load %arg7[%get3A_278, %get3A_279] {strides = array<i32>} : memref<128x128xf32, #tpu.memory_space<vmem>>, vector<1x16xf32>,
      %get3A_281 = vector.shape_cast %get3A_280 : vector<1x16xf32> to vector<16xf32>
      %mul3A_282 = arith.constant 8.000000e+00 : f32
      %mul3A_283 = vector.broadcast %mul3A_282 : f32 to vector<16xf32>
      %mul3A_284 = arith.mulf %get3A_281, %mul3A_283 : vector<16xf32>
      %swap3A_285 = arith.index_cast %add3A_277 : i32 to index
      %swap3A_286 = arith.constant 0 : index
      %swap3A_287 = tpu.vector_load %arg10[%swap3A_285, %swap3A_286] {strides = array<i32>} : memref<128x128xf32, #tpu.memory_space<vmem>>, vector<1x16xf32>,
      %swap3A_288 = vector.shape_cast %swap3A_287 : vector<1x16xf32> to vector<16xf32>
      %swap3A_289 = vector.shape_cast %mul3A_284 : vector<16xf32> to vector<1x16xf32>
      tpu.vector_store %arg10[%swap3A_285, %swap3A_286], %swap3A_289 {strides = array<i32>} : memref<128x128xf32, #tpu.memory_space<vmem>>, vector<1x16xf32>,
      %get3A_290 = arith.index_cast %add3A_277 : i32 to index
      %get3A_291 = arith.constant 16 : index
      %get3A_292 = tpu.vector_load %arg7[%get3A_290, %get3A_291] {strides = array<i32>} : memref<128x128xf32, #tpu.memory_space<vmem>>, vector<1x16xf32>,
      %get3A_293 = vector.shape_cast %get3A_292 : vector<1x16xf32> to vector<16xf32>
      %mul3A_294 = arith.constant 8.000000e+00 : f32
      %mul3A_295 = vector.broadcast %mul3A_294 : f32 to vector<16xf32>
      %mul3A_296 = arith.mulf %get3A_293, %mul3A_295 : vector<16xf32>
      %swap3A_297 = arith.index_cast %add3A_277 : i32 to index
      %swap3A_298 = arith.constant 16 : index
      %swap3A_299 = tpu.vector_load %arg10[%swap3A_297, %swap3A_298] {strides = array<i32>} : memref<128x128xf32, #tpu.memory_space<vmem>>, vector<1x16xf32>,
      %swap3A_300 = vector.shape_cast %swap3A_299 : vector<1x16xf32> to vector<16xf32>
      %swap3A_301 = vector.shape_cast %mul3A_296 : vector<16xf32> to vector<1x16xf32>
      tpu.vector_store %arg10[%swap3A_297, %swap3A_298], %swap3A_301 {strides = array<i32>} : memref<128x128xf32, #tpu.memory_space<vmem>>, vector<1x16xf32>,
      %get3A_302 = arith.index_cast %add3A_277 : i32 to index
      %get3A_303 = arith.constant 32 : index
      %get3A_304 = tpu.vector_load %arg7[%get3A_302, %get3A_303] {strides = array<i32>} : memref<128x128xf32, #tpu.memory_space<vmem>>, vector<1x16xf32>,
      %get3A_305 = vector.shape_cast %get3A_304 : vector<1x16xf32> to vector<16xf32>
      %mul3A_306 = arith.constant 8.000000e+00 : f32
      %mul3A_307 = vector.broadcast %mul3A_306 : f32 to vector<16xf32>
      %mul3A_308 = arith.mulf %get3A_305, %mul3A_307 : vector<16xf32>
      %swap3A_309 = arith.index_cast %add3A_277 : i32 to index
      %swap3A_310 = arith.constant 32 : index
      %swap3A_311 = tpu.vector_load %arg10[%swap3A_309, %swap3A_310] {strides = array<i32>} : memref<128x128xf32, #tpu.memory_space<vmem>>, vector<1x16xf32>,
      %swap3A_312 = vector.shape_cast %swap3A_311 : vector<1x16xf32> to vector<16xf32>
      %swap3A_313 = vector.shape_cast %mul3A_308 : vector<16xf32> to vector<1x16xf32>
      tpu.vector_store %arg10[%swap3A_309, %swap3A_310], %swap3A_313 {strides = array<i32>} : memref<128x128xf32, #tpu.memory_space<vmem>>, vector<1x16xf32>,
      %get3A_314 = arith.index_cast %add3A_277 : i32 to index
      %get3A_315 = arith.constant 48 : index
      %get3A_316 = tpu.vector_load %arg7[%get3A_314, %get3A_315] {strides = array<i32>} : memref<128x128xf32, #tpu.memory_space<vmem>>, vector<1x16xf32>,
      %get3A_317 = vector.shape_cast %get3A_316 : vector<1x16xf32> to vector<16xf32>
      %mul3A_318 = arith.constant 8.000000e+00 : f32
      %mul3A_319 = vector.broadcast %mul3A_318 : f32 to vector<16xf32>
      %mul3A_320 = arith.mulf %get3A_317, %mul3A_319 : vector<16xf32>
      %swap3A_321 = arith.index_cast %add3A_277 : i32 to index
      %swap3A_322 = arith.constant 48 : index
      %swap3A_323 = tpu.vector_load %arg10[%swap3A_321, %swap3A_322] {strides = array<i32>} : memref<128x128xf32, #tpu.memory_space<vmem>>, vector<1x16xf32>,
      %swap3A_324 = vector.shape_cast %swap3A_323 : vector<1x16xf32> to vector<16xf32>
      %swap3A_325 = vector.shape_cast %mul3A_320 : vector<16xf32> to vector<1x16xf32>
      tpu.vector_store %arg10[%swap3A_321, %swap3A_322], %swap3A_325 {strides = array<i32>} : memref<128x128xf32, #tpu.memory_space<vmem>>, vector<1x16xf32>,
      %mul3A_326 = arith.constant 4 : i32
      %mul3A_327 = arith.muli %scan3A_170, %mul3A_326 : i32
      %add3A_328 = arith.constant 3 : i32
      %add3A_329 = arith.addi %mul3A_327, %add3A_328 : i32
      %get3A_330 = arith.index_cast %add3A_329 : i32 to index
      %get3A_331 = arith.constant 0 : index
      %get3A_332 = tpu.vector_load %arg7[%get3A_330, %get3A_331] {strides = array<i32>} : memref<128x128xf32, #tpu.memory_space<vmem>>, vector<1x16xf32>,
      %get3A_333 = vector.shape_cast %get3A_332 : vector<1x16xf32> to vector<16xf32>
      %mul3A_334 = arith.constant 8.000000e+00 : f32
      %mul3A_335 = vector.broadcast %mul3A_334 : f32 to vector<16xf32>
      %mul3A_336 = arith.mulf %get3A_333, %mul3A_335 : vector<16xf32>
      %swap3A_337 = arith.index_cast %add3A_329 : i32 to index
      %swap3A_338 = arith.constant 0 : index
      %swap3A_339 = tpu.vector_load %arg10[%swap3A_337, %swap3A_338] {strides = array<i32>} : memref<128x128xf32, #tpu.memory_space<vmem>>, vector<1x16xf32>,
      %swap3A_340 = vector.shape_cast %swap3A_339 : vector<1x16xf32> to vector<16xf32>
      %swap3A_341 = vector.shape_cast %mul3A_336 : vector<16xf32> to vector<1x16xf32>
      tpu.vector_store %arg10[%swap3A_337, %swap3A_338], %swap3A_341 {strides = array<i32>} : memref<128x128xf32, #tpu.memory_space<vmem>>, vector<1x16xf32>,
      %get3A_342 = arith.index_cast %add3A_329 : i32 to index
      %get3A_343 = arith.constant 16 : index
      %get3A_344 = tpu.vector_load %arg7[%get3A_342, %get3A_343] {strides = array<i32>} : memref<128x128xf32, #tpu.memory_space<vmem>>, vector<1x16xf32>,
      %get3A_345 = vector.shape_cast %get3A_344 : vector<1x16xf32> to vector<16xf32>
      %mul3A_346 = arith.constant 8.000000e+00 : f32
      %mul3A_347 = vector.broadcast %mul3A_346 : f32 to vector<16xf32>
      %mul3A_348 = arith.mulf %get3A_345, %mul3A_347 : vector<16xf32>
      %swap3A_349 = arith.index_cast %add3A_329 : i32 to index
      %swap3A_350 = arith.constant 16 : index
      %swap3A_351 = tpu.vector_load %arg10[%swap3A_349, %swap3A_350] {strides = array<i32>} : memref<128x128xf32, #tpu.memory_space<vmem>>, vector<1x16xf32>,
      %swap3A_352 = vector.shape_cast %swap3A_351 : vector<1x16xf32> to vector<16xf32>
      %swap3A_353 = vector.shape_cast %mul3A_348 : vector<16xf32> to vector<1x16xf32>
      tpu.vector_store %arg10[%swap3A_349, %swap3A_350], %swap3A_353 {strides = array<i32>} : memref<128x128xf32, #tpu.memory_space<vmem>>, vector<1x16xf32>,
      %get3A_354 = arith.index_cast %add3A_329 : i32 to index
      %get3A_355 = arith.constant 32 : index
      %get3A_356 = tpu.vector_load %arg7[%get3A_354, %get3A_355] {strides = array<i32>} : memref<128x128xf32, #tpu.memory_space<vmem>>, vector<1x16xf32>,
      %get3A_357 = vector.shape_cast %get3A_356 : vector<1x16xf32> to vector<16xf32>
      %mul3A_358 = arith.constant 8.000000e+00 : f32
      %mul3A_359 = vector.broadcast %mul3A_358 : f32 to vector<16xf32>
      %mul3A_360 = arith.mulf %get3A_357, %mul3A_359 : vector<16xf32>
      %swap3A_361 = arith.index_cast %add3A_329 : i32 to index
      %swap3A_362 = arith.constant 32 : index
      %swap3A_363 = tpu.vector_load %arg10[%swap3A_361, %swap3A_362] {strides = array<i32>} : memref<128x128xf32, #tpu.memory_space<vmem>>, vector<1x16xf32>,
      %swap3A_364 = vector.shape_cast %swap3A_363 : vector<1x16xf32> to vector<16xf32>
      %swap3A_365 = vector.shape_cast %mul3A_360 : vector<16xf32> to vector<1x16xf32>
      tpu.vector_store %arg10[%swap3A_361, %swap3A_362], %swap3A_365 {strides = array<i32>} : memref<128x128xf32, #tpu.memory_space<vmem>>, vector<1x16xf32>,
      %get3A_366 = arith.index_cast %add3A_329 : i32 to index
      %get3A_367 = arith.constant 48 : index
      %get3A_368 = tpu.vector_load %arg7[%get3A_366, %get3A_367] {strides = array<i32>} : memref<128x128xf32, #tpu.memory_space<vmem>>, vector<1x16xf32>,
      %get3A_369 = vector.shape_cast %get3A_368 : vector<1x16xf32> to vector<16xf32>
      %mul3A_370 = arith.constant 8.000000e+00 : f32
      %mul3A_371 = vector.broadcast %mul3A_370 : f32 to vector<16xf32>
      %mul3A_372 = arith.mulf %get3A_369, %mul3A_371 : vector<16xf32>
      %swap3A_373 = arith.index_cast %add3A_329 : i32 to index
      %swap3A_374 = arith.constant 48 : index
      %swap3A_375 = tpu.vector_load %arg10[%swap3A_373, %swap3A_374] {strides = array<i32>} : memref<128x128xf32, #tpu.memory_space<vmem>>, vector<1x16xf32>,
      %swap3A_376 = vector.shape_cast %swap3A_375 : vector<1x16xf32> to vector<16xf32>
      %swap3A_377 = vector.shape_cast %mul3A_372 : vector<16xf32> to vector<1x16xf32>
      tpu.vector_store %arg10[%swap3A_373, %swap3A_374], %swap3A_377 {strides = array<i32>} : memref<128x128xf32, #tpu.memory_space<vmem>>, vector<1x16xf32>,
      %scan3A_378 = arith.constant 0 : i32
      scf.yield %scan3A_378 : i32
    }
    %scan3A_145 = arith.constant 32 : i32
    %add3A_146 = arith.constant 25472 : i32
    %add3A_147 = arith.addi %mul3A_2, %add3A_146 : i32
    %dma_start3A_148 = arith.constant 0 : i32
    %dma_start3A_149 = tpu.memref_slice %arg4[%add3A_147, %dma_start3A_148] : memref<819200x128xf32, #tpu.memory_space<hbm>> -> memref<128x128xf32, #tpu.memory_space<hbm>>
    %dma_start3A_150 = arith.constant 0 : i32
    %dma_start3A_151 = tpu.memref_slice %arg4[%add3A_147, %dma_start3A_150] : memref<819200x128xf32, #tpu.memory_space<hbm>> -> memref<128x128xf32, #tpu.memory_space<hbm>>
    tpu.enqueue_dma source(%arg10 : memref<128x128xf32, #tpu.memory_space<vmem>>) target(%dma_start3A_151 : memref<128x128xf32, #tpu.memory_space<hbm>>) target_semaphore(%arg16 : memref<!tpu.dma_semaphore, #tpu.memory_space<semaphore_mem>>)
    %add3A_152 = arith.constant 25216 : i32
    %add3A_153 = arith.addi %mul3A_2, %add3A_152 : i32
    %dma_wait3A_154 = arith.constant 0 : i32
    %dma_wait3A_155 = tpu.memref_slice %arg4[%add3A_153, %dma_wait3A_154] : memref<819200x128xf32, #tpu.memory_space<hbm>> -> memref<128x128xf32, #tpu.memory_space<hbm>>
    %dma_wait3A_156 = arith.constant 0 : i32
    %dma_wait3A_157 = tpu.memref_slice %arg4[%add3A_153, %dma_wait3A_156] : memref<819200x128xf32, #tpu.memory_space<hbm>> -> memref<128x128xf32, #tpu.memory_space<hbm>>
    tpu.wait_dma2 semaphore(%arg17 : memref<!tpu.dma_semaphore, #tpu.memory_space<semaphore_mem>>) src(%arg11 : memref<128x128xf32, #tpu.memory_space<vmem>>) dst(%dma_wait3A_157 : memref<128x128xf32, #tpu.memory_space<hbm>>)
    %add3A_158 = arith.constant 25344 : i32
    %add3A_159 = arith.addi %mul3A_2, %add3A_158 : i32
    %dma_wait3A_160 = arith.constant 0 : i32
    %dma_wait3A_161 = tpu.memref_slice %arg4[%add3A_159, %dma_wait3A_160] : memref<819200x128xf32, #tpu.memory_space<hbm>> -> memref<128x128xf32, #tpu.memory_space<hbm>>
    %dma_wait3A_162 = arith.constant 0 : i32
    %dma_wait3A_163 = tpu.memref_slice %arg4[%add3A_159, %dma_wait3A_162] : memref<819200x128xf32, #tpu.memory_space<hbm>> -> memref<128x128xf32, #tpu.memory_space<hbm>>
    tpu.wait_dma2 semaphore(%arg15 : memref<!tpu.dma_semaphore, #tpu.memory_space<semaphore_mem>>) src(%arg9 : memref<128x128xf32, #tpu.memory_space<vmem>>) dst(%dma_wait3A_163 : memref<128x128xf32, #tpu.memory_space<hbm>>)
    %add3A_164 = arith.constant 25472 : i32
    %add3A_165 = arith.addi %mul3A_2, %add3A_164 : i32
    %dma_wait3A_166 = arith.constant 0 : i32
    %dma_wait3A_167 = tpu.memref_slice %arg4[%add3A_165, %dma_wait3A_166] : memref<819200x128xf32, #tpu.memory_space<hbm>> -> memref<128x128xf32, #tpu.memory_space<hbm>>
    %dma_wait3A_168 = arith.constant 0 : i32
    %dma_wait3A_169 = tpu.memref_slice %arg4[%add3A_165, %dma_wait3A_168] : memref<819200x128xf32, #tpu.memory_space<hbm>> -> memref<128x128xf32, #tpu.memory_space<hbm>>
    tpu.wait_dma2 semaphore(%arg16 : memref<!tpu.dma_semaphore, #tpu.memory_space<semaphore_mem>>) src(%arg10 : memref<128x128xf32, #tpu.memory_space<vmem>>) dst(%dma_wait3A_169 : memref<128x128xf32, #tpu.memory_space<hbm>>)
    return
  }
}

</mosaic_0001>

<sc_bundles>
// kernel: kernel.3.cloned.1.call-start
scs
__scs_entry_jumppad:
0x0: {  	(pc) =	sbr.rel $0x88, $3  }
0x1: {  	(tag) =	ssettag $0x0;
	lr =	simm.s32 $0x1  }
0x2: {  	[smem:$0x3F9F] =	sst lr;
	_ =	strace $0xD0000000  }
0x3: {  	_ = 	snop  }
0x4: {  	_ = 	snop  }
0x5: {  	_ = 	snop  }
0x6: {  	_ = 	snop  }
0x7: {  	_ = 	snop  }
__scs_overlays_trampoline_lowered:
0x8: {  	[smem:$0x3FAE] =	sst s0  }
0x9: {  	[smem:$0x3FAF] =	sst s1  }
0xa: {  	[smem:$0x3FB0] =	sst s2  }
0xb: {  	[smem:$0x3FB1] =	sst s3  }
0xc: {  	[smem:$0x3FB2] =	sst s4  }
0xd: {  	[smem:$0x3FB3] =	sst s5  }
0xe: {  	[smem:$0x3FB4] =	sst s6  }
0xf: {  	[smem:$0x3FB5] =	sst s7  }
0x10: {  	[smem:$0x3FB6] =	sst s8  }
0x11: {  	[smem:$0x3FB7] =	sst s9;
	s0 =	simm.s32 @!p0 $0x0  }
0x12: {  	s1 =	sld [smem:$0x3F9D];
	s0 =	simm.s32 @p0 $0x1  }
0x13: {  	[smem:$0x3FB8] =	sst s0;
	s0 =	simm.s32 @!p1 $0x0  }
0x14: {  	s2 =	sld [smem:$0x3F9C];
	s0 =	simm.s32 @p1 $0x1  }
0x15: {  	[smem:$0x3FB9] =	sst s0;
	s0 =	simm.s32 @!p2 $0x0  }
0x16: {  	s3 =	sld [smem:$0x3FDB];
	s0 =	simm.s32 @p2 $0x1  }
0x17: {  	s4 =	simm.s32 $0x1BF5;
	[smem:$0x3FBB] =	sst s0  }
0x18: {  	s0 =	sld [smem:$0x3F9E];
	_ =	swait.ge [sflag:s4], $0x0  }
0x19: {  	s7 =	sld [smem:$0x3F9F]  }
0x1a: {  	s8 =	sadd.s32 $0xFFFFE003, lr  }
0x1b: {  	s9 =	sadd.s32 $0xFFFFFEF7, lr;
	s5 =	simm.s32 $0xFFFFFFFF;
	p2 =	slt.u32 s8, $0xFFFFF086  }
0x1c: {  	p1 =	slt.u32 s9, $0xF7A;
	s5 =	simm.s32 @!p2 $0x0  }
0x1d: {  	s5 =	simm.s32 @p1 $0x1;
	p0 =	seq.s32 s7, s2  }
0x1e: {  	s7 =	smul.u32 @!p0 $0xF7A, s2;
	p2 =	seq.s32 @!p0 s5, $0x0  }
0x1f: {  	s9 =	smul.u32 $0xF7A, s1;
	s8 =	simm.s32 @!p0 $0x1BF5;
	p2 =	por !p2, p0  }
0x20: {  	[sflag:s8] =	ssyncset.s32 @!p0 $0xFFFFF086;
	s6 =	sadd.s32 @!p0 s3, s7;
	s7 =	simm.s32 @!p0 $0x108  }
0x21: {  	s3 =	sadd.s32 s3, s9;
	s6 =	sadd.s32 @!p0 $0x88, s6;
	s7 =	simm.s32 @p2 $0x1082  }
0x22: {  	[simem:s7], [sflag:s8] =	dma.local @!p0 [hbm:s6], $0xF7A  }
0x23: {  	s9 =	sor.u32 $0xD0000000, s2;
	s6 =	simm.s32 $0x108;
	_ =	swait.ge @!p0 [sflag:s8], $0x0  }
0x24: {  	s3 =	sadd.s32 $0x88, s3;
	s6 =	simm.s32 @!p1 $0x1082;
	[sflag:s4] =	ssyncset.s32 $0xFFFFF086  }
0x25: {  	[simem:s6], [sflag:s4] =	dma.local [hbm:s3], $0xF7A  }
0x26: {  	[smem:$0x3F9F] =	sst s1;
	(tag) =	ssettag s2;
	_ =	strace s9  }
0x27: {  	s1 =	sld [smem:$0x3FAF]  }
0x28: {  	s2 =	sld [smem:$0x3FB0]  }
0x29: {  	s4 =	sld [smem:$0x3FB2]  }
0x2a: {  	p0 =	seq.s32 s5, $0x0;
	s5 =	sld [smem:$0x3FB3]  }
0x2b: {  	s6 =	sld [smem:$0x3FB4]  }
0x2c: {  	s7 =	sld [smem:$0x3FB5]  }
0x2d: {  	s3 =	simm.s32 $0x108;
	s8 =	sld [smem:$0x3FB6]  }
0x2e: {  	s3 =	simm.s32 @!p0 $0x1082;
	s9 =	sld [smem:$0x3FB7]  }
0x2f: {  	lr =	sadd.s32 s0, s3;
	s0 =	sld [smem:$0x3FAE]  }
0x30: {  	s3 =	sld [smem:$0x3FB1]  }
0x31: {  	[smem:$0x3FBA] =	sst s10  }
0x32: {  	s10 =	sld [smem:$0x3FB8];
	_ =	sdelay $0x3  }
0x33: {  	p0 =	seq.s32 s10, $0x1;
	s10 =	sld [smem:$0x3FBA];
	_ =	sdelay $0x3  }
0x34: {  	[smem:$0x3FBA] =	sst s10  }
0x35: {  	s10 =	sld [smem:$0x3FB9];
	_ =	sdelay $0x3  }
0x36: {  	p1 =	seq.s32 s10, $0x1;
	s10 =	sld [smem:$0x3FBA];
	_ =	sdelay $0x3  }
0x37: {  	[smem:$0x3FBA] =	sst s10  }
0x38: {  	s10 =	sld [smem:$0x3FBB]  }
0x39: {  	_ = 	snop;
	(pc) =	sbr.ind lr, $3  }
0x3a: {  	_ = 	snop  }
0x3b: {  	_ = 	snop  }
0x3c: {  	p2 =	seq.s32 s10, $0x1;
	s10 =	sld [smem:$0x3FBA]  }
0x3d: {  	_ =	shalt  }
0x3e: {  	_ =	shalt  }
0x3f: {  	_ =	shalt  }
0x40: {  	_ =	shalt  }
0x41: {  	_ =	shalt  }
0x42: {  	_ =	shalt  }
0x43: {  	_ =	shalt  }
0x44: {  	_ =	shalt  }
0x45: {  	_ =	shalt  }
0x46: {  	_ =	shalt  }
0x47: {  	_ =	shalt  }
0x48: {  	_ =	shalt  }
0x49: {  	_ =	shalt  }
0x4a: {  	_ =	shalt  }
0x4b: {  	_ =	shalt  }
0x4c: {  	_ =	shalt  }
0x4d: {  	_ =	shalt  }
0x4e: {  	_ =	shalt  }
0x4f: {  	_ =	shalt  }
0x50: {  	_ =	shalt  }
0x51: {  	_ =	shalt  }
0x52: {  	_ =	shalt  }
0x53: {  	_ =	shalt  }
0x54: {  	_ =	shalt  }
0x55: {  	_ =	shalt  }
0x56: {  	_ =	shalt  }
0x57: {  	_ =	shalt  }
0x58: {  	_ =	shalt  }
0x59: {  	_ =	shalt  }
0x5a: {  	_ =	shalt  }
0x5b: {  	_ =	shalt  }
0x5c: {  	_ =	shalt  }
0x5d: {  	_ =	shalt  }
0x5e: {  	_ =	shalt  }
0x5f: {  	_ =	shalt  }
0x60: {  	_ =	shalt  }
0x61: {  	_ =	shalt  }
0x62: {  	_ =	shalt  }
0x63: {  	_ =	shalt  }
0x64: {  	_ =	shalt  }
0x65: {  	_ =	shalt  }
0x66: {  	_ =	shalt  }
0x67: {  	_ =	shalt  }
0x68: {  	_ =	shalt  }
0x69: {  	_ =	shalt  }
0x6a: {  	_ =	shalt  }
0x6b: {  	_ =	shalt  }
0x6c: {  	_ =	shalt  }
0x6d: {  	_ =	shalt  }
0x6e: {  	_ =	shalt  }
0x6f: {  	_ =	shalt  }
0x70: {  	_ =	shalt  }
0x71: {  	_ =	shalt  }
0x72: {  	_ =	shalt  }
0x73: {  	_ =	shalt  }
0x74: {  	_ =	shalt  }
0x75: {  	_ =	shalt  }
0x76: {  	_ =	shalt  }
0x77: {  	_ =	shalt  }
0x78: {  	_ =	shalt  }
0x79: {  	_ =	shalt  }
0x7a: {  	_ =	shalt  }
0x7b: {  	_ =	shalt  }
0x7c: {  	_ =	shalt  }
0x7d: {  	_ =	shalt  }
0x7e: {  	_ =	shalt  }
0x7f: {  	_ =	shalt  }
0x80: {  	_ =	shalt  }
0x81: {  	_ =	shalt  }
0x82: {  	_ =	shalt  }
0x83: {  	_ =	shalt  }
0x84: {  	_ =	shalt  }
0x85: {  	_ =	shalt  }
0x86: {  	_ =	shalt  }
0x87: {  	_ =	shalt  }
.Lfunc_end0:
.L_simem_size_0:
called_computation.1_lowered:
.L_overlay_start_0:
0x88: {  	s2 =	sld [smem:$0x3FD9]  }
0x89: {  	s3 =	sld [smem:$0x3FFE];
	_ =	sdelay $0x1  }
0x8a: {  	s1 =	srdreg.scid  }
0x8b: {  	s0 =	sand.u32 $0x1, s1  }
0x8c: {  	s17 =	sshll.u32 s0, $0xA;
	s2 =	sadd.s32 s3, s2  }
0x8d: {  	s2 =	sadd.s32 s2, s17  }
0x8e: {  	[smem:$0x3FC6] =	sst s2  }
0x8f: {  	_ = 	snop  }
0x90: {  	s2 =	sld [smem:$0x3FD0];
	(tm) =	ssettm $0x1  }
0x91: {  	s18 =	sld [smem:$0x3FFB];
	_ =	sdelay $0x3  }
0x92: {  	_ =	strace s18  }
0x93: {  	s3 =	sld [smem:$0x3FFC];
	_ =	sdelay $0x3  }
0x94: {  	_ =	strace s3  }
0x95: {  	s3 =	sld [smem:$0x3FFD];
	_ =	sdelay $0x3  }
0x96: {  	_ =	strace s3  }
0x97: {  	_ =	strace $0x8FFFFFFF  }
0x98: {  	s19 =	sld [smem:$0x3FDB];
	_ =	sdelay $0x1  }
0x99: {  	s4 =	simm.s32 $_scs_section_size  }
0x9a: {  	s5 =	simm.s32 $_size__tile_overlayer_lowered;
	s6 =	simm.s32 $_tile_overlayer_lowered  }
0x9b: {  	s22 =	simm.s32 $0x1BFF;
	s21 =	sshll.u32 s6, $0x1;
	s3 =	sadd.s32 s4, s19  }
0x9c: {  	s7 =	simm.s32 $0x0;
	s20 =	sshll.u32 s5, $0x1;
	s5 =	sadd.s32 s21, s3  }
0x9d: {  	[timem:s7], [sflag:s22] =	dma.local [hbm:s5], s20  }
0x9e: {  	_ =	swait.ge [sflag:s22], s20  }
0x9f: {  	s4 =	ssub.s32 $0x0, s20;
	[sflag:s22] =	ssyncset.done $0x0  }
0xa0: {  	[sflag:s22] =	ssyncadd.s32 s4;
	_ =	sdelay $0x1  }
0xa1: {  	s23 =	simm.s32 $0x1B8B  }
0xa2: {  	_ =	swait.ge [sflag:s23], $0x1  }
0xa3: {  	[sflag:s23] =	ssyncset.done $0x0  }
0xa4: {  	s25 =	simm.s32 $0x1B8E;
	s24 =	sld [smem:$0x3FFE];
	[sflag:s23] =	ssyncadd.s32 $0xFFFFFFFF  }
0xa5: {  	s26 =	simm.s32 $execute0_lowered;
	[smem:$0x3FD2] =	sst s25  }
0xa6: {  	s5 =	sshll.u32 s26, $0x1;
	_ =	strace $0x80000046;
	[dreg:$0x1] =	wrdreg $0xFFFFFFFF  }
0xa7: {  	s28 =	simm.s32 $_size_execute0_lowered;
	s3 =	sadd.s32 s3, s5;
	[dreg:$0x0] =	wrdreg $0x0  }
0xa8: {  	s5 =	sshll.u32 s28, $0x1;
	[dreg:$0x2] =	wrdreg s3  }
0xa9: {  	[dreg:$0x3] =	wrdreg s5  }
0xaa: {  	[dreg:$0x4] =	wrdreg $0xC0  }
0xab: {  	_ =	task [dreg:s7], $0x5FFFF  }
0xac: {  	[dreg:$0x1] =	wrdreg $0xFFFFFFFF  }
0xad: {  	[dreg:$0x0] =	wrdreg $0x60  }
0xae: {  	[dreg:$0x2] =	wrdreg s2  }
0xaf: {  	[dreg:$0x3] =	wrdreg s24  }
0xb0: {  	[dreg:$0x4] =	wrdreg $0x9  }
0xb1: {  	_ =	task.clear_ibuf [dreg:s7], $0x5FFFF;
	_ =	strace $0x90000046  }
0xb2: {  	s29 =	simm.s32 $0x9;
	_ =	strace $0x80000048  }
0xb3: {  	_ =	swait.ge [sflag:s29], $0x1  }
0xb4: {  	[sflag:s29] =	ssyncadd.s32 $0xFFFFFFFF  }
0xb5: {  	_ =	strace $0x90000048  }
0xb6: {  	_ =	sfence  }
0xb7: {  	s30 =	sld [smem:$0x0];
	_ =	sdelay $0x2  }
0xb8: {  	s31 =	sshll.u32 s1, $0xD;
	s1 =	sshrl.u32 s1, $0x2  }
0xb9: {  	s3 =	sand.u32 $0x4000, s31;
	s1 =	sadd.s32 s1, s30  }
0xba: {  	s0 =	sor.u32 s3, s0;
	s1 =	sshll.u32 s1, $0x11  }
0xbb: {  	s0 =	sor.u32 s1, s0  }
0xbc: {  	s0 =	sadd.s32 $0x8F2B, s0  }
0xbd: {  	[sflag:s0] =	ssyncadd.remote.s32 $0x1  }
0xbe: {  	_ =	sfence.sel $0xFFFF  }
0xbf: {  	[dreg:$0x0] =	wrdreg $0xFFFFFFFF;
	(pc) =	sbr.abs _section_cstart, $3  }
0xc0: {  	[dreg:$0x1] =	wrdreg $0xFFFFFFFF  }
0xc1: {  	_ =	task.clear_ibuf [dreg:s7], $0x2FFFF;
	_ =	strace $0x9FFFFFFF  }
0xc2: {  	(tm) =	ssettm $0x7FFFFFFF  }
0xc3: {  	_ =	shalt  }
tec
execute0_lowered:
.L_overlay_start_1:
0x0: {  	(tag) =	ssettag $0x1  }
0x1: {  	s0 =	rddreg [dreg:$0x0]  }
0x2: {  	s1 =	rddreg [dreg:$0x1]  }
0x3: {  	s3 =	srdreg.scid;
	s4 =	stileid.u32;
	s2 =	simm.s32 $0x0  }
0x4: {  	s15 =	simm.s32 $0x7;
	s16 =	simm.s32 $0x80;
	s17 =	simm.s32 $0x6400  }
0x5: {  	s18 =	simm.s32 $0xA400;
	s20 =	simm.s32 $0xE400;
	s21 =	simm.s32 $0x1  }
0x6: {  	s22 =	simm.s32 $0x12400;
	s23 =	simm.s32 $0x2;
	s28 =	simm.s32 $0x4  }
0x7: {  	s30 =	simm.s32 $0x5;
	s5 =	sand.u32 $0x1, s3;
	s24 =	sshll.u32 s4, $0x1  }
0x8: {  	[smem:$0x7FF] =	sst s2;
	s4 =	sadd.s32 $0xF42E00, s1;
	s6 =	sor.u32 s5, s24  }
0x9: {  	_ =	strace $0x80000047;
	s7 =	ssub.s32 $0x2, s5;
	s3 =	smul.u32 $0x6400, s6  }
0xa: {  	s5 =	sadd.s32 $0xA00, s1;
	s6 =	smul.u32 $0x320000, s6;
	s25 =	sshrl.u32 s7, $0x1  }
0xb: {  	s24 =	simm.s32 $0x16400;
	s1 =	ssub.s32 s7, s25;
	s25 =	simm.s32 $0x3  }
0xc: {  	s8 =	sshrl.u32 s3, $0x3;
	s26 =	sshrl.u32 s6, $0x3;
	s7 =	sor.u32 $0x80, s3  }
0xd: {  	s14 =	smax.u32 s1, $0x1;
	s1 =	simm.s32 $0x0;
	s0 =	sadd.s32 s0, s8  }
0xe: {  	s8 =	sor.u32 $0x100, s3;
	[dreg:$0x3] =	wrdreg s0;
	s0 =	sadd.s32 s5, s26  }
0xf: {  	s26 =	simm.s32 $0x1A400;
	s29 =	sadd.s32 $0x61800, s0;
	s31 =	sadd.s32 $0x62000, s0  }
0x10: {  	s11 =	sadd.s32 $0x62800, s0;
	s12 =	sadd.s32 $0x63000, s0;
	[dreg:$0x4] =	wrdreg s29  }
0x11: {  	s13 =	sadd.s32 $0x63800, s0;
	s0 =	simm.s32 $0x6;
	[dreg:$0x5] =	wrdreg s31  }
.LBB2_1:
0x12: {  	s6 =	rddreg [dreg:$0x3]  }
0x13: {  	[tilespmem:s2], [sflag:$0x7] =	stream.linear.gather [hbm4b:s6+s2], $0x6400, $0x38;
	[tilespmem:$0x1E400] =	vst v63  }
0x14: {  	_ =	swait.ge [sflag:s15], $0x6400  }
0x15: {  	[sflag:s15] =	ssyncset.done $0x0  }
0x16: {  	[sflag:s15] =	ssyncadd.s32 $0xFFFF9C00  }
0x17: {  	[tilespmem:s17], [sflag:$0x1] =	stream.indirect.gather [hbm4b:s4+s16], $0x80, s2, s16, $0xb8;
	[tilespmem:$0x1E400] =	vst v63  }
0x18: {  	_ = 	snop  }
0x19: {  	[tilespmem:s18], [sflag:$0x2] =	stream.indirect.gather [hbm4b:s4+s16], $0x80, s16, s16, $0xb8;
	[tilespmem:$0x1E400] =	vst v63  }
0x1a: {  	s31 =	simm.s32 $0x100;
	s19 =	simm.s32 $0x0  }
0x1b: {  	[tilespmem:s20], [sflag:$0x3] =	stream.indirect.gather [hbm4b:s4+s16], $0x80, s31, s16, $0xb8;
	[tilespmem:$0x1E400] =	vst v63  }
.LBB2_2:
0x1c: {  	_ =	swait.ge [sflag:s21], $0x4000  }
0x1d: {  	p0 =	seq.s32 s19, $0x0;
	[sflag:s21] =	ssyncset.done $0x0  }
0x1e: {  	s6 =	simm.s32 @!p0 $0x4;
	[sflag:s21] =	ssyncadd.s32 $0xFFFFC000  }
0x1f: {  	_ =	swait.ge @!p0 [sflag:s6], $0x4000  }
0x20: {  	[sflag:s6] =	ssyncset.done @!p0 $0x0  }
0x21: {  	s29 =	simm.s32 $0x0;
	[sflag:s6] =	ssyncadd.s32 @!p0 $0xFFFFC000  }
0x22: {  	v0 =	vld [tilespmem:s29+$0x65B0]  }
0x23: {  	v1 =	vld [tilespmem:s29+$0x6400]  }
0x24: {  	v2 =	vld [tilespmem:s29+$0x6410]  }
0x25: {  	v3 =	vld [tilespmem:s29+$0x6420]  }
0x26: {  	v6 =	vld [tilespmem:s29+$0x6490]  }
0x27: {  	v4 =	vld [tilespmem:s29+$0x6430];
	v0 =	vmul.f32 $8.000000000e+00, v0  }
0x28: {  	v5 =	vld [tilespmem:s29+$0x6480];
	v1 =	vmul.f32 $8.000000000e+00, v1  }
0x29: {  	v7 =	vld [tilespmem:s29+$0x64A0];
	[tilespmem:s29+$0x125B0] =	vst v0;
	v0 =	vmul.f32 $8.000000000e+00, v2  }
0x2a: {  	v8 =	vld [tilespmem:s29+$0x64B0];
	[tilespmem:s29+$0x12400] =	vst v1;
	v1 =	vmul.f32 $8.000000000e+00, v3  }
0x2b: {  	v2 =	vmul.f32 $8.000000000e+00, v6;
	[tilespmem:s29+$0x12410] =	vst v0  }
0x2c: {  	v9 =	vld [tilespmem:s29+$0x6500];
	v0 =	vmul.f32 $8.000000000e+00, v4;
	[tilespmem:s29+$0x12420] =	vst v1  }
0x2d: {  	v4 =	vld [tilespmem:s29+$0x6510];
	v1 =	vmul.f32 $8.000000000e+00, v5;
	[tilespmem:s29+$0x12490] =	vst v2  }
0x2e: {  	v3 =	vmul.f32 $8.000000000e+00, v7;
	[tilespmem:s29+$0x12430] =	vst v0;
	v0 =	vld [tilespmem:s29+$0x6520]  }
0x2f: {  	v5 =	vmul.f32 $8.000000000e+00, v8;
	[tilespmem:s29+$0x12480] =	vst v1;
	v1 =	vld [tilespmem:s29+$0x6530]  }
0x30: {  	v2 =	vld [tilespmem:s29+$0x6580];
	[tilespmem:s29+$0x124A0] =	vst v3  }
0x31: {  	v3 =	vld [tilespmem:s29+$0x6590];
	[tilespmem:s29+$0x124B0] =	vst v5;
	v5 =	vmul.f32 $8.000000000e+00, v9  }
0x32: {  	s9 =	simm.s32 $0x1000;
	s6 =	simm.s32 $0x200;
	v6 =	vmul.f32 $8.000000000e+00, v4;
	v4 =	vld [tilespmem:s29+$0x65A0]  }
.LBB2_3:
0x33: {  	p1 =	sne.s32 s9, $0xF800;
	v7 =	vld [tilespmem:s6+$0x65B0];
	[tilespmem:s29+$0x12500] =	vst v5;
	v0 =	vmul.f32 $8.000000000e+00, v0  }
0x34: {  	v5 =	vld [tilespmem:s6+$0x6400];
	[tilespmem:s29+$0x12510] =	vst v6;
	v1 =	vmul.f32 $8.000000000e+00, v1  }
0x35: {  	v6 =	vld [tilespmem:s6+$0x6410];
	[tilespmem:s29+$0x12520] =	vst v0;
	v0 =	vmul.f32 $8.000000000e+00, v2  }
0x36: {  	v2 =	vld [tilespmem:s6+$0x6420];
	[tilespmem:s29+$0x12530] =	vst v1;
	v1 =	vmul.f32 $8.000000000e+00, v3  }
0x37: {  	v3 =	vld [tilespmem:s6+$0x6430];
	[tilespmem:s29+$0x12580] =	vst v0;
	v0 =	vmul.f32 $8.000000000e+00, v4  }
0x38: {  	v4 =	vld [tilespmem:s6+$0x6480];
	v7 =	vmul.f32 $8.000000000e+00, v7;
	[tilespmem:s29+$0x12590] =	vst v1  }
0x39: {  	v1 =	vmul.f32 $8.000000000e+00, v5;
	v5 =	vld [tilespmem:s6+$0x6490];
	[tilespmem:s29+$0x125A0] =	vst v0;
	s29 =	smov.u32 s6  }
0x3a: {  	v0 =	vmul.f32 $8.000000000e+00, v6;
	v6 =	vld [tilespmem:s29+$0x64A0];
	[tilespmem:s29+$0x125B0] =	vst v7  }
0x3b: {  	[tilespmem:s29+$0x12400] =	vst v1;
	v1 =	vmul.f32 $8.000000000e+00, v2;
	v2 =	vld [tilespmem:s29+$0x64B0]  }
0x3c: {  	[tilespmem:s29+$0x12410] =	vst v0;
	v0 =	vmul.f32 $8.000000000e+00, v3;
	v3 =	vld [tilespmem:s29+$0x6500]  }
0x3d: {  	[tilespmem:s29+$0x12420] =	vst v1;
	v1 =	vmul.f32 $8.000000000e+00, v4;
	v4 =	vld [tilespmem:s29+$0x6510]  }
.Ltmp0:
0x3e: {  	[tilespmem:s29+$0x12430] =	vst v0;
	v5 =	vmul.f32 $8.000000000e+00, v5;
	v0 =	vld [tilespmem:s29+$0x6520];
	(pc) =	sbr.rel @p1 .LBB2_3-.Ltmp0, $4  }
0x3f: {  	[tilespmem:s29+$0x12480] =	vst v1;
	v6 =	vmul.f32 $8.000000000e+00, v6;
	v1 =	vld [tilespmem:s29+$0x6530]  }
0x40: {  	[tilespmem:s29+$0x12490] =	vst v5;
	v7 =	vmul.f32 $8.000000000e+00, v2;
	v2 =	vld [tilespmem:s29+$0x6580]  }
0x41: {  	[tilespmem:s29+$0x124A0] =	vst v6;
	v5 =	vmul.f32 $8.000000000e+00, v3;
	v3 =	vld [tilespmem:s29+$0x6590]  }
0x42: {  	s6 =	sshra.s32 s9, $0x2;
	s9 =	sadd.s32 $0x800, s9;
	[tilespmem:s29+$0x124B0] =	vst v7;
	v6 =	vmul.f32 $8.000000000e+00, v4;
	v4 =	vld [tilespmem:s29+$0x65A0]  }
0x43: {  	v7 =	vld [tilespmem:s6+$0x65B0];
	[tilespmem:s29+$0x12500] =	vst v5;
	v0 =	vmul.f32 $8.000000000e+00, v0  }
0x44: {  	v5 =	vld [tilespmem:s6+$0x6400];
	[tilespmem:s29+$0x12510] =	vst v6;
	v1 =	vmul.f32 $8.000000000e+00, v1  }
0x45: {  	v6 =	vld [tilespmem:s6+$0x6410];
	[tilespmem:s29+$0x12520] =	vst v0;
	v2 =	vmul.f32 $8.000000000e+00, v2  }
0x46: {  	v0 =	vld [tilespmem:s6+$0x6420];
	[tilespmem:s29+$0x12530] =	vst v1;
	v3 =	vmul.f32 $8.000000000e+00, v3  }
0x47: {  	v1 =	vld [tilespmem:s6+$0x6430];
	[tilespmem:s29+$0x12580] =	vst v2;
	v4 =	vmul.f32 $8.000000000e+00, v4  }
0x48: {  	v2 =	vld [tilespmem:s6+$0x6480];
	[tilespmem:s29+$0x12590] =	vst v3;
	v7 =	vmul.f32 $8.000000000e+00, v7  }
0x49: {  	v3 =	vld [tilespmem:s6+$0x6490];
	[tilespmem:s29+$0x125A0] =	vst v4;
	v4 =	vmul.f32 $8.000000000e+00, v5  }
0x4a: {  	v5 =	vld [tilespmem:s6+$0x64A0];
	[tilespmem:s6+$0x125B0] =	vst v7;
	v6 =	vmul.f32 $8.000000000e+00, v6  }
0x4b: {  	[tilespmem:s6+$0x12400] =	vst v4;
	v4 =	vld [tilespmem:s6+$0x64B0];
	v0 =	vmul.f32 $8.000000000e+00, v0  }
0x4c: {  	[tilespmem:s6+$0x12410] =	vst v6;
	v6 =	vld [tilespmem:s6+$0x6500];
	v1 =	vmul.f32 $8.000000000e+00, v1  }
0x4d: {  	[tilespmem:s6+$0x12420] =	vst v0;
	v0 =	vld [tilespmem:s6+$0x6510];
	v2 =	vmul.f32 $8.000000000e+00, v2  }
0x4e: {  	[tilespmem:s6+$0x12430] =	vst v1;
	v1 =	vld [tilespmem:s6+$0x6520];
	v3 =	vmul.f32 $8.000000000e+00, v3  }
0x4f: {  	[tilespmem:s6+$0x12480] =	vst v2;
	v2 =	vld [tilespmem:s6+$0x6530];
	v5 =	vmul.f32 $8.000000000e+00, v5  }
0x50: {  	[tilespmem:s6+$0x12490] =	vst v3;
	v3 =	vld [tilespmem:s6+$0x6580];
	v4 =	vmul.f32 $8.000000000e+00, v4  }
0x51: {  	[tilespmem:s6+$0x124A0] =	vst v5;
	v5 =	vld [tilespmem:s6+$0x6590];
	v6 =	vmul.f32 $8.000000000e+00, v6  }
0x52: {  	[tilespmem:s6+$0x124B0] =	vst v4;
	v0 =	vmul.f32 $8.000000000e+00, v0;
	v4 =	vld [tilespmem:s6+$0x65A0]  }
0x53: {  	[tilespmem:s6+$0x12500] =	vst v6;
	v1 =	vmul.f32 $8.000000000e+00, v1  }
0x54: {  	[tilespmem:s6+$0x12510] =	vst v0;
	v0 =	vmul.f32 $8.000000000e+00, v2  }
0x55: {  	s29 =	smul.u32 $0x180, s19;
	[tilespmem:s6+$0x12520] =	vst v1;
	v1 =	vmul.f32 $8.000000000e+00, v3  }
0x56: {  	[tilespmem:s6+$0x12530] =	vst v0;
	v0 =	vmul.f32 $8.000000000e+00, v5  }
0x57: {  	s10 =	smul.u32 $0x600, s19;
	s9 =	sadd.s32 s3, s29;
	[tilespmem:s6+$0x12580] =	vst v1;
	v1 =	vmul.f32 $8.000000000e+00, v4  }
0x58: {  	s9 =	sshll.u32 s9, $0x4;
	[tilespmem:s6+$0x12590] =	vst v0  }
0x59: {  	s31 =	sshra.s32 s10, $0x2;
	s9 =	sadd.s32 s5, s9;
	[tilespmem:s6+$0x125A0] =	vst v1  }
0x5a: {  	[hbm4b:s9+s2] =	stream.linear.scatter [tilespmem:s22], [sflag:$0x4], $0x4000, $0x38;
	[tilespmem:$0x1E400] =	vst v63  }
0x5b: {  	s10 =	sadd.s32 $0x180, s31  }
0x5c: {  	[tilespmem:s17], [sflag:$0x1] =	stream.indirect.gather [hbm4b:s4+s16], $0x80, s10, s16, $0xb8;
	[tilespmem:$0x1E400] =	vst v63  }
0x5d: {  	_ =	swait.ge [sflag:s23], $0x4000  }
0x5e: {  	[sflag:s23] =	ssyncset.done $0x0  }
0x5f: {  	s6 =	simm.s32 @!p0 $0x5;
	[sflag:s23] =	ssyncadd.s32 $0xFFFFC000  }
0x60: {  	_ =	swait.ge @!p0 [sflag:s6], $0x4000  }
0x61: {  	[sflag:s6] =	ssyncset.done @!p0 $0x0  }
0x62: {  	[sflag:s6] =	ssyncadd.s32 @!p0 $0xFFFFC000;
	s6 =	simm.s32 $0x0  }
0x63: {  	v0 =	vld [tilespmem:s6+$0xA5B0]  }
0x64: {  	v1 =	vld [tilespmem:s6+$0xA400]  }
0x65: {  	v2 =	vld [tilespmem:s6+$0xA410]  }
0x66: {  	v3 =	vld [tilespmem:s6+$0xA420]  }
0x67: {  	v6 =	vld [tilespmem:s6+$0xA490]  }
0x68: {  	v4 =	vld [tilespmem:s6+$0xA430];
	v0 =	vmul.f32 $8.000000000e+00, v0  }
0x69: {  	v5 =	vld [tilespmem:s6+$0xA480];
	v1 =	vmul.f32 $8.000000000e+00, v1  }
0x6a: {  	v7 =	vld [tilespmem:s6+$0xA4A0];
	[tilespmem:s6+$0x165B0] =	vst v0;
	v0 =	vmul.f32 $8.000000000e+00, v2  }
0x6b: {  	v8 =	vld [tilespmem:s6+$0xA4B0];
	[tilespmem:s6+$0x16400] =	vst v1;
	v1 =	vmul.f32 $8.000000000e+00, v3  }
0x6c: {  	v2 =	vmul.f32 $8.000000000e+00, v6;
	[tilespmem:s6+$0x16410] =	vst v0  }
0x6d: {  	v9 =	vld [tilespmem:s6+$0xA500];
	v0 =	vmul.f32 $8.000000000e+00, v4;
	[tilespmem:s6+$0x16420] =	vst v1  }
0x6e: {  	v4 =	vld [tilespmem:s6+$0xA510];
	v1 =	vmul.f32 $8.000000000e+00, v5;
	[tilespmem:s6+$0x16490] =	vst v2  }
0x6f: {  	v3 =	vmul.f32 $8.000000000e+00, v7;
	[tilespmem:s6+$0x16430] =	vst v0;
	v0 =	vld [tilespmem:s6+$0xA520]  }
0x70: {  	v5 =	vmul.f32 $8.000000000e+00, v8;
	[tilespmem:s6+$0x16480] =	vst v1;
	v1 =	vld [tilespmem:s6+$0xA530]  }
0x71: {  	v2 =	vld [tilespmem:s6+$0xA580];
	[tilespmem:s6+$0x164A0] =	vst v3  }
0x72: {  	v3 =	vld [tilespmem:s6+$0xA590];
	[tilespmem:s6+$0x164B0] =	vst v5;
	v5 =	vmul.f32 $8.000000000e+00, v9  }
0x73: {  	s9 =	simm.s32 $0x200;
	s10 =	simm.s32 $0x1000;
	v6 =	vmul.f32 $8.000000000e+00, v4;
	v4 =	vld [tilespmem:s6+$0xA5A0]  }
.LBB2_5:
0x74: {  	p1 =	sne.s32 s10, $0xF800;
	v7 =	vld [tilespmem:s9+$0xA5B0];
	[tilespmem:s6+$0x16500] =	vst v5;
	v0 =	vmul.f32 $8.000000000e+00, v0  }
0x75: {  	v5 =	vld [tilespmem:s9+$0xA400];
	[tilespmem:s6+$0x16510] =	vst v6;
	v1 =	vmul.f32 $8.000000000e+00, v1  }
0x76: {  	v6 =	vld [tilespmem:s9+$0xA410];
	[tilespmem:s6+$0x16520] =	vst v0;
	v0 =	vmul.f32 $8.000000000e+00, v2  }
0x77: {  	v2 =	vld [tilespmem:s9+$0xA420];
	[tilespmem:s6+$0x16530] =	vst v1;
	v1 =	vmul.f32 $8.000000000e+00, v3  }
0x78: {  	v3 =	vld [tilespmem:s9+$0xA430];
	[tilespmem:s6+$0x16580] =	vst v0;
	v0 =	vmul.f32 $8.000000000e+00, v4  }
0x79: {  	v4 =	vld [tilespmem:s9+$0xA480];
	v7 =	vmul.f32 $8.000000000e+00, v7;
	[tilespmem:s6+$0x16590] =	vst v1  }
0x7a: {  	v1 =	vmul.f32 $8.000000000e+00, v5;
	v5 =	vld [tilespmem:s9+$0xA490];
	[tilespmem:s6+$0x165A0] =	vst v0;
	s6 =	smov.u32 s9  }
0x7b: {  	v0 =	vmul.f32 $8.000000000e+00, v6;
	v6 =	vld [tilespmem:s6+$0xA4A0];
	[tilespmem:s6+$0x165B0] =	vst v7  }
0x7c: {  	[tilespmem:s6+$0x16400] =	vst v1;
	v1 =	vmul.f32 $8.000000000e+00, v2;
	v2 =	vld [tilespmem:s6+$0xA4B0]  }
0x7d: {  	[tilespmem:s6+$0x16410] =	vst v0;
	v0 =	vmul.f32 $8.000000000e+00, v3;
	v3 =	vld [tilespmem:s6+$0xA500]  }
0x7e: {  	[tilespmem:s6+$0x16420] =	vst v1;
	v1 =	vmul.f32 $8.000000000e+00, v4;
	v4 =	vld [tilespmem:s6+$0xA510]  }
.Ltmp1:
0x7f: {  	[tilespmem:s6+$0x16430] =	vst v0;
	v5 =	vmul.f32 $8.000000000e+00, v5;
	v0 =	vld [tilespmem:s6+$0xA520];
	(pc) =	sbr.rel @p1 .LBB2_5-.Ltmp1, $4  }
0x80: {  	[tilespmem:s6+$0x16480] =	vst v1;
	v6 =	vmul.f32 $8.000000000e+00, v6;
	v1 =	vld [tilespmem:s6+$0xA530]  }
0x81: {  	[tilespmem:s6+$0x16490] =	vst v5;
	v7 =	vmul.f32 $8.000000000e+00, v2;
	v2 =	vld [tilespmem:s6+$0xA580]  }
0x82: {  	[tilespmem:s6+$0x164A0] =	vst v6;
	v5 =	vmul.f32 $8.000000000e+00, v3;
	v3 =	vld [tilespmem:s6+$0xA590]  }
0x83: {  	s9 =	sshra.s32 s10, $0x2;
	s10 =	sadd.s32 $0x800, s10;
	[tilespmem:s6+$0x164B0] =	vst v7;
	v6 =	vmul.f32 $8.000000000e+00, v4;
	v4 =	vld [tilespmem:s6+$0xA5A0]  }
0x84: {  	v7 =	vld [tilespmem:s9+$0xA5B0];
	[tilespmem:s6+$0x16500] =	vst v5;
	v0 =	vmul.f32 $8.000000000e+00, v0  }
0x85: {  	v5 =	vld [tilespmem:s9+$0xA400];
	[tilespmem:s6+$0x16510] =	vst v6;
	v1 =	vmul.f32 $8.000000000e+00, v1  }
0x86: {  	v6 =	vld [tilespmem:s9+$0xA410];
	[tilespmem:s6+$0x16520] =	vst v0;
	v2 =	vmul.f32 $8.000000000e+00, v2  }
0x87: {  	v0 =	vld [tilespmem:s9+$0xA420];
	[tilespmem:s6+$0x16530] =	vst v1;
	v3 =	vmul.f32 $8.000000000e+00, v3  }
0x88: {  	v1 =	vld [tilespmem:s9+$0xA430];
	[tilespmem:s6+$0x16580] =	vst v2;
	v4 =	vmul.f32 $8.000000000e+00, v4  }
0x89: {  	v2 =	vld [tilespmem:s9+$0xA480];
	[tilespmem:s6+$0x16590] =	vst v3;
	v7 =	vmul.f32 $8.000000000e+00, v7  }
0x8a: {  	v3 =	vld [tilespmem:s9+$0xA490];
	[tilespmem:s6+$0x165A0] =	vst v4;
	v4 =	vmul.f32 $8.000000000e+00, v5  }
0x8b: {  	v5 =	vld [tilespmem:s9+$0xA4A0];
	[tilespmem:s9+$0x165B0] =	vst v7;
	v6 =	vmul.f32 $8.000000000e+00, v6  }
0x8c: {  	[tilespmem:s9+$0x16400] =	vst v4;
	v4 =	vld [tilespmem:s9+$0xA4B0];
	v0 =	vmul.f32 $8.000000000e+00, v0  }
0x8d: {  	[tilespmem:s9+$0x16410] =	vst v6;
	v6 =	vld [tilespmem:s9+$0xA500];
	v1 =	vmul.f32 $8.000000000e+00, v1  }
0x8e: {  	[tilespmem:s9+$0x16420] =	vst v0;
	v0 =	vld [tilespmem:s9+$0xA510];
	v2 =	vmul.f32 $8.000000000e+00, v2  }
0x8f: {  	[tilespmem:s9+$0x16430] =	vst v1;
	v1 =	vld [tilespmem:s9+$0xA520];
	v3 =	vmul.f32 $8.000000000e+00, v3  }
0x90: {  	[tilespmem:s9+$0x16480] =	vst v2;
	v2 =	vld [tilespmem:s9+$0xA530];
	v5 =	vmul.f32 $8.000000000e+00, v5  }
0x91: {  	[tilespmem:s9+$0x16490] =	vst v3;
	v3 =	vld [tilespmem:s9+$0xA580];
	v4 =	vmul.f32 $8.000000000e+00, v4  }
0x92: {  	[tilespmem:s9+$0x164A0] =	vst v5;
	v5 =	vld [tilespmem:s9+$0xA590];
	v6 =	vmul.f32 $8.000000000e+00, v6  }
0x93: {  	[tilespmem:s9+$0x164B0] =	vst v4;
	v0 =	vmul.f32 $8.000000000e+00, v0;
	v4 =	vld [tilespmem:s9+$0xA5A0]  }
0x94: {  	[tilespmem:s9+$0x16500] =	vst v6;
	v1 =	vmul.f32 $8.000000000e+00, v1  }
0x95: {  	[tilespmem:s9+$0x16510] =	vst v0;
	v0 =	vmul.f32 $8.000000000e+00, v2  }
0x96: {  	[tilespmem:s9+$0x16520] =	vst v1;
	v1 =	vmul.f32 $8.000000000e+00, v3  }
0x97: {  	s10 =	sadd.s32 s29, s7;
	[tilespmem:s9+$0x16530] =	vst v0;
	v0 =	vmul.f32 $8.000000000e+00, v5  }
0x98: {  	s6 =	sshll.u32 s10, $0x4;
	[tilespmem:s9+$0x16580] =	vst v1;
	v1 =	vmul.f32 $8.000000000e+00, v4  }
0x99: {  	s6 =	sand.u32 $0x1FFFF800, s6;
	[tilespmem:s9+$0x16590] =	vst v0  }
0x9a: {  	s6 =	sadd.s32 s5, s6;
	[tilespmem:s9+$0x165A0] =	vst v1  }
0x9b: {  	[hbm4b:s6+s2] =	stream.linear.scatter [tilespmem:s24], [sflag:$0x5], $0x4000, $0x38;
	[tilespmem:$0x1E400] =	vst v63  }
0x9c: {  	s10 =	sadd.s32 $0x200, s31  }
0x9d: {  	[tilespmem:s18], [sflag:$0x2] =	stream.indirect.gather [hbm4b:s4+s16], $0x80, s10, s16, $0xb8;
	[tilespmem:$0x1E400] =	vst v63  }
0x9e: {  	_ =	swait.ge [sflag:s25], $0x4000  }
0x9f: {  	[sflag:s25] =	ssyncset.done $0x0  }
0xa0: {  	s6 =	simm.s32 @!p0 $0x6;
	[sflag:s25] =	ssyncadd.s32 $0xFFFFC000  }
0xa1: {  	_ =	swait.ge @!p0 [sflag:s6], $0x4000  }
0xa2: {  	[sflag:s6] =	ssyncset.done @!p0 $0x0  }
0xa3: {  	[sflag:s6] =	ssyncadd.s32 @!p0 $0xFFFFC000;
	s6 =	simm.s32 $0x0  }
0xa4: {  	v0 =	vld [tilespmem:s6+$0xE5B0]  }
0xa5: {  	v1 =	vld [tilespmem:s6+$0xE400]  }
0xa6: {  	v2 =	vld [tilespmem:s6+$0xE410]  }
0xa7: {  	v3 =	vld [tilespmem:s6+$0xE420]  }
0xa8: {  	v6 =	vld [tilespmem:s6+$0xE490]  }
0xa9: {  	v4 =	vld [tilespmem:s6+$0xE430];
	v0 =	vmul.f32 $8.000000000e+00, v0  }
0xaa: {  	v5 =	vld [tilespmem:s6+$0xE480];
	v1 =	vmul.f32 $8.000000000e+00, v1  }
0xab: {  	v7 =	vld [tilespmem:s6+$0xE4A0];
	[tilespmem:s6+$0x1A5B0] =	vst v0;
	v0 =	vmul.f32 $8.000000000e+00, v2  }
0xac: {  	v8 =	vld [tilespmem:s6+$0xE4B0];
	[tilespmem:s6+$0x1A400] =	vst v1;
	v1 =	vmul.f32 $8.000000000e+00, v3  }
0xad: {  	v2 =	vmul.f32 $8.000000000e+00, v6;
	[tilespmem:s6+$0x1A410] =	vst v0  }
0xae: {  	v9 =	vld [tilespmem:s6+$0xE500];
	v0 =	vmul.f32 $8.000000000e+00, v4;
	[tilespmem:s6+$0x1A420] =	vst v1  }
0xaf: {  	v4 =	vld [tilespmem:s6+$0xE510];
	v1 =	vmul.f32 $8.000000000e+00, v5;
	[tilespmem:s6+$0x1A490] =	vst v2  }
0xb0: {  	v3 =	vmul.f32 $8.000000000e+00, v7;
	[tilespmem:s6+$0x1A430] =	vst v0;
	v0 =	vld [tilespmem:s6+$0xE520]  }
0xb1: {  	v5 =	vmul.f32 $8.000000000e+00, v8;
	[tilespmem:s6+$0x1A480] =	vst v1;
	v1 =	vld [tilespmem:s6+$0xE530]  }
0xb2: {  	v2 =	vld [tilespmem:s6+$0xE580];
	[tilespmem:s6+$0x1A4A0] =	vst v3  }
0xb3: {  	v3 =	vld [tilespmem:s6+$0xE590];
	[tilespmem:s6+$0x1A4B0] =	vst v5;
	v5 =	vmul.f32 $8.000000000e+00, v9  }
0xb4: {  	s9 =	simm.s32 $0x200;
	s10 =	simm.s32 $0x1000;
	v6 =	vmul.f32 $8.000000000e+00, v4;
	v4 =	vld [tilespmem:s6+$0xE5A0]  }
.LBB2_7:
0xb5: {  	p0 =	sne.s32 s10, $0xF800;
	v7 =	vld [tilespmem:s9+$0xE5B0];
	[tilespmem:s6+$0x1A500] =	vst v5;
	v0 =	vmul.f32 $8.000000000e+00, v0  }
0xb6: {  	v5 =	vld [tilespmem:s9+$0xE400];
	[tilespmem:s6+$0x1A510] =	vst v6;
	v1 =	vmul.f32 $8.000000000e+00, v1  }
0xb7: {  	v6 =	vld [tilespmem:s9+$0xE410];
	[tilespmem:s6+$0x1A520] =	vst v0;
	v0 =	vmul.f32 $8.000000000e+00, v2  }
0xb8: {  	v2 =	vld [tilespmem:s9+$0xE420];
	[tilespmem:s6+$0x1A530] =	vst v1;
	v1 =	vmul.f32 $8.000000000e+00, v3  }
0xb9: {  	v3 =	vld [tilespmem:s9+$0xE430];
	[tilespmem:s6+$0x1A580] =	vst v0;
	v0 =	vmul.f32 $8.000000000e+00, v4  }
0xba: {  	v4 =	vld [tilespmem:s9+$0xE480];
	v7 =	vmul.f32 $8.000000000e+00, v7;
	[tilespmem:s6+$0x1A590] =	vst v1  }
0xbb: {  	v1 =	vmul.f32 $8.000000000e+00, v5;
	v5 =	vld [tilespmem:s9+$0xE490];
	[tilespmem:s6+$0x1A5A0] =	vst v0;
	s6 =	smov.u32 s9  }
0xbc: {  	v0 =	vmul.f32 $8.000000000e+00, v6;
	v6 =	vld [tilespmem:s6+$0xE4A0];
	[tilespmem:s6+$0x1A5B0] =	vst v7  }
0xbd: {  	[tilespmem:s6+$0x1A400] =	vst v1;
	v1 =	vmul.f32 $8.000000000e+00, v2;
	v2 =	vld [tilespmem:s6+$0xE4B0]  }
0xbe: {  	[tilespmem:s6+$0x1A410] =	vst v0;
	v0 =	vmul.f32 $8.000000000e+00, v3;
	v3 =	vld [tilespmem:s6+$0xE500]  }
0xbf: {  	[tilespmem:s6+$0x1A420] =	vst v1;
	v1 =	vmul.f32 $8.000000000e+00, v4;
	v4 =	vld [tilespmem:s6+$0xE510]  }
.Ltmp2:
0xc0: {  	[tilespmem:s6+$0x1A430] =	vst v0;
	v5 =	vmul.f32 $8.000000000e+00, v5;
	v0 =	vld [tilespmem:s6+$0xE520];
	(pc) =	sbr.rel @p0 .LBB2_7-.Ltmp2, $4  }
0xc1: {  	[tilespmem:s6+$0x1A480] =	vst v1;
	v6 =	vmul.f32 $8.000000000e+00, v6;
	v1 =	vld [tilespmem:s6+$0xE530]  }
0xc2: {  	[tilespmem:s6+$0x1A490] =	vst v5;
	v7 =	vmul.f32 $8.000000000e+00, v2;
	v2 =	vld [tilespmem:s6+$0xE580]  }
0xc3: {  	[tilespmem:s6+$0x1A4A0] =	vst v6;
	v5 =	vmul.f32 $8.000000000e+00, v3;
	v3 =	vld [tilespmem:s6+$0xE590]  }
0xc4: {  	s9 =	sshra.s32 s10, $0x2;
	s10 =	sadd.s32 $0x800, s10;
	[tilespmem:s6+$0x1A4B0] =	vst v7;
	v6 =	vmul.f32 $8.000000000e+00, v4;
	v4 =	vld [tilespmem:s6+$0xE5A0]  }
0xc5: {  	v7 =	vld [tilespmem:s9+$0xE5B0];
	[tilespmem:s6+$0x1A500] =	vst v5;
	v0 =	vmul.f32 $8.000000000e+00, v0  }
0xc6: {  	v5 =	vld [tilespmem:s9+$0xE400];
	[tilespmem:s6+$0x1A510] =	vst v6;
	v1 =	vmul.f32 $8.000000000e+00, v1  }
0xc7: {  	v6 =	vld [tilespmem:s9+$0xE410];
	[tilespmem:s6+$0x1A520] =	vst v0;
	v2 =	vmul.f32 $8.000000000e+00, v2  }
0xc8: {  	v0 =	vld [tilespmem:s9+$0xE420];
	[tilespmem:s6+$0x1A530] =	vst v1;
	v3 =	vmul.f32 $8.000000000e+00, v3  }
0xc9: {  	v1 =	vld [tilespmem:s9+$0xE430];
	[tilespmem:s6+$0x1A580] =	vst v2;
	v4 =	vmul.f32 $8.000000000e+00, v4  }
0xca: {  	v2 =	vld [tilespmem:s9+$0xE480];
	[tilespmem:s6+$0x1A590] =	vst v3;
	v7 =	vmul.f32 $8.000000000e+00, v7  }
0xcb: {  	v3 =	vld [tilespmem:s9+$0xE490];
	[tilespmem:s6+$0x1A5A0] =	vst v4;
	v50 =	vmul.f32 $8.000000000e+00, v5  }
0xcc: {  	v51 =	vld [tilespmem:s9+$0xE4A0];
	[tilespmem:s9+$0x1A5B0] =	vst v7;
	v6 =	vmul.f32 $8.000000000e+00, v6  }
0xcd: {  	v52 =	vld [tilespmem:s9+$0xE4B0];
	[tilespmem:s9+$0x1A400] =	vst v50;
	v0 =	vmul.f32 $8.000000000e+00, v0  }
0xce: {  	v53 =	vld [tilespmem:s9+$0xE500];
	[tilespmem:s9+$0x1A410] =	vst v6;
	v1 =	vmul.f32 $8.000000000e+00, v1  }
0xcf: {  	v54 =	vld [tilespmem:s9+$0xE510];
	[tilespmem:s9+$0x1A420] =	vst v0;
	v2 =	vmul.f32 $8.000000000e+00, v2  }
0xd0: {  	v55 =	vld [tilespmem:s9+$0xE520];
	[tilespmem:s9+$0x1A430] =	vst v1;
	v3 =	vmul.f32 $8.000000000e+00, v3  }
0xd1: {  	v56 =	vld [tilespmem:s9+$0xE530];
	[tilespmem:s9+$0x1A480] =	vst v2;
	v5 =	vmul.f32 $8.000000000e+00, v51  }
0xd2: {  	v57 =	vld [tilespmem:s9+$0xE580];
	v4 =	vmul.f32 $8.000000000e+00, v52;
	[tilespmem:s9+$0x1A490] =	vst v3  }
0xd3: {  	v58 =	vld [tilespmem:s9+$0xE590];
	v6 =	vmul.f32 $8.000000000e+00, v53;
	[tilespmem:s9+$0x1A4A0] =	vst v5  }
0xd4: {  	v59 =	vld [tilespmem:s9+$0xE5A0];
	v0 =	vmul.f32 $8.000000000e+00, v54;
	[tilespmem:s9+$0x1A4B0] =	vst v4  }
0xd5: {  	v1 =	vmul.f32 $8.000000000e+00, v55;
	[tilespmem:s9+$0x1A500] =	vst v6  }
0xd6: {  	v60 =	vmul.f32 $8.000000000e+00, v56;
	[tilespmem:s9+$0x1A510] =	vst v0  }
0xd7: {  	v61 =	vmul.f32 $8.000000000e+00, v57;
	[tilespmem:s9+$0x1A520] =	vst v1  }
0xd8: {  	s29 =	sadd.s32 s29, s8;
	s19 =	sadd.s32 $0x1, s19;
	v62 =	vmul.f32 $8.000000000e+00, v58;
	[tilespmem:s9+$0x1A530] =	vst v60  }
0xd9: {  	p0 =	sne.s32 s19, $0x41;
	s6 =	sshll.u32 s29, $0x4;
	v63 =	vmul.f32 $8.000000000e+00, v59;
	[tilespmem:s9+$0x1A580] =	vst v61  }
.Ltmp3:
0xda: {  	s6 =	sand.u32 $0x1FFFF800, s6;
	[tilespmem:s9+$0x1A590] =	vst v62;
	(pc) =	sbr.rel @p0 .LBB2_2-.Ltmp3, $4  }
0xdb: {  	s6 =	sadd.s32 s5, s6;
	[tilespmem:s9+$0x1A5A0] =	vst v63  }
0xdc: {  	[hbm4b:s6+s2] =	stream.linear.scatter [tilespmem:s26], [sflag:$0x6], $0x4000, $0x38;
	[tilespmem:$0x1E400] =	vst v63  }
0xdd: {  	s31 =	sadd.s32 $0x280, s31  }
0xde: {  	[tilespmem:s20], [sflag:$0x3] =	stream.indirect.gather [hbm4b:s4+s16], $0x80, s31, s16, $0xb8;
	[tilespmem:$0x1E400] =	vst v63  }
0xdf: {  	_ =	swait.ge [sflag:s21], $0x4000  }
0xe0: {  	[sflag:s21] =	ssyncset.done $0x0  }
0xe1: {  	[sflag:s21] =	ssyncadd.s32 $0xFFFFC000  }
0xe2: {  	_ =	swait.ge [sflag:s28], $0x4000  }
0xe3: {  	[sflag:s28] =	ssyncset.done $0x0  }
0xe4: {  	s6 =	simm.s32 $0x0;
	[sflag:s28] =	ssyncadd.s32 $0xFFFFC000  }
0xe5: {  	v0 =	vld [tilespmem:s6+$0x65B0]  }
0xe6: {  	v1 =	vld [tilespmem:s6+$0x6400]  }
0xe7: {  	v2 =	vld [tilespmem:s6+$0x6410]  }
0xe8: {  	v3 =	vld [tilespmem:s6+$0x6420]  }
0xe9: {  	v6 =	vld [tilespmem:s6+$0x6490]  }
0xea: {  	v4 =	vld [tilespmem:s6+$0x6430];
	v0 =	vmul.f32 $8.000000000e+00, v0  }
0xeb: {  	v5 =	vld [tilespmem:s6+$0x6480];
	v1 =	vmul.f32 $8.000000000e+00, v1  }
0xec: {  	v7 =	vld [tilespmem:s6+$0x64A0];
	[tilespmem:s6+$0x125B0] =	vst v0;
	v0 =	vmul.f32 $8.000000000e+00, v2  }
0xed: {  	v8 =	vld [tilespmem:s6+$0x64B0];
	[tilespmem:s6+$0x12400] =	vst v1;
	v1 =	vmul.f32 $8.000000000e+00, v3  }
0xee: {  	v2 =	vmul.f32 $8.000000000e+00, v6;
	[tilespmem:s6+$0x12410] =	vst v0  }
0xef: {  	v9 =	vld [tilespmem:s6+$0x6500];
	v0 =	vmul.f32 $8.000000000e+00, v4;
	[tilespmem:s6+$0x12420] =	vst v1  }
0xf0: {  	v4 =	vld [tilespmem:s6+$0x6510];
	v1 =	vmul.f32 $8.000000000e+00, v5;
	[tilespmem:s6+$0x12490] =	vst v2  }
0xf1: {  	v3 =	vmul.f32 $8.000000000e+00, v7;
	[tilespmem:s6+$0x12430] =	vst v0;
	v0 =	vld [tilespmem:s6+$0x6520]  }
0xf2: {  	v5 =	vmul.f32 $8.000000000e+00, v8;
	[tilespmem:s6+$0x12480] =	vst v1;
	v1 =	vld [tilespmem:s6+$0x6530]  }
0xf3: {  	v2 =	vld [tilespmem:s6+$0x6580];
	[tilespmem:s6+$0x124A0] =	vst v3  }
0xf4: {  	v3 =	vld [tilespmem:s6+$0x6590];
	[tilespmem:s6+$0x124B0] =	vst v5;
	v5 =	vmul.f32 $8.000000000e+00, v9  }
0xf5: {  	s9 =	simm.s32 $0x200;
	s10 =	simm.s32 $0x1000;
	v6 =	vmul.f32 $8.000000000e+00, v4;
	v4 =	vld [tilespmem:s6+$0x65A0]  }
.LBB2_10:
0xf6: {  	p0 =	sne.s32 s10, $0xF800;
	v7 =	vld [tilespmem:s9+$0x65B0];
	[tilespmem:s6+$0x12500] =	vst v5;
	v0 =	vmul.f32 $8.000000000e+00, v0  }
0xf7: {  	v5 =	vld [tilespmem:s9+$0x6400];
	[tilespmem:s6+$0x12510] =	vst v6;
	v1 =	vmul.f32 $8.000000000e+00, v1  }
0xf8: {  	v6 =	vld [tilespmem:s9+$0x6410];
	[tilespmem:s6+$0x12520] =	vst v0;
	v0 =	vmul.f32 $8.000000000e+00, v2  }
0xf9: {  	v2 =	vld [tilespmem:s9+$0x6420];
	[tilespmem:s6+$0x12530] =	vst v1;
	v1 =	vmul.f32 $8.000000000e+00, v3  }
0xfa: {  	v3 =	vld [tilespmem:s9+$0x6430];
	[tilespmem:s6+$0x12580] =	vst v0;
	v0 =	vmul.f32 $8.000000000e+00, v4  }
0xfb: {  	v4 =	vld [tilespmem:s9+$0x6480];
	v7 =	vmul.f32 $8.000000000e+00, v7;
	[tilespmem:s6+$0x12590] =	vst v1  }
0xfc: {  	v1 =	vmul.f32 $8.000000000e+00, v5;
	v5 =	vld [tilespmem:s9+$0x6490];
	[tilespmem:s6+$0x125A0] =	vst v0;
	s6 =	smov.u32 s9  }
0xfd: {  	v0 =	vmul.f32 $8.000000000e+00, v6;
	v6 =	vld [tilespmem:s6+$0x64A0];
	[tilespmem:s6+$0x125B0] =	vst v7  }
0xfe: {  	[tilespmem:s6+$0x12400] =	vst v1;
	v1 =	vmul.f32 $8.000000000e+00, v2;
	v2 =	vld [tilespmem:s6+$0x64B0]  }
0xff: {  	[tilespmem:s6+$0x12410] =	vst v0;
	v0 =	vmul.f32 $8.000000000e+00, v3;
	v3 =	vld [tilespmem:s6+$0x6500]  }
0x100: {  	[tilespmem:s6+$0x12420] =	vst v1;
	v1 =	vmul.f32 $8.000000000e+00, v4;
	v4 =	vld [tilespmem:s6+$0x6510]  }
.Ltmp4:
0x101: {  	[tilespmem:s6+$0x12430] =	vst v0;
	v5 =	vmul.f32 $8.000000000e+00, v5;
	v0 =	vld [tilespmem:s6+$0x6520];
	(pc) =	sbr.rel @p0 .LBB2_10-.Ltmp4, $4  }
0x102: {  	[tilespmem:s6+$0x12480] =	vst v1;
	v6 =	vmul.f32 $8.000000000e+00, v6;
	v1 =	vld [tilespmem:s6+$0x6530]  }
0x103: {  	[tilespmem:s6+$0x12490] =	vst v5;
	v7 =	vmul.f32 $8.000000000e+00, v2;
	v2 =	vld [tilespmem:s6+$0x6580]  }
0x104: {  	[tilespmem:s6+$0x124A0] =	vst v6;
	v5 =	vmul.f32 $8.000000000e+00, v3;
	v3 =	vld [tilespmem:s6+$0x6590]  }
0x105: {  	s9 =	sshra.s32 s10, $0x2;
	s10 =	sadd.s32 $0x800, s10;
	[tilespmem:s6+$0x124B0] =	vst v7;
	v6 =	vmul.f32 $8.000000000e+00, v4;
	v4 =	vld [tilespmem:s6+$0x65A0]  }
0x106: {  	v7 =	vld [tilespmem:s9+$0x65B0];
	[tilespmem:s6+$0x12500] =	vst v5;
	v0 =	vmul.f32 $8.000000000e+00, v0  }
0x107: {  	v5 =	vld [tilespmem:s9+$0x6400];
	[tilespmem:s6+$0x12510] =	vst v6;
	v1 =	vmul.f32 $8.000000000e+00, v1  }
0x108: {  	v6 =	vld [tilespmem:s9+$0x6410];
	[tilespmem:s6+$0x12520] =	vst v0;
	v2 =	vmul.f32 $8.000000000e+00, v2  }
0x109: {  	v0 =	vld [tilespmem:s9+$0x6420];
	[tilespmem:s6+$0x12530] =	vst v1;
	v3 =	vmul.f32 $8.000000000e+00, v3  }
0x10a: {  	v1 =	vld [tilespmem:s9+$0x6430];
	[tilespmem:s6+$0x12580] =	vst v2;
	v4 =	vmul.f32 $8.000000000e+00, v4  }
0x10b: {  	v2 =	vld [tilespmem:s9+$0x6480];
	[tilespmem:s6+$0x12590] =	vst v3;
	v7 =	vmul.f32 $8.000000000e+00, v7  }
0x10c: {  	v3 =	vld [tilespmem:s9+$0x6490];
	[tilespmem:s6+$0x125A0] =	vst v4;
	v4 =	vmul.f32 $8.000000000e+00, v5  }
0x10d: {  	v5 =	vld [tilespmem:s9+$0x64A0];
	[tilespmem:s9+$0x125B0] =	vst v7;
	v6 =	vmul.f32 $8.000000000e+00, v6  }
0x10e: {  	[tilespmem:s9+$0x12400] =	vst v4;
	v4 =	vld [tilespmem:s9+$0x64B0];
	v0 =	vmul.f32 $8.000000000e+00, v0  }
0x10f: {  	[tilespmem:s9+$0x12410] =	vst v6;
	v6 =	vld [tilespmem:s9+$0x6500];
	v1 =	vmul.f32 $8.000000000e+00, v1  }
0x110: {  	[tilespmem:s9+$0x12420] =	vst v0;
	v0 =	vld [tilespmem:s9+$0x6510];
	v2 =	vmul.f32 $8.000000000e+00, v2  }
0x111: {  	[tilespmem:s9+$0x12430] =	vst v1;
	v1 =	vld [tilespmem:s9+$0x6520];
	v3 =	vmul.f32 $8.000000000e+00, v3  }
0x112: {  	[tilespmem:s9+$0x12480] =	vst v2;
	v2 =	vld [tilespmem:s9+$0x6530];
	v5 =	vmul.f32 $8.000000000e+00, v5  }
0x113: {  	[tilespmem:s9+$0x12490] =	vst v3;
	v3 =	vld [tilespmem:s9+$0x6580];
	v4 =	vmul.f32 $8.000000000e+00, v4  }
0x114: {  	[tilespmem:s9+$0x124A0] =	vst v5;
	v5 =	vld [tilespmem:s9+$0x6590];
	v6 =	vmul.f32 $8.000000000e+00, v6  }
0x115: {  	[tilespmem:s9+$0x124B0] =	vst v4;
	v0 =	vmul.f32 $8.000000000e+00, v0;
	v4 =	vld [tilespmem:s9+$0x65A0]  }
0x116: {  	[tilespmem:s9+$0x12500] =	vst v6;
	v1 =	vmul.f32 $8.000000000e+00, v1  }
0x117: {  	[tilespmem:s9+$0x12510] =	vst v0;
	v0 =	vmul.f32 $8.000000000e+00, v2  }
0x118: {  	[tilespmem:s9+$0x12520] =	vst v1;
	v1 =	vmul.f32 $8.000000000e+00, v3  }
0x119: {  	[tilespmem:s9+$0x12530] =	vst v0;
	v0 =	vmul.f32 $8.000000000e+00, v5  }
0x11a: {  	[tilespmem:s9+$0x12580] =	vst v1;
	v1 =	vmul.f32 $8.000000000e+00, v4  }
0x11b: {  	[tilespmem:s9+$0x12590] =	vst v0  }
0x11c: {  	s19 =	simm.s32 $0x0;
	s29 =	rddreg [dreg:$0x4];
	[tilespmem:s9+$0x125A0] =	vst v1  }
0x11d: {  	[hbm4b:s29+s19] =	stream.linear.scatter [tilespmem:s22], [sflag:$0x4], $0x4000, $0x38;
	[tilespmem:$0x1E400] =	vst v63  }
0x11e: {  	s31 =	simm.s32 $0x6300  }
0x11f: {  	[tilespmem:s17], [sflag:$0x1] =	stream.indirect.gather [hbm4b:s4+s16], $0x80, s31, s16, $0xb8;
	[tilespmem:$0x1E400] =	vst v63  }
0x120: {  	_ =	swait.ge [sflag:s23], $0x4000  }
0x121: {  	[sflag:s23] =	ssyncset.done $0x0  }
0x122: {  	[sflag:s23] =	ssyncadd.s32 $0xFFFFC000  }
0x123: {  	_ =	swait.ge [sflag:s30], $0x4000  }
0x124: {  	[sflag:s30] =	ssyncset.done $0x0  }
0x125: {  	s6 =	simm.s32 $0x0;
	[sflag:s30] =	ssyncadd.s32 $0xFFFFC000  }
0x126: {  	v0 =	vld [tilespmem:s6+$0xA5B0]  }
0x127: {  	v1 =	vld [tilespmem:s6+$0xA400]  }
0x128: {  	v2 =	vld [tilespmem:s6+$0xA410]  }
0x129: {  	v3 =	vld [tilespmem:s6+$0xA420]  }
0x12a: {  	v6 =	vld [tilespmem:s6+$0xA490]  }
0x12b: {  	v4 =	vld [tilespmem:s6+$0xA430];
	v0 =	vmul.f32 $8.000000000e+00, v0  }
0x12c: {  	v5 =	vld [tilespmem:s6+$0xA480];
	v1 =	vmul.f32 $8.000000000e+00, v1  }
0x12d: {  	v7 =	vld [tilespmem:s6+$0xA4A0];
	[tilespmem:s6+$0x165B0] =	vst v0;
	v0 =	vmul.f32 $8.000000000e+00, v2  }
0x12e: {  	v8 =	vld [tilespmem:s6+$0xA4B0];
	[tilespmem:s6+$0x16400] =	vst v1;
	v1 =	vmul.f32 $8.000000000e+00, v3  }
0x12f: {  	v2 =	vmul.f32 $8.000000000e+00, v6;
	[tilespmem:s6+$0x16410] =	vst v0  }
0x130: {  	v9 =	vld [tilespmem:s6+$0xA500];
	v0 =	vmul.f32 $8.000000000e+00, v4;
	[tilespmem:s6+$0x16420] =	vst v1  }
0x131: {  	v4 =	vld [tilespmem:s6+$0xA510];
	v1 =	vmul.f32 $8.000000000e+00, v5;
	[tilespmem:s6+$0x16490] =	vst v2  }
0x132: {  	v3 =	vmul.f32 $8.000000000e+00, v7;
	[tilespmem:s6+$0x16430] =	vst v0;
	v0 =	vld [tilespmem:s6+$0xA520]  }
0x133: {  	v5 =	vmul.f32 $8.000000000e+00, v8;
	[tilespmem:s6+$0x16480] =	vst v1;
	v1 =	vld [tilespmem:s6+$0xA530]  }
0x134: {  	v2 =	vld [tilespmem:s6+$0xA580];
	[tilespmem:s6+$0x164A0] =	vst v3  }
0x135: {  	v3 =	vld [tilespmem:s6+$0xA590];
	[tilespmem:s6+$0x164B0] =	vst v5;
	v5 =	vmul.f32 $8.000000000e+00, v9  }
0x136: {  	s10 =	simm.s32 $0x1000;
	s9 =	simm.s32 $0x200;
	v6 =	vmul.f32 $8.000000000e+00, v4;
	v4 =	vld [tilespmem:s6+$0xA5A0]  }
.LBB2_12:
0x137: {  	p0 =	sne.s32 s10, $0xF800;
	v7 =	vld [tilespmem:s9+$0xA5B0];
	[tilespmem:s6+$0x16500] =	vst v5;
	v0 =	vmul.f32 $8.000000000e+00, v0  }
0x138: {  	v5 =	vld [tilespmem:s9+$0xA400];
	[tilespmem:s6+$0x16510] =	vst v6;
	v1 =	vmul.f32 $8.000000000e+00, v1  }
0x139: {  	v6 =	vld [tilespmem:s9+$0xA410];
	[tilespmem:s6+$0x16520] =	vst v0;
	v0 =	vmul.f32 $8.000000000e+00, v2  }
0x13a: {  	v2 =	vld [tilespmem:s9+$0xA420];
	[tilespmem:s6+$0x16530] =	vst v1;
	v1 =	vmul.f32 $8.000000000e+00, v3  }
0x13b: {  	v3 =	vld [tilespmem:s9+$0xA430];
	[tilespmem:s6+$0x16580] =	vst v0;
	v0 =	vmul.f32 $8.000000000e+00, v4  }
0x13c: {  	v4 =	vld [tilespmem:s9+$0xA480];
	v7 =	vmul.f32 $8.000000000e+00, v7;
	[tilespmem:s6+$0x16590] =	vst v1  }
0x13d: {  	v1 =	vmul.f32 $8.000000000e+00, v5;
	v5 =	vld [tilespmem:s9+$0xA490];
	[tilespmem:s6+$0x165A0] =	vst v0;
	s6 =	smov.u32 s9  }
0x13e: {  	v0 =	vmul.f32 $8.000000000e+00, v6;
	v6 =	vld [tilespmem:s6+$0xA4A0];
	[tilespmem:s6+$0x165B0] =	vst v7  }
0x13f: {  	[tilespmem:s6+$0x16400] =	vst v1;
	v1 =	vmul.f32 $8.000000000e+00, v2;
	v2 =	vld [tilespmem:s6+$0xA4B0]  }
0x140: {  	[tilespmem:s6+$0x16410] =	vst v0;
	v0 =	vmul.f32 $8.000000000e+00, v3;
	v3 =	vld [tilespmem:s6+$0xA500]  }
0x141: {  	[tilespmem:s6+$0x16420] =	vst v1;
	v1 =	vmul.f32 $8.000000000e+00, v4;
	v4 =	vld [tilespmem:s6+$0xA510]  }
.Ltmp5:
0x142: {  	[tilespmem:s6+$0x16430] =	vst v0;
	v5 =	vmul.f32 $8.000000000e+00, v5;
	v0 =	vld [tilespmem:s6+$0xA520];
	(pc) =	sbr.rel @p0 .LBB2_12-.Ltmp5, $4  }
0x143: {  	[tilespmem:s6+$0x16480] =	vst v1;
	v6 =	vmul.f32 $8.000000000e+00, v6;
	v1 =	vld [tilespmem:s6+$0xA530]  }
0x144: {  	[tilespmem:s6+$0x16490] =	vst v5;
	v7 =	vmul.f32 $8.000000000e+00, v2;
	v2 =	vld [tilespmem:s6+$0xA580]  }
0x145: {  	[tilespmem:s6+$0x164A0] =	vst v6;
	v5 =	vmul.f32 $8.000000000e+00, v3;
	v3 =	vld [tilespmem:s6+$0xA590]  }
0x146: {  	s9 =	sshra.s32 s10, $0x2;
	s10 =	sadd.s32 $0x800, s10;
	[tilespmem:s6+$0x164B0] =	vst v7;
	v6 =	vmul.f32 $8.000000000e+00, v4;
	v4 =	vld [tilespmem:s6+$0xA5A0]  }
0x147: {  	v7 =	vld [tilespmem:s9+$0xA5B0];
	[tilespmem:s6+$0x16500] =	vst v5;
	v0 =	vmul.f32 $8.000000000e+00, v0  }
0x148: {  	v5 =	vld [tilespmem:s9+$0xA400];
	[tilespmem:s6+$0x16510] =	vst v6;
	v1 =	vmul.f32 $8.000000000e+00, v1  }
0x149: {  	v6 =	vld [tilespmem:s9+$0xA410];
	[tilespmem:s6+$0x16520] =	vst v0;
	v2 =	vmul.f32 $8.000000000e+00, v2  }
0x14a: {  	v0 =	vld [tilespmem:s9+$0xA420];
	[tilespmem:s6+$0x16530] =	vst v1;
	v3 =	vmul.f32 $8.000000000e+00, v3  }
0x14b: {  	v1 =	vld [tilespmem:s9+$0xA430];
	[tilespmem:s6+$0x16580] =	vst v2;
	v4 =	vmul.f32 $8.000000000e+00, v4  }
0x14c: {  	v2 =	vld [tilespmem:s9+$0xA480];
	[tilespmem:s6+$0x16590] =	vst v3;
	v7 =	vmul.f32 $8.000000000e+00, v7  }
0x14d: {  	v3 =	vld [tilespmem:s9+$0xA490];
	[tilespmem:s6+$0x165A0] =	vst v4;
	v4 =	vmul.f32 $8.000000000e+00, v5  }
0x14e: {  	v5 =	vld [tilespmem:s9+$0xA4A0];
	[tilespmem:s9+$0x165B0] =	vst v7;
	v6 =	vmul.f32 $8.000000000e+00, v6  }
0x14f: {  	[tilespmem:s9+$0x16400] =	vst v4;
	v4 =	vld [tilespmem:s9+$0xA4B0];
	v0 =	vmul.f32 $8.000000000e+00, v0  }
0x150: {  	[tilespmem:s9+$0x16410] =	vst v6;
	v6 =	vld [tilespmem:s9+$0xA500];
	v1 =	vmul.f32 $8.000000000e+00, v1  }
0x151: {  	[tilespmem:s9+$0x16420] =	vst v0;
	v0 =	vld [tilespmem:s9+$0xA510];
	v2 =	vmul.f32 $8.000000000e+00, v2  }
0x152: {  	[tilespmem:s9+$0x16430] =	vst v1;
	v1 =	vld [tilespmem:s9+$0xA520];
	v3 =	vmul.f32 $8.000000000e+00, v3  }
0x153: {  	[tilespmem:s9+$0x16480] =	vst v2;
	v2 =	vld [tilespmem:s9+$0xA530];
	v5 =	vmul.f32 $8.000000000e+00, v5  }
0x154: {  	[tilespmem:s9+$0x16490] =	vst v3;
	v3 =	vld [tilespmem:s9+$0xA580];
	v4 =	vmul.f32 $8.000000000e+00, v4  }
0x155: {  	[tilespmem:s9+$0x164A0] =	vst v5;
	v5 =	vld [tilespmem:s9+$0xA590];
	v6 =	vmul.f32 $8.000000000e+00, v6  }
0x156: {  	[tilespmem:s9+$0x164B0] =	vst v4;
	v0 =	vmul.f32 $8.000000000e+00, v0;
	v4 =	vld [tilespmem:s9+$0xA5A0]  }
0x157: {  	[tilespmem:s9+$0x16500] =	vst v6;
	v1 =	vmul.f32 $8.000000000e+00, v1  }
0x158: {  	[tilespmem:s9+$0x16510] =	vst v0;
	v0 =	vmul.f32 $8.000000000e+00, v2  }
0x159: {  	[tilespmem:s9+$0x16520] =	vst v1;
	v1 =	vmul.f32 $8.000000000e+00, v3  }
0x15a: {  	[tilespmem:s9+$0x16530] =	vst v0;
	v0 =	vmul.f32 $8.000000000e+00, v5  }
0x15b: {  	[tilespmem:s9+$0x16580] =	vst v1;
	v1 =	vmul.f32 $8.000000000e+00, v4  }
0x15c: {  	[tilespmem:s9+$0x16590] =	vst v0  }
0x15d: {  	s19 =	simm.s32 $0x0;
	s29 =	rddreg [dreg:$0x5];
	[tilespmem:s9+$0x165A0] =	vst v1  }
0x15e: {  	[hbm4b:s29+s19] =	stream.linear.scatter [tilespmem:s24], [sflag:$0x5], $0x4000, $0x38;
	[tilespmem:$0x1E400] =	vst v63  }
0x15f: {  	s31 =	simm.s32 $0x6380  }
0x160: {  	[tilespmem:s18], [sflag:$0x2] =	stream.indirect.gather [hbm4b:s4+s16], $0x80, s31, s16, $0xb8;
	[tilespmem:$0x1E400] =	vst v63  }
0x161: {  	_ =	swait.ge [sflag:s25], $0x4000  }
0x162: {  	[sflag:s25] =	ssyncset.done $0x0  }
0x163: {  	[sflag:s25] =	ssyncadd.s32 $0xFFFFC000  }
0x164: {  	_ =	swait.ge [sflag:s0], $0x4000  }
0x165: {  	[sflag:s0] =	ssyncset.done $0x0  }
0x166: {  	s6 =	simm.s32 $0x0;
	[sflag:s0] =	ssyncadd.s32 $0xFFFFC000  }
0x167: {  	v0 =	vld [tilespmem:s6+$0xE5B0]  }
0x168: {  	v1 =	vld [tilespmem:s6+$0xE400]  }
0x169: {  	v2 =	vld [tilespmem:s6+$0xE410]  }
0x16a: {  	v3 =	vld [tilespmem:s6+$0xE420]  }
0x16b: {  	v6 =	vld [tilespmem:s6+$0xE490]  }
0x16c: {  	v4 =	vld [tilespmem:s6+$0xE430];
	v0 =	vmul.f32 $8.000000000e+00, v0  }
0x16d: {  	v5 =	vld [tilespmem:s6+$0xE480];
	v1 =	vmul.f32 $8.000000000e+00, v1  }
0x16e: {  	v7 =	vld [tilespmem:s6+$0xE4A0];
	[tilespmem:s6+$0x1A5B0] =	vst v0;
	v0 =	vmul.f32 $8.000000000e+00, v2  }
0x16f: {  	v8 =	vld [tilespmem:s6+$0xE4B0];
	[tilespmem:s6+$0x1A400] =	vst v1;
	v1 =	vmul.f32 $8.000000000e+00, v3  }
0x170: {  	v2 =	vmul.f32 $8.000000000e+00, v6;
	[tilespmem:s6+$0x1A410] =	vst v0  }
0x171: {  	v9 =	vld [tilespmem:s6+$0xE500];
	v0 =	vmul.f32 $8.000000000e+00, v4;
	[tilespmem:s6+$0x1A420] =	vst v1  }
0x172: {  	v4 =	vld [tilespmem:s6+$0xE510];
	v1 =	vmul.f32 $8.000000000e+00, v5;
	[tilespmem:s6+$0x1A490] =	vst v2  }
0x173: {  	v3 =	vmul.f32 $8.000000000e+00, v7;
	[tilespmem:s6+$0x1A430] =	vst v0;
	v0 =	vld [tilespmem:s6+$0xE520]  }
0x174: {  	v5 =	vmul.f32 $8.000000000e+00, v8;
	[tilespmem:s6+$0x1A480] =	vst v1;
	v1 =	vld [tilespmem:s6+$0xE530]  }
0x175: {  	v2 =	vld [tilespmem:s6+$0xE580];
	[tilespmem:s6+$0x1A4A0] =	vst v3  }
0x176: {  	v3 =	vld [tilespmem:s6+$0xE590];
	[tilespmem:s6+$0x1A4B0] =	vst v5;
	v5 =	vmul.f32 $8.000000000e+00, v9  }
0x177: {  	s10 =	simm.s32 $0x1000;
	s9 =	simm.s32 $0x200;
	v6 =	vmul.f32 $8.000000000e+00, v4;
	v4 =	vld [tilespmem:s6+$0xE5A0]  }
.LBB2_14:
0x178: {  	p0 =	sne.s32 s10, $0xF800;
	v7 =	vld [tilespmem:s9+$0xE5B0];
	[tilespmem:s6+$0x1A500] =	vst v5;
	v0 =	vmul.f32 $8.000000000e+00, v0  }
0x179: {  	v5 =	vld [tilespmem:s9+$0xE400];
	[tilespmem:s6+$0x1A510] =	vst v6;
	v1 =	vmul.f32 $8.000000000e+00, v1  }
0x17a: {  	v6 =	vld [tilespmem:s9+$0xE410];
	[tilespmem:s6+$0x1A520] =	vst v0;
	v0 =	vmul.f32 $8.000000000e+00, v2  }
0x17b: {  	v2 =	vld [tilespmem:s9+$0xE420];
	[tilespmem:s6+$0x1A530] =	vst v1;
	v1 =	vmul.f32 $8.000000000e+00, v3  }
0x17c: {  	v3 =	vld [tilespmem:s9+$0xE430];
	[tilespmem:s6+$0x1A580] =	vst v0;
	v0 =	vmul.f32 $8.000000000e+00, v4  }
0x17d: {  	v4 =	vld [tilespmem:s9+$0xE480];
	v7 =	vmul.f32 $8.000000000e+00, v7;
	[tilespmem:s6+$0x1A590] =	vst v1  }
0x17e: {  	v1 =	vmul.f32 $8.000000000e+00, v5;
	v5 =	vld [tilespmem:s9+$0xE490];
	[tilespmem:s6+$0x1A5A0] =	vst v0;
	s6 =	smov.u32 s9  }
0x17f: {  	v0 =	vmul.f32 $8.000000000e+00, v6;
	v6 =	vld [tilespmem:s6+$0xE4A0];
	[tilespmem:s6+$0x1A5B0] =	vst v7  }
0x180: {  	[tilespmem:s6+$0x1A400] =	vst v1;
	v1 =	vmul.f32 $8.000000000e+00, v2;
	v2 =	vld [tilespmem:s6+$0xE4B0]  }
0x181: {  	[tilespmem:s6+$0x1A410] =	vst v0;
	v0 =	vmul.f32 $8.000000000e+00, v3;
	v3 =	vld [tilespmem:s6+$0xE500]  }
0x182: {  	[tilespmem:s6+$0x1A420] =	vst v1;
	v1 =	vmul.f32 $8.000000000e+00, v4;
	v4 =	vld [tilespmem:s6+$0xE510]  }
.Ltmp6:
0x183: {  	[tilespmem:s6+$0x1A430] =	vst v0;
	v5 =	vmul.f32 $8.000000000e+00, v5;
	v0 =	vld [tilespmem:s6+$0xE520];
	(pc) =	sbr.rel @p0 .LBB2_14-.Ltmp6, $4  }
0x184: {  	[tilespmem:s6+$0x1A480] =	vst v1;
	v6 =	vmul.f32 $8.000000000e+00, v6;
	v1 =	vld [tilespmem:s6+$0xE530]  }
0x185: {  	[tilespmem:s6+$0x1A490] =	vst v5;
	v7 =	vmul.f32 $8.000000000e+00, v2;
	v2 =	vld [tilespmem:s6+$0xE580]  }
0x186: {  	[tilespmem:s6+$0x1A4A0] =	vst v6;
	v5 =	vmul.f32 $8.000000000e+00, v3;
	v3 =	vld [tilespmem:s6+$0xE590]  }
0x187: {  	s9 =	sshra.s32 s10, $0x2;
	s10 =	sadd.s32 $0x800, s10;
	[tilespmem:s6+$0x1A4B0] =	vst v7;
	v6 =	vmul.f32 $8.000000000e+00, v4;
	v4 =	vld [tilespmem:s6+$0xE5A0]  }
0x188: {  	v7 =	vld [tilespmem:s9+$0xE5B0];
	[tilespmem:s6+$0x1A500] =	vst v5;
	v0 =	vmul.f32 $8.000000000e+00, v0  }
0x189: {  	v5 =	vld [tilespmem:s9+$0xE400];
	[tilespmem:s6+$0x1A510] =	vst v6;
	v1 =	vmul.f32 $8.000000000e+00, v1  }
0x18a: {  	v6 =	vld [tilespmem:s9+$0xE410];
	[tilespmem:s6+$0x1A520] =	vst v0;
	v2 =	vmul.f32 $8.000000000e+00, v2  }
0x18b: {  	v0 =	vld [tilespmem:s9+$0xE420];
	[tilespmem:s6+$0x1A530] =	vst v1;
	v3 =	vmul.f32 $8.000000000e+00, v3  }
0x18c: {  	v1 =	vld [tilespmem:s9+$0xE430];
	[tilespmem:s6+$0x1A580] =	vst v2;
	v4 =	vmul.f32 $8.000000000e+00, v4  }
0x18d: {  	v2 =	vld [tilespmem:s9+$0xE480];
	[tilespmem:s6+$0x1A590] =	vst v3;
	v7 =	vmul.f32 $8.000000000e+00, v7  }
0x18e: {  	v3 =	vld [tilespmem:s9+$0xE490];
	[tilespmem:s6+$0x1A5A0] =	vst v4;
	v4 =	vmul.f32 $8.000000000e+00, v5  }
0x18f: {  	v5 =	vld [tilespmem:s9+$0xE4A0];
	[tilespmem:s9+$0x1A5B0] =	vst v7;
	v6 =	vmul.f32 $8.000000000e+00, v6  }
0x190: {  	[tilespmem:s9+$0x1A400] =	vst v4;
	v4 =	vld [tilespmem:s9+$0xE4B0];
	v0 =	vmul.f32 $8.000000000e+00, v0  }
0x191: {  	[tilespmem:s9+$0x1A410] =	vst v6;
	v6 =	vld [tilespmem:s9+$0xE500];
	v1 =	vmul.f32 $8.000000000e+00, v1  }
0x192: {  	[tilespmem:s9+$0x1A420] =	vst v0;
	v0 =	vld [tilespmem:s9+$0xE510];
	v2 =	vmul.f32 $8.000000000e+00, v2  }
0x193: {  	[tilespmem:s9+$0x1A430] =	vst v1;
	v1 =	vld [tilespmem:s9+$0xE520];
	v3 =	vmul.f32 $8.000000000e+00, v3  }
0x194: {  	[tilespmem:s9+$0x1A480] =	vst v2;
	v2 =	vld [tilespmem:s9+$0xE530];
	v5 =	vmul.f32 $8.000000000e+00, v5  }
0x195: {  	[tilespmem:s9+$0x1A490] =	vst v3;
	v3 =	vld [tilespmem:s9+$0xE580];
	v4 =	vmul.f32 $8.000000000e+00, v4  }
0x196: {  	[tilespmem:s9+$0x1A4A0] =	vst v5;
	v5 =	vld [tilespmem:s9+$0xE590];
	v6 =	vmul.f32 $8.000000000e+00, v6  }
0x197: {  	[tilespmem:s9+$0x1A4B0] =	vst v4;
	v0 =	vmul.f32 $8.000000000e+00, v0;
	v4 =	vld [tilespmem:s9+$0xE5A0]  }
0x198: {  	[tilespmem:s9+$0x1A500] =	vst v6;
	v1 =	vmul.f32 $8.000000000e+00, v1  }
0x199: {  	[tilespmem:s9+$0x1A510] =	vst v0;
	v0 =	vmul.f32 $8.000000000e+00, v2  }
0x19a: {  	[tilespmem:s9+$0x1A520] =	vst v1;
	v1 =	vmul.f32 $8.000000000e+00, v3  }
0x19b: {  	[tilespmem:s9+$0x1A530] =	vst v0;
	v0 =	vmul.f32 $8.000000000e+00, v5  }
0x19c: {  	[tilespmem:s9+$0x1A580] =	vst v1;
	v1 =	vmul.f32 $8.000000000e+00, v4  }
0x19d: {  	[tilespmem:s9+$0x1A590] =	vst v0  }
0x19e: {  	s31 =	simm.s32 $0x0;
	[tilespmem:s9+$0x1A5A0] =	vst v1  }
0x19f: {  	[hbm4b:s11+s31] =	stream.linear.scatter [tilespmem:s26], [sflag:$0x6], $0x4000, $0x38;
	[tilespmem:$0x1E400] =	vst v63  }
0x1a0: {  	_ =	swait.ge [sflag:s21], $0x4000  }
0x1a1: {  	[sflag:s21] =	ssyncset.done $0x0  }
0x1a2: {  	[sflag:s21] =	ssyncadd.s32 $0xFFFFC000  }
0x1a3: {  	_ =	swait.ge [sflag:s28], $0x4000  }
0x1a4: {  	[sflag:s28] =	ssyncset.done $0x0  }
0x1a5: {  	s6 =	simm.s32 $0x0;
	[sflag:s28] =	ssyncadd.s32 $0xFFFFC000  }
0x1a6: {  	v0 =	vld [tilespmem:s6+$0x65B0]  }
0x1a7: {  	v1 =	vld [tilespmem:s6+$0x6400]  }
0x1a8: {  	v2 =	vld [tilespmem:s6+$0x6410]  }
0x1a9: {  	v3 =	vld [tilespmem:s6+$0x6420]  }
0x1aa: {  	v6 =	vld [tilespmem:s6+$0x6490]  }
0x1ab: {  	v4 =	vld [tilespmem:s6+$0x6430];
	v0 =	vmul.f32 $8.000000000e+00, v0  }
0x1ac: {  	v5 =	vld [tilespmem:s6+$0x6480];
	v1 =	vmul.f32 $8.000000000e+00, v1  }
0x1ad: {  	v7 =	vld [tilespmem:s6+$0x64A0];
	[tilespmem:s6+$0x125B0] =	vst v0;
	v0 =	vmul.f32 $8.000000000e+00, v2  }
0x1ae: {  	v8 =	vld [tilespmem:s6+$0x64B0];
	[tilespmem:s6+$0x12400] =	vst v1;
	v1 =	vmul.f32 $8.000000000e+00, v3  }
0x1af: {  	v2 =	vmul.f32 $8.000000000e+00, v6;
	[tilespmem:s6+$0x12410] =	vst v0  }
0x1b0: {  	v9 =	vld [tilespmem:s6+$0x6500];
	v0 =	vmul.f32 $8.000000000e+00, v4;
	[tilespmem:s6+$0x12420] =	vst v1  }
0x1b1: {  	v4 =	vld [tilespmem:s6+$0x6510];
	v1 =	vmul.f32 $8.000000000e+00, v5;
	[tilespmem:s6+$0x12490] =	vst v2  }
0x1b2: {  	v3 =	vmul.f32 $8.000000000e+00, v7;
	[tilespmem:s6+$0x12430] =	vst v0;
	v0 =	vld [tilespmem:s6+$0x6520]  }
0x1b3: {  	v5 =	vmul.f32 $8.000000000e+00, v8;
	[tilespmem:s6+$0x12480] =	vst v1;
	v1 =	vld [tilespmem:s6+$0x6530]  }
0x1b4: {  	v2 =	vld [tilespmem:s6+$0x6580];
	[tilespmem:s6+$0x124A0] =	vst v3  }
0x1b5: {  	v3 =	vld [tilespmem:s6+$0x6590];
	[tilespmem:s6+$0x124B0] =	vst v5;
	v5 =	vmul.f32 $8.000000000e+00, v9  }
0x1b6: {  	s10 =	simm.s32 $0x1000;
	s9 =	simm.s32 $0x200;
	v6 =	vmul.f32 $8.000000000e+00, v4;
	v4 =	vld [tilespmem:s6+$0x65A0]  }
.LBB2_16:
0x1b7: {  	p0 =	sne.s32 s10, $0xF800;
	v7 =	vld [tilespmem:s9+$0x65B0];
	[tilespmem:s6+$0x12500] =	vst v5;
	v0 =	vmul.f32 $8.000000000e+00, v0  }
0x1b8: {  	v5 =	vld [tilespmem:s9+$0x6400];
	[tilespmem:s6+$0x12510] =	vst v6;
	v1 =	vmul.f32 $8.000000000e+00, v1  }
0x1b9: {  	v6 =	vld [tilespmem:s9+$0x6410];
	[tilespmem:s6+$0x12520] =	vst v0;
	v0 =	vmul.f32 $8.000000000e+00, v2  }
0x1ba: {  	v2 =	vld [tilespmem:s9+$0x6420];
	[tilespmem:s6+$0x12530] =	vst v1;
	v1 =	vmul.f32 $8.000000000e+00, v3  }
0x1bb: {  	v3 =	vld [tilespmem:s9+$0x6430];
	[tilespmem:s6+$0x12580] =	vst v0;
	v0 =	vmul.f32 $8.000000000e+00, v4  }
0x1bc: {  	v4 =	vld [tilespmem:s9+$0x6480];
	v7 =	vmul.f32 $8.000000000e+00, v7;
	[tilespmem:s6+$0x12590] =	vst v1  }
0x1bd: {  	v1 =	vmul.f32 $8.000000000e+00, v5;
	v5 =	vld [tilespmem:s9+$0x6490];
	[tilespmem:s6+$0x125A0] =	vst v0;
	s6 =	smov.u32 s9  }
0x1be: {  	v0 =	vmul.f32 $8.000000000e+00, v6;
	v6 =	vld [tilespmem:s6+$0x64A0];
	[tilespmem:s6+$0x125B0] =	vst v7  }
0x1bf: {  	[tilespmem:s6+$0x12400] =	vst v1;
	v1 =	vmul.f32 $8.000000000e+00, v2;
	v2 =	vld [tilespmem:s6+$0x64B0]  }
0x1c0: {  	[tilespmem:s6+$0x12410] =	vst v0;
	v0 =	vmul.f32 $8.000000000e+00, v3;
	v3 =	vld [tilespmem:s6+$0x6500]  }
0x1c1: {  	[tilespmem:s6+$0x12420] =	vst v1;
	v1 =	vmul.f32 $8.000000000e+00, v4;
	v4 =	vld [tilespmem:s6+$0x6510]  }
.Ltmp7:
0x1c2: {  	[tilespmem:s6+$0x12430] =	vst v0;
	v5 =	vmul.f32 $8.000000000e+00, v5;
	v0 =	vld [tilespmem:s6+$0x6520];
	(pc) =	sbr.rel @p0 .LBB2_16-.Ltmp7, $4  }
0x1c3: {  	[tilespmem:s6+$0x12480] =	vst v1;
	v6 =	vmul.f32 $8.000000000e+00, v6;
	v1 =	vld [tilespmem:s6+$0x6530]  }
0x1c4: {  	[tilespmem:s6+$0x12490] =	vst v5;
	v7 =	vmul.f32 $8.000000000e+00, v2;
	v2 =	vld [tilespmem:s6+$0x6580]  }
0x1c5: {  	[tilespmem:s6+$0x124A0] =	vst v6;
	v5 =	vmul.f32 $8.000000000e+00, v3;
	v3 =	vld [tilespmem:s6+$0x6590]  }
0x1c6: {  	s9 =	sshra.s32 s10, $0x2;
	s10 =	sadd.s32 $0x800, s10;
	[tilespmem:s6+$0x124B0] =	vst v7;
	v6 =	vmul.f32 $8.000000000e+00, v4;
	v4 =	vld [tilespmem:s6+$0x65A0]  }
0x1c7: {  	v7 =	vld [tilespmem:s9+$0x65B0];
	[tilespmem:s6+$0x12500] =	vst v5;
	v0 =	vmul.f32 $8.000000000e+00, v0  }
0x1c8: {  	v5 =	vld [tilespmem:s9+$0x6400];
	[tilespmem:s6+$0x12510] =	vst v6;
	v1 =	vmul.f32 $8.000000000e+00, v1  }
0x1c9: {  	v6 =	vld [tilespmem:s9+$0x6410];
	[tilespmem:s6+$0x12520] =	vst v0;
	v2 =	vmul.f32 $8.000000000e+00, v2  }
0x1ca: {  	v0 =	vld [tilespmem:s9+$0x6420];
	[tilespmem:s6+$0x12530] =	vst v1;
	v3 =	vmul.f32 $8.000000000e+00, v3  }
0x1cb: {  	v1 =	vld [tilespmem:s9+$0x6430];
	[tilespmem:s6+$0x12580] =	vst v2;
	v4 =	vmul.f32 $8.000000000e+00, v4  }
0x1cc: {  	v2 =	vld [tilespmem:s9+$0x6480];
	[tilespmem:s6+$0x12590] =	vst v3;
	v7 =	vmul.f32 $8.000000000e+00, v7  }
0x1cd: {  	v3 =	vld [tilespmem:s9+$0x6490];
	[tilespmem:s6+$0x125A0] =	vst v4;
	v4 =	vmul.f32 $8.000000000e+00, v5  }
0x1ce: {  	v5 =	vld [tilespmem:s9+$0x64A0];
	[tilespmem:s9+$0x125B0] =	vst v7;
	v6 =	vmul.f32 $8.000000000e+00, v6  }
0x1cf: {  	[tilespmem:s9+$0x12400] =	vst v4;
	v4 =	vld [tilespmem:s9+$0x64B0];
	v0 =	vmul.f32 $8.000000000e+00, v0  }
0x1d0: {  	[tilespmem:s9+$0x12410] =	vst v6;
	v6 =	vld [tilespmem:s9+$0x6500];
	v1 =	vmul.f32 $8.000000000e+00, v1  }
0x1d1: {  	[tilespmem:s9+$0x12420] =	vst v0;
	v0 =	vld [tilespmem:s9+$0x6510];
	v2 =	vmul.f32 $8.000000000e+00, v2  }
0x1d2: {  	[tilespmem:s9+$0x12430] =	vst v1;
	v1 =	vld [tilespmem:s9+$0x6520];
	v3 =	vmul.f32 $8.000000000e+00, v3  }
0x1d3: {  	[tilespmem:s9+$0x12480] =	vst v2;
	v2 =	vld [tilespmem:s9+$0x6530];
	v5 =	vmul.f32 $8.000000000e+00, v5  }
0x1d4: {  	[tilespmem:s9+$0x12490] =	vst v3;
	v3 =	vld [tilespmem:s9+$0x6580];
	v4 =	vmul.f32 $8.000000000e+00, v4  }
0x1d5: {  	[tilespmem:s9+$0x124A0] =	vst v5;
	v5 =	vld [tilespmem:s9+$0x6590];
	v6 =	vmul.f32 $8.000000000e+00, v6  }
0x1d6: {  	[tilespmem:s9+$0x124B0] =	vst v4;
	v0 =	vmul.f32 $8.000000000e+00, v0;
	v4 =	vld [tilespmem:s9+$0x65A0]  }
0x1d7: {  	[tilespmem:s9+$0x12500] =	vst v6;
	v1 =	vmul.f32 $8.000000000e+00, v1  }
0x1d8: {  	[tilespmem:s9+$0x12510] =	vst v0;
	v0 =	vmul.f32 $8.000000000e+00, v2  }
0x1d9: {  	[tilespmem:s9+$0x12520] =	vst v1;
	v1 =	vmul.f32 $8.000000000e+00, v3  }
0x1da: {  	[tilespmem:s9+$0x12530] =	vst v0;
	v0 =	vmul.f32 $8.000000000e+00, v5  }
0x1db: {  	[tilespmem:s9+$0x12580] =	vst v1;
	v1 =	vmul.f32 $8.000000000e+00, v4  }
0x1dc: {  	[tilespmem:s9+$0x12590] =	vst v0  }
0x1dd: {  	s31 =	simm.s32 $0x0;
	[tilespmem:s9+$0x125A0] =	vst v1  }
0x1de: {  	[hbm4b:s12+s31] =	stream.linear.scatter [tilespmem:s22], [sflag:$0x4], $0x4000, $0x38;
	[tilespmem:$0x1E400] =	vst v63  }
0x1df: {  	_ =	swait.ge [sflag:s23], $0x4000  }
0x1e0: {  	[sflag:s23] =	ssyncset.done $0x0  }
0x1e1: {  	[sflag:s23] =	ssyncadd.s32 $0xFFFFC000  }
0x1e2: {  	_ =	swait.ge [sflag:s30], $0x4000  }
0x1e3: {  	[sflag:s30] =	ssyncset.done $0x0  }
0x1e4: {  	s6 =	simm.s32 $0x0;
	[sflag:s30] =	ssyncadd.s32 $0xFFFFC000  }
0x1e5: {  	v0 =	vld [tilespmem:s6+$0xA5B0]  }
0x1e6: {  	v1 =	vld [tilespmem:s6+$0xA400]  }
0x1e7: {  	v2 =	vld [tilespmem:s6+$0xA410]  }
0x1e8: {  	v3 =	vld [tilespmem:s6+$0xA420]  }
0x1e9: {  	v6 =	vld [tilespmem:s6+$0xA490]  }
0x1ea: {  	v4 =	vld [tilespmem:s6+$0xA430];
	v0 =	vmul.f32 $8.000000000e+00, v0  }
0x1eb: {  	v5 =	vld [tilespmem:s6+$0xA480];
	v1 =	vmul.f32 $8.000000000e+00, v1  }
0x1ec: {  	v7 =	vld [tilespmem:s6+$0xA4A0];
	[tilespmem:s6+$0x165B0] =	vst v0;
	v0 =	vmul.f32 $8.000000000e+00, v2  }
0x1ed: {  	v8 =	vld [tilespmem:s6+$0xA4B0];
	[tilespmem:s6+$0x16400] =	vst v1;
	v1 =	vmul.f32 $8.000000000e+00, v3  }
0x1ee: {  	v2 =	vmul.f32 $8.000000000e+00, v6;
	[tilespmem:s6+$0x16410] =	vst v0  }
0x1ef: {  	v9 =	vld [tilespmem:s6+$0xA500];
	v0 =	vmul.f32 $8.000000000e+00, v4;
	[tilespmem:s6+$0x16420] =	vst v1  }
0x1f0: {  	v4 =	vld [tilespmem:s6+$0xA510];
	v1 =	vmul.f32 $8.000000000e+00, v5;
	[tilespmem:s6+$0x16490] =	vst v2  }
0x1f1: {  	v3 =	vmul.f32 $8.000000000e+00, v7;
	[tilespmem:s6+$0x16430] =	vst v0;
	v0 =	vld [tilespmem:s6+$0xA520]  }
0x1f2: {  	v5 =	vmul.f32 $8.000000000e+00, v8;
	[tilespmem:s6+$0x16480] =	vst v1;
	v1 =	vld [tilespmem:s6+$0xA530]  }
0x1f3: {  	v2 =	vld [tilespmem:s6+$0xA580];
	[tilespmem:s6+$0x164A0] =	vst v3  }
0x1f4: {  	v3 =	vld [tilespmem:s6+$0xA590];
	[tilespmem:s6+$0x164B0] =	vst v5;
	v5 =	vmul.f32 $8.000000000e+00, v9  }
0x1f5: {  	s10 =	simm.s32 $0x1000;
	s9 =	simm.s32 $0x200;
	v6 =	vmul.f32 $8.000000000e+00, v4;
	v4 =	vld [tilespmem:s6+$0xA5A0]  }
.LBB2_18:
0x1f6: {  	p0 =	sne.s32 s10, $0xF800;
	v7 =	vld [tilespmem:s9+$0xA5B0];
	[tilespmem:s6+$0x16500] =	vst v5;
	v0 =	vmul.f32 $8.000000000e+00, v0  }
0x1f7: {  	v5 =	vld [tilespmem:s9+$0xA400];
	[tilespmem:s6+$0x16510] =	vst v6;
	v1 =	vmul.f32 $8.000000000e+00, v1  }
0x1f8: {  	v6 =	vld [tilespmem:s9+$0xA410];
	[tilespmem:s6+$0x16520] =	vst v0;
	v0 =	vmul.f32 $8.000000000e+00, v2  }
0x1f9: {  	v2 =	vld [tilespmem:s9+$0xA420];
	[tilespmem:s6+$0x16530] =	vst v1;
	v1 =	vmul.f32 $8.000000000e+00, v3  }
0x1fa: {  	v3 =	vld [tilespmem:s9+$0xA430];
	[tilespmem:s6+$0x16580] =	vst v0;
	v0 =	vmul.f32 $8.000000000e+00, v4  }
0x1fb: {  	v4 =	vld [tilespmem:s9+$0xA480];
	v7 =	vmul.f32 $8.000000000e+00, v7;
	[tilespmem:s6+$0x16590] =	vst v1  }
0x1fc: {  	v1 =	vmul.f32 $8.000000000e+00, v5;
	v5 =	vld [tilespmem:s9+$0xA490];
	[tilespmem:s6+$0x165A0] =	vst v0;
	s6 =	smov.u32 s9  }
0x1fd: {  	v0 =	vmul.f32 $8.000000000e+00, v6;
	v6 =	vld [tilespmem:s6+$0xA4A0];
	[tilespmem:s6+$0x165B0] =	vst v7  }
0x1fe: {  	[tilespmem:s6+$0x16400] =	vst v1;
	v1 =	vmul.f32 $8.000000000e+00, v2;
	v2 =	vld [tilespmem:s6+$0xA4B0]  }
0x1ff: {  	[tilespmem:s6+$0x16410] =	vst v0;
	v0 =	vmul.f32 $8.000000000e+00, v3;
	v3 =	vld [tilespmem:s6+$0xA500]  }
0x200: {  	[tilespmem:s6+$0x16420] =	vst v1;
	v1 =	vmul.f32 $8.000000000e+00, v4;
	v4 =	vld [tilespmem:s6+$0xA510]  }
.Ltmp8:
0x201: {  	[tilespmem:s6+$0x16430] =	vst v0;
	v5 =	vmul.f32 $8.000000000e+00, v5;
	v0 =	vld [tilespmem:s6+$0xA520];
	(pc) =	sbr.rel @p0 .LBB2_18-.Ltmp8, $4  }
0x202: {  	[tilespmem:s6+$0x16480] =	vst v1;
	v6 =	vmul.f32 $8.000000000e+00, v6;
	v1 =	vld [tilespmem:s6+$0xA530]  }
0x203: {  	[tilespmem:s6+$0x16490] =	vst v5;
	v7 =	vmul.f32 $8.000000000e+00, v2;
	v2 =	vld [tilespmem:s6+$0xA580]  }
0x204: {  	[tilespmem:s6+$0x164A0] =	vst v6;
	v5 =	vmul.f32 $8.000000000e+00, v3;
	v3 =	vld [tilespmem:s6+$0xA590]  }
0x205: {  	s9 =	sshra.s32 s10, $0x2;
	s10 =	sadd.s32 $0x800, s10;
	[tilespmem:s6+$0x164B0] =	vst v7;
	v6 =	vmul.f32 $8.000000000e+00, v4;
	v4 =	vld [tilespmem:s6+$0xA5A0]  }
0x206: {  	v7 =	vld [tilespmem:s9+$0xA5B0];
	[tilespmem:s6+$0x16500] =	vst v5;
	v0 =	vmul.f32 $8.000000000e+00, v0  }
0x207: {  	v5 =	vld [tilespmem:s9+$0xA400];
	[tilespmem:s6+$0x16510] =	vst v6;
	v1 =	vmul.f32 $8.000000000e+00, v1  }
0x208: {  	v6 =	vld [tilespmem:s9+$0xA410];
	[tilespmem:s6+$0x16520] =	vst v0;
	v2 =	vmul.f32 $8.000000000e+00, v2  }
0x209: {  	v0 =	vld [tilespmem:s9+$0xA420];
	[tilespmem:s6+$0x16530] =	vst v1;
	v3 =	vmul.f32 $8.000000000e+00, v3  }
0x20a: {  	v1 =	vld [tilespmem:s9+$0xA430];
	[tilespmem:s6+$0x16580] =	vst v2;
	v4 =	vmul.f32 $8.000000000e+00, v4  }
0x20b: {  	v2 =	vld [tilespmem:s9+$0xA480];
	[tilespmem:s6+$0x16590] =	vst v3;
	v7 =	vmul.f32 $8.000000000e+00, v7  }
0x20c: {  	v3 =	vld [tilespmem:s9+$0xA490];
	[tilespmem:s6+$0x165A0] =	vst v4;
	v50 =	vmul.f32 $8.000000000e+00, v5  }
0x20d: {  	v51 =	vld [tilespmem:s9+$0xA4A0];
	[tilespmem:s9+$0x165B0] =	vst v7;
	v6 =	vmul.f32 $8.000000000e+00, v6  }
0x20e: {  	v52 =	vld [tilespmem:s9+$0xA4B0];
	[tilespmem:s9+$0x16400] =	vst v50;
	v0 =	vmul.f32 $8.000000000e+00, v0  }
0x20f: {  	v53 =	vld [tilespmem:s9+$0xA500];
	[tilespmem:s9+$0x16410] =	vst v6;
	v1 =	vmul.f32 $8.000000000e+00, v1  }
0x210: {  	v54 =	vld [tilespmem:s9+$0xA510];
	[tilespmem:s9+$0x16420] =	vst v0;
	v2 =	vmul.f32 $8.000000000e+00, v2  }
0x211: {  	v55 =	vld [tilespmem:s9+$0xA520];
	[tilespmem:s9+$0x16430] =	vst v1;
	v3 =	vmul.f32 $8.000000000e+00, v3  }
0x212: {  	v56 =	vld [tilespmem:s9+$0xA530];
	[tilespmem:s9+$0x16480] =	vst v2;
	v5 =	vmul.f32 $8.000000000e+00, v51  }
0x213: {  	v57 =	vld [tilespmem:s9+$0xA580];
	v4 =	vmul.f32 $8.000000000e+00, v52;
	[tilespmem:s9+$0x16490] =	vst v3  }
0x214: {  	v58 =	vld [tilespmem:s9+$0xA590];
	v6 =	vmul.f32 $8.000000000e+00, v53;
	[tilespmem:s9+$0x164A0] =	vst v5  }
0x215: {  	v59 =	vld [tilespmem:s9+$0xA5A0];
	v0 =	vmul.f32 $8.000000000e+00, v54;
	[tilespmem:s9+$0x164B0] =	vst v4  }
0x216: {  	v1 =	vmul.f32 $8.000000000e+00, v55;
	[tilespmem:s9+$0x16500] =	vst v6  }
0x217: {  	v60 =	vmul.f32 $8.000000000e+00, v56;
	[tilespmem:s9+$0x16510] =	vst v0  }
0x218: {  	v61 =	vmul.f32 $8.000000000e+00, v57;
	[tilespmem:s9+$0x16520] =	vst v1  }
0x219: {  	v62 =	vmul.f32 $8.000000000e+00, v58;
	[tilespmem:s9+$0x16530] =	vst v60  }
0x21a: {  	v63 =	vmul.f32 $8.000000000e+00, v59;
	[tilespmem:s9+$0x16580] =	vst v61  }
0x21b: {  	[tilespmem:s9+$0x16590] =	vst v62  }
0x21c: {  	[tilespmem:s9+$0x165A0] =	vst v63  }
0x21d: {  	[hbm4b:s13+s2] =	stream.linear.scatter [tilespmem:s24], [sflag:$0x5], $0x4000, $0x38;
	[tilespmem:$0x1E400] =	vst v63  }
0x21e: {  	_ =	swait.ge [sflag:s0], $0x4000  }
0x21f: {  	[sflag:s0] =	ssyncset.done $0x0  }
0x220: {  	s1 =	sadd.s32 $0x1, s1;
	[sflag:s0] =	ssyncadd.s32 $0xFFFFC000  }
0x221: {  	p0 =	sne.s32 s1, s14;
	_ =	swait.ge [sflag:s28], $0x4000  }
.Ltmp9:
0x222: {  	[sflag:s28] =	ssyncset.done $0x0;
	(pc) =	sbr.rel @p0 .LBB2_1-.Ltmp9, $4  }
0x223: {  	[sflag:s28] =	ssyncadd.s32 $0xFFFFC000  }
0x224: {  	_ =	swait.ge [sflag:s30], $0x4000  }
0x225: {  	[sflag:s30] =	ssyncset.done $0x0  }
0x226: {  	[sflag:s30] =	ssyncadd.s32 $0xFFFFC000  }
0x227: {  	_ =	sfence.sel $0x180000  }
0x228: {  	[bflag:$0x0] =	sbarrier.arrive $0xFFFF  }
0x229: {  	_ =	strace $0x90000047  }
0x22a: {  	s0 =	stileid.u32;
	[bflag:$0x2] =	sbarrier.arrive $0xFFFF  }
0x22b: {  	p0 =	sne.s32 s0, $0x0;
	s0 =	rddreg [dreg:$0x2]  }
0x22c: {  	s0 =	sadd.s32 @!p0 $0x100000, s0  }
0x22d: {  	[sflag:s0] =	ssyncadd.tile.s32 @!p0 $0x1;
	_ =	shalt  }
.Lfunc_end2:
_tile_overlayer_lowered:
.L_overlay_start_2:
0x22e: {  	(tag) =	ssettag $0x2  }
0x22f: {  	s0 =	rddreg [dreg:$0x0];
	s2 =	stileid.u32  }
0x230: {  	s1 =	rddreg [dreg:$0x1];
	p0 =	sne.s32 s2, $0x0  }
0x231: {  	s3 =	rddreg [dreg:$0x2];
	[bflag:$0x3] =	sbarrier.arrive $0xFFFF;
	s2 =	simm.s32 @!p0 $0x1C07  }
0x232: {  	[timem:s3], [sflag:s2] =	dma.local @!p0 [hbm:s0], s1  }
0x233: {  	s0 =	simm.s32 @!p0 $0x7  }
0x234: {  	_ =	swait.ge @!p0 [sflag:s0], s1  }
0x235: {  	s1 =	ssub.s32 @!p0 $0x0, s1;
	[sflag:s0] =	ssyncset.done @!p0 $0x0  }
0x236: {  	[sflag:s0] =	ssyncadd.s32 @!p0 s1  }
0x237: {  	[bflag:$0x3] =	sbarrier.arrive $0xFFFF  }
0x238: {  	_ =	shalt  }

// kernel: sparse-core-data-format-call.cloned.1.call-start
scs
called_computation_lowered:
.L_overlay_start_0:
0x0: {  	s2 =	sld [smem:$0x3FD9]  }
0x1: {  	s3 =	sld [smem:$0x3FFE];
	_ =	sdelay $0x1  }
0x2: {  	s1 =	srdreg.scid  }
0x3: {  	s0 =	sand.u32 $0x1, s1  }
0x4: {  	s18 =	sshll.u32 s0, $0xA;
	s2 =	sadd.s32 s3, s2  }
0x5: {  	s2 =	sadd.s32 s2, s18  }
0x6: {  	[smem:$0x3FC6] =	sst s2  }
0x7: {  	_ = 	snop  }
0x8: {  	s2 =	sld [smem:$0x3FD0];
	(tm) =	ssettm $0x1  }
0x9: {  	s19 =	sld [smem:$0x3FFB];
	_ =	sdelay $0x3  }
0xa: {  	_ =	strace s19  }
0xb: {  	s3 =	sld [smem:$0x3FFC];
	_ =	sdelay $0x3  }
0xc: {  	_ =	strace s3  }
0xd: {  	s3 =	sld [smem:$0x3FFD];
	_ =	sdelay $0x3  }
0xe: {  	_ =	strace s3  }
0xf: {  	_ =	strace $0x8FFFFFFF  }
0x10: {  	s20 =	sld [smem:$0x3FDB];
	_ =	sdelay $0x1  }
0x11: {  	s4 =	simm.s32 $_scs_section_size  }
0x12: {  	s5 =	simm.s32 $_size__tile_overlayer_lowered;
	s6 =	simm.s32 $_tile_overlayer_lowered  }
0x13: {  	s23 =	simm.s32 $0x1BFF;
	s22 =	sshll.u32 s6, $0x1;
	s3 =	sadd.s32 s4, s20  }
0x14: {  	s7 =	simm.s32 $0x0;
	s21 =	sshll.u32 s5, $0x1;
	s5 =	sadd.s32 s22, s3  }
0x15: {  	[timem:s7], [sflag:s23] =	dma.local [hbm:s5], s21  }
0x16: {  	_ =	swait.ge [sflag:s23], s21  }
0x17: {  	s4 =	ssub.s32 $0x0, s21;
	[sflag:s23] =	ssyncset.done $0x0  }
0x18: {  	[sflag:s23] =	ssyncadd.s32 s4;
	_ =	sdelay $0x1  }
0x19: {  	s24 =	simm.s32 $0x1B8B  }
0x1a: {  	_ =	swait.ge [sflag:s24], $0x1  }
0x1b: {  	[sflag:s24] =	ssyncset.done $0x0  }
0x1c: {  	s26 =	simm.s32 $0x1B8E;
	s25 =	sld [smem:$0x3FFE];
	[sflag:s24] =	ssyncadd.s32 $0xFFFFFFFF  }
0x1d: {  	s27 =	simm.s32 $execute0_lowered;
	[smem:$0x3FD2] =	sst s26  }
0x1e: {  	s5 =	sshll.u32 s27, $0x1;
	_ =	strace $0x80000049;
	[dreg:$0x1] =	wrdreg $0xFFFFFFFF  }
0x1f: {  	s28 =	simm.s32 $_size_execute0_lowered;
	s3 =	sadd.s32 s3, s5;
	[dreg:$0x0] =	wrdreg $0x0  }
0x20: {  	s5 =	sshll.u32 s28, $0x1;
	[dreg:$0x2] =	wrdreg s3  }
0x21: {  	[dreg:$0x3] =	wrdreg s5  }
0x22: {  	[dreg:$0x4] =	wrdreg $0xC0  }
0x23: {  	_ =	task [dreg:s7], $0x5FFFF  }
0x24: {  	[dreg:$0x1] =	wrdreg $0xFFFFFFFF  }
0x25: {  	[dreg:$0x0] =	wrdreg $0x60  }
0x26: {  	[dreg:$0x2] =	wrdreg s25  }
0x27: {  	[dreg:$0x3] =	wrdreg s2  }
0x28: {  	[dreg:$0x4] =	wrdreg $0x9  }
0x29: {  	_ =	task.clear_ibuf [dreg:s7], $0x5FFFF;
	_ =	strace $0x90000049  }
0x2a: {  	s29 =	simm.s32 $0x9;
	_ =	strace $0x8000004B  }
0x2b: {  	_ =	swait.ge [sflag:s29], $0x1  }
0x2c: {  	[sflag:s29] =	ssyncadd.s32 $0xFFFFFFFF  }
0x2d: {  	_ =	strace $0x9000004B  }
0x2e: {  	_ =	sfence  }
0x2f: {  	s30 =	sld [smem:$0x0];
	_ =	sdelay $0x2  }
0x30: {  	s31 =	sshll.u32 s1, $0xD;
	s1 =	sshrl.u32 s1, $0x2  }
0x31: {  	s3 =	sand.u32 $0x4000, s31;
	s1 =	sadd.s32 s1, s30  }
0x32: {  	s0 =	sor.u32 s3, s0;
	s1 =	sshll.u32 s1, $0x11  }
0x33: {  	s0 =	sor.u32 s1, s0  }
0x34: {  	s0 =	sadd.s32 $0x8F2B, s0  }
0x35: {  	[sflag:s0] =	ssyncadd.remote.s32 $0x1  }
0x36: {  	_ =	sfence.sel $0xFFFF  }
0x37: {  	[dreg:$0x0] =	wrdreg $0xFFFFFFFF;
	(pc) =	sbr.abs _section_cstart, $3  }
0x38: {  	[dreg:$0x1] =	wrdreg $0xFFFFFFFF  }
0x39: {  	_ =	task.clear_ibuf [dreg:s7], $0x2FFFF;
	_ =	strace $0x9FFFFFFF  }
0x3a: {  	(tm) =	ssettm $0x7FFFFFFF  }
0x3b: {  	_ =	shalt  }
tec
execute0_lowered:
.L_overlay_start_1:
0x0: {  	(tag) =	ssettag $0x1  }
0x1: {  	s0 =	srdreg.scid  }
0x2: {  	s1 =	sshll.u32 s0, $0x4  }
0x3: {  	s0 =	stileid.u32;
	s1 =	sand.u32 $0x10, s1  }
0x4: {  	s1 =	sor.u32 s0, s1  }
0x5: {  	s6 =	rddreg [dreg:$0x0];
	s4 =	simm.s32 $0x1;
	s2 =	sshll.u32 s1, $0x7  }
0x6: {  	s7 =	simm.s32 $0x2;
	s12 =	simm.s32 $0x0;
	s1 =	ssub.s32 $0x1000, s2  }
0x7: {  	s8 =	simm.s32 $0x8000;
	s13 =	simm.s32 $0x0;
	s3 =	sand.u32 $0xF80, s1  }
0x8: {  	s9 =	simm.s32 $0x0;
	s5 =	sshrl.u32 s1, $0xC;
	p0 =	sne.s32 s3, $0x0  }
.Ltmp0:
0x9: {  	s1 =	rddreg [dreg:$0x2];
	s4 =	simm.s32 @!p0 $0x0;
	(pc) =	sbr.rel .LBB1_1-.Ltmp0, $4  }
0xa: {  	s11 =	simm.s32 $0x0;
	s3 =	rddreg [dreg:$0x1];
	s5 =	sadd.s32 s4, s5  }
0xb: {  	_ =	strace $0x8000004A;
	s4 =	simm.s32 $0x1;
	s5 =	smul.u32 $0xC8, s5  }
0xc: {  	s6 =	sadd.s32 $0xA00, s6;
	s10 =	smov.u32 s2;
	[sflag:s4] =	ssyncpa.u1 $0x0  }
0xd: {  	p0 =	por $0x0, $0x0;
	[sflag:s7] =	ssyncpa.u1 $0x0;
	s7 =	sor.u32 $0x1, s5  }
.LBB1_4:
0xe: {  	s16 =	sshll.u32 s13, $0x3;
	s17 =	sand.u32 $0x78, s13  }
0xf: {  	s30 =	sand.u32 $0x7E00, s13;
	s12 =	sshll.u32 s12, $0xF;
	s16 =	sand.u32 $0xC00, s16  }
0x10: {  	[tilespmem:s15+$0x810 ss:$0x81] =	vst.msk $0xffff, v2;
	s31 =	sand.u32 $0x7, s13;
	s16 =	sor.u32 s17, s16;
	s17 =	sadd.s32 s3, s30  }
0x11: {  	[tilespmem:s15+$0x1020 ss:$0x81] =	vst.msk $0xffff, v0;
	s13 =	sshll.u32 s31, $0x12;
	s12 =	sadd.s32 s12, s17;
	s16 =	sshrl.u32 s16, $0x3  }
0x12: {  	[tilespmem:s15+$0x0 ss:$0x81] =	vst.msk $0xffff, v1;
	s13 =	sor.u32 $0x400, s13;
	s12 =	sadd.s32 s16, s12  }
0x13: {  	[hbm4b:s12+s13] =	stream.strided.scatter [tilespmem:s14], [sflag:$0x2], $0x2000, s8, s13, $0x20;
	[tilespmem:$0x8080] =	vst v63  }
.LBB1_5:
0x14: {  	s14 =	sadd.s32 $0x1, s9  }
0x15: {  	s12 =	sadd.s32 $0x1000, s10;
	s16 =	smov.u32 s10;
	p2 =	sgt.s32 s14, $0xC7  }
0x16: {  	s16 =	smov.u32 @p2 s12  }
0x17: {  	s14 =	simm.s32 @p2 $0x0;
	p2 =	sgt.s32 s16, $0xFFF  }
0x18: {  	s16 =	smov.u32 @p2 s2;
	p2 =	sne.s32 s11, s7  }
.Ltmp1:
0x19: {  	p1 =	slt.u32 s11, $0x2;
	(pc) =	sbr.rel @!p2 .LBB1_6-.Ltmp1, $4  }
0x1a: {  	s15 =	simm.s32 @!p1 $0x2  }
0x1b: {  	s13 =	smov.u32 s10;
	p0 =	por !p0, !p0;
	_ =	swait.ge @!p1 [sflag:s15], $0x2000  }
0x1c: {  	s12 =	smov.u32 s9;
	[sflag:s15] =	ssyncset.done @!p1 $0x0;
	s9 =	smov.u32 s14  }
0x1d: {  	s11 =	sadd.s32 $0x1, s11;
	[sflag:s15] =	ssyncadd.s32 @!p1 $0xFFFFE000;
	s10 =	smov.u32 s16  }
.LBB1_1:
0x1e: {  	p1 =	sge.u32 s11, s5  }
0x1f: {  	s14 =	sand.u32 @!p1 $0x1FFFFFF, s9  }
0x20: {  	s15 =	smulhi.u32 @!p1 $0x147AE15, s14;
	_ =	sdelay $0x1  }
0x21: {  	s15 =	smul.u32 @!p1 $0xC8, s15  }
0x22: {  	s16 =	sxor.u32 @!p1 $0xFFFFFFFF, s11;
	s17 =	smul.u32 @!p1 $0xC80, s10  }
0x23: {  	s31 =	sadd.s32 $0xFFFFFFFF, s11;
	s16 =	sshll.u32 @!p1 s16, $0xD;
	s14 =	ssub.s32 @!p1 s14, s15  }
0x24: {  	s15 =	sand.u32 @!p1 $0x2000, s16;
	s16 =	sadd.s32 @!p1 s6, s17;
	s14 =	sshll.u32 @!p1 s14, $0x4  }
0x25: {  	s17 =	simm.s32 @!p1 $0x6400;
	s14 =	sadd.s32 @!p1 s14, s16;
	s16 =	simm.s32 @!p1 $0x40  }
0x26: {  	[tilespmem:s15], [sflag:$0x1] =	stream.strided.gather @!p1 [hbm4b:s14+s16], $0x2000, s17, s16, $0x38;
	[tilespmem:$0x8080] =	vst v63  }
0x27: {  	p1 =	sge.u32 s31, s5  }
.Ltmp2:
0x28: {  	_ = 	snop;
	(pc) =	sbr.rel @p1 .LBB1_5-.Ltmp2, $1  }
0x29: {  	_ =	sdelay $0x3  }
0x2a: {  	s14 =	simm.s32 $0x1  }
0x2b: {  	_ =	swait.ge [sflag:s4], $0x2000;
	s14 =	simm.s32 @!p0 $0x0  }
0x2c: {  	[sflag:s4] =	ssyncset.done $0x0;
	s15 =	sshll.u32 s14, $0xD  }
0x2d: {  	[sflag:s4] =	ssyncadd.s32 $0xFFFFE000;
	s18 =	sor.u32 $0x20, s15  }
0x2e: {  	s14 =	smul.u32 $0x8100, s14;
	v3 =	vld [tilespmem:s18+$0x10]  }
0x2f: {  	s30 =	sand.u32 $0x1, s11;
	v2 =	vld [tilespmem:s18+$0xFFFFFFF0]  }
0x30: {  	s15 =	smul.u32 $0x8100, s30;
	s14 =	sshrl.u32 s14, $0x2;
	v0 =	vld [tilespmem:s18+$0x0]  }
0x31: {  	v1 =	vld [tilespmem:s18+$0xFFFFFFE0];
	s16 =	sor.u32 $0x4000, s14  }
0x32: {  	s31 =	sshrl.u32 s15, $0x2;
	s15 =	sadd.s32 $0x0, s16  }
0x33: {  	s17 =	simm.s32 $0x4;
	s18 =	sadd.s32 $0x40, s18;
	s14 =	sor.u32 $0x4000, s31;
	[tilespmem:s15+$0x1830 ss:$0x81] =	vst.msk $0xffff, v3  }
.LBB1_3:
0x34: {  	v3 =	vld [tilespmem:s18+$0x10];
	p1 =	sne.s32 s17, $0x1FC;
	[tilespmem:s15+$0x810 ss:$0x81] =	vst.msk $0xffff, v2;
	s19 =	smov.u32 s17;
	s17 =	sadd.s32 $0x4, s17  }
.Ltmp3:
0x35: {  	v2 =	vld [tilespmem:s18+$0xFFFFFFF0];
	[tilespmem:s15+$0x1020 ss:$0x81] =	vst.msk $0xffff, v0;
	(pc) =	sbr.rel @p1 .LBB1_3-.Ltmp3, $4  }
0x36: {  	v0 =	vld [tilespmem:s18+$0x0];
	[tilespmem:s15+$0x0 ss:$0x81] =	vst.msk $0xffff, v1  }
0x37: {  	s15 =	sshra.s32 s19, $0x2;
	v1 =	vld [tilespmem:s18+$0xFFFFFFE0]  }
0x38: {  	s15 =	sadd.s32 s15, s16  }
0x39: {  	s18 =	sadd.s32 $0x40, s18;
	[tilespmem:s15+$0x1830 ss:$0x81] =	vst.msk $0xffff, v3  }
.Ltmp4:
0x3a: {  	_ = 	snop;
	(pc) =	sbr.rel .LBB1_4-.Ltmp4, $1  }
0x3b: {  	_ =	sdelay $0x3  }
.LBB1_6:
0x3c: {  	_ =	sfence.sel $0x180000  }
0x3d: {  	s2 =	simm.s32 $0x1;
	[bflag:$0x0] =	sbarrier.arrive $0xFFFF  }
0x3e: {  	s31 =	simm.s32 $0x2;
	[sflag:s2] =	ssyncpa.u1 $0x1  }
0x3f: {  	[sflag:s31] =	ssyncpa.u1 $0x1  }
0x40: {  	p0 =	sne.s32 s0, $0x0;
	_ =	strace $0x9000004A  }
0x41: {  	s0 =	sadd.s32 @!p0 $0x100000, s1;
	[bflag:$0x2] =	sbarrier.arrive $0xFFFF  }
0x42: {  	[sflag:s0] =	ssyncadd.tile.s32 @!p0 $0x1;
	_ =	shalt  }
.Lfunc_end1:
_tile_overlayer_lowered:
.L_overlay_start_2:
0x43: {  	(tag) =	ssettag $0x2  }
0x44: {  	s0 =	rddreg [dreg:$0x0];
	s2 =	stileid.u32  }
0x45: {  	s1 =	rddreg [dreg:$0x1];
	p0 =	sne.s32 s2, $0x0  }
0x46: {  	s3 =	rddreg [dreg:$0x2];
	[bflag:$0x3] =	sbarrier.arrive $0xFFFF;
	s2 =	simm.s32 @!p0 $0x1C01  }
0x47: {  	[timem:s3], [sflag:s2] =	dma.local @!p0 [hbm:s0], s1  }
0x48: {  	s0 =	simm.s32 @!p0 $0x1  }
0x49: {  	_ =	swait.ge @!p0 [sflag:s0], s1  }
0x4a: {  	s1 =	ssub.s32 @!p0 $0x0, s1;
	[sflag:s0] =	ssyncset.done @!p0 $0x0  }
0x4b: {  	[sflag:s0] =	ssyncadd.s32 @!p0 s1  }
0x4c: {  	[bflag:$0x3] =	sbarrier.arrive $0xFFFF  }
0x4d: {  	_ =	shalt  }

</sc_bundles>
